<compile_context>
chip_gen: v7x
topology: tpu7x:2x2x1
jax: 0.10.2.dev20260603
libtpu: 0.0.44.dev20260713+nightly
codegen_flags: <defaults>
</compile_context>

<pallas_src>
import functools

import jax
import jax.numpy as jnp
from jax.experimental import pallas as pl
from jax.experimental.pallas import tpu as pltpu
from jax.experimental.pallas import tpu_sc as plsc

F = 128
NT = 3
NSTEP = 3
N_NODES = 10000
N_EDGES = 320000
NPAD = 10240

NC = 2
NS = 16
NW = NC * NS
EPT = N_EDGES // NW
K = 80
NCHUNK = EPT // K
ROWS_PER_TILE = NPAD // NS
BN = 1024
GRID = NPAD // BN


EROWS = 2560
EB = EROWS // GRID


def _pre_body(h_ref, we_ref, be_ref, s_ref, e_ref, d_ref, hcat_ref, p_ref):
    x = h_ref[...]
    for i in range(NT):
        hcat_ref[i] = jax.lax.dot_general(
            x, we_ref[i], (((1,), (1,)), ((), ())),
            preferred_element_type=jnp.float32) + be_ref[i]
    p_ref[...] = (s_ref[...] + e_ref[...] * NPAD) + d_ref[...] * 65536


_pre_call = pl.pallas_call(
    _pre_body,
    grid=(GRID,),
    in_specs=[
        pl.BlockSpec((BN, F), lambda i: (i, 0)),
        pl.BlockSpec((NT, F, F), lambda i: (0, 0, 0)),
        pl.BlockSpec((NT, 1, F), lambda i: (0, 0, 0)),
        pl.BlockSpec((EB, F), lambda i: (i, 0)),
        pl.BlockSpec((EB, F), lambda i: (i, 0)),
        pl.BlockSpec((EB, F), lambda i: (i, 0)),
    ],
    out_specs=[
        pl.BlockSpec((NT, BN, F), lambda i: (0, i, 0)),
        pl.BlockSpec((EB, F), lambda i: (i, 0)),
    ],
    out_shape=[
        jax.ShapeDtypeStruct((NT, NPAD, F), jnp.float32),
        jax.ShapeDtypeStruct((EROWS, F), jnp.int32),
    ],
)


def _gru_math(ap_ref, h_ref, wih_ref, bih_ref, whh_ref, bhh_ref):
    a = ap_ref[0] + ap_ref[1]
    h = h_ref[...]
    gi = jax.lax.dot_general(
        a, wih_ref[...], (((1,), (1,)), ((), ())),
        preferred_element_type=jnp.float32) + bih_ref[...]
    gh = jax.lax.dot_general(
        h, whh_ref[...], (((1,), (1,)), ((), ())),
        preferred_element_type=jnp.float32) + bhh_ref[...]
    r = jax.nn.sigmoid(gi[:, :F] + gh[:, :F])
    z = jax.nn.sigmoid(gi[:, F:2 * F] + gh[:, F:2 * F])
    n = jnp.tanh(gi[:, 2 * F:] + r * gh[:, 2 * F:])
    return (1.0 - z) * n + z * h


def _gru_pre_body(ap_ref, h_ref, wih_ref, bih_ref, we_ref, be_ref,
                  whh_ref, bhh_ref, hnew_ref, hcat_ref):
    hn = _gru_math(ap_ref, h_ref, wih_ref, bih_ref, whh_ref, bhh_ref)
    hnew_ref[...] = hn
    for i in range(NT):
        hcat_ref[i] = jax.lax.dot_general(
            hn, we_ref[i], (((1,), (1,)), ((), ())),
            preferred_element_type=jnp.float32) + be_ref[i]


_gru_pre_call = pl.pallas_call(
    _gru_pre_body,
    grid=(GRID,),
    in_specs=[
        pl.BlockSpec((NC, BN, F), lambda i: (0, i, 0)),
        pl.BlockSpec((BN, F), lambda i: (i, 0)),
        pl.BlockSpec((3 * F, F), lambda i: (0, 0)),
        pl.BlockSpec((1, 3 * F), lambda i: (0, 0)),
        pl.BlockSpec((NT, F, F), lambda i: (0, 0, 0)),
        pl.BlockSpec((NT, 1, F), lambda i: (0, 0, 0)),
        pl.BlockSpec((3 * F, F), lambda i: (0, 0)),
        pl.BlockSpec((1, 3 * F), lambda i: (0, 0)),
    ],
    out_specs=[
        pl.BlockSpec((BN, F), lambda i: (i, 0)),
        pl.BlockSpec((NT, BN, F), lambda i: (0, i, 0)),
    ],
    out_shape=[
        jax.ShapeDtypeStruct((NPAD, F), jnp.float32),
        jax.ShapeDtypeStruct((NT, NPAD, F), jnp.float32),
    ],
)


def _gru_head_body(ap_ref, h_ref, wih_ref, bih_ref, whh_ref, bhh_ref,
                   f_ref, w_ref, b_ref, o_ref):
    hn = _gru_math(ap_ref, h_ref, wih_ref, bih_ref, whh_ref, bhh_ref)
    hf = jnp.concatenate([hn, f_ref[...]], axis=1)
    o_ref[...] = jax.nn.sigmoid(
        jax.lax.dot_general(hf, w_ref[...], (((1,), (1,)), ((), ())),
                            preferred_element_type=jnp.float32) + b_ref[0, 0])


_gru_head_call = pl.pallas_call(
    _gru_head_body,
    grid=(GRID,),
    in_specs=[
        pl.BlockSpec((NC, BN, F), lambda i: (0, i, 0)),
        pl.BlockSpec((BN, F), lambda i: (i, 0)),
        pl.BlockSpec((3 * F, F), lambda i: (0, 0)),
        pl.BlockSpec((1, 3 * F), lambda i: (0, 0)),
        pl.BlockSpec((3 * F, F), lambda i: (0, 0)),
        pl.BlockSpec((1, 3 * F), lambda i: (0, 0)),
        pl.BlockSpec((BN, F), lambda i: (i, 0)),
        pl.BlockSpec((8, 2 * F), lambda i: (0, 0)),
        pl.BlockSpec((1, 1), lambda i: (0, 0)),
    ],
    out_specs=pl.BlockSpec((BN, 8), lambda i: (i, 0)),
    out_shape=jax.ShapeDtypeStruct((NPAD, 8), jnp.float32),
)


def _sc_agg_body(hcat, packed, out, pk2, rows0, rows1, ci0, ci1, ds0, ds1,
                 acc, sem0, sem1, ses0, ses1):
    cid = jax.lax.axis_index("c")
    sid = jax.lax.axis_index("s")
    wid = cid * NS + sid

    ldp = pltpu.async_copy(packed.at[wid], pk2, sem0)

    zero16 = jnp.zeros((16,), jnp.float32)

    def _zr(i, carry):
        rows0[i // (F // 16), pl.ds((i % (F // 16)) * 16, 16)] = zero16
        return carry

    jax.lax.fori_loop(0, K * (F // 16), _zr, 0)

    def _zacc(kk, carry):
        pltpu.sync_copy(rows0, acc.at[pl.ds(sid * ROWS_PER_TILE + kk * K, K)])
        return carry

    jax.lax.fori_loop(0, ROWS_PER_TILE // K, _zacc, 0)
    ldp.wait()

    cbufs = ((ci0, ds0), (ci1, ds1))

    def _unpack(j, b):
        for q in range(K // 16):
            sl = pl.ds(q * 16, 16)
            p = pk2[j, sl]
            cbufs[b][0][sl] = jnp.bitwise_and(p, 65535)
            cbufs[b][1][sl] = jax.lax.shift_right_logical(p, 16)

    _unpack(0, 0)
    pltpu.async_copy(hcat.at[ci0], rows0, sem0)
    plsc.subcore_barrier()

    bufs = ((rows0, sem0, ses0), (rows1, sem1, ses1))

    def _step(j, b):
        rows, semg, sems = bufs[b]
        nrows, nsemg, nsems = bufs[1 - b]

        @pl.when(jnp.logical_and(j + 1 < NCHUNK, j >= 1))
        def _():
            pltpu.make_async_copy(nrows, acc.at[cbufs[1 - b][1]], nsems).wait()

        @pl.when(j + 1 < NCHUNK)
        def _():
            _unpack(j + 1, 1 - b)
            pltpu.async_copy(hcat.at[cbufs[1 - b][0]], nrows, nsemg)

        pltpu.make_async_copy(hcat.at[cbufs[b][0]], rows, semg).wait()
        pltpu.async_copy(rows, acc.at[cbufs[b][1]], sems, add=True)

    def _pair(jj, carry):
        for b in range(2):
            _step(jj * 2 + b, b)
        return carry

    jax.lax.fori_loop(0, NCHUNK // 2, _pair, 0)
    if NCHUNK % 2:
        _step(NCHUNK - 1, 0)
    pltpu.make_async_copy(rows1, acc.at[ds1], ses1).wait()
    pltpu.make_async_copy(rows0, acc.at[ds0], ses0).wait()

    plsc.subcore_barrier()

    r0 = sid * ROWS_PER_TILE
    pltpu.sync_copy(acc.at[pl.ds(r0, ROWS_PER_TILE)],
                    out.at[cid, pl.ds(r0, ROWS_PER_TILE)])


@functools.cache
def _sc_agg_call():
    return pl.kernel(
        _sc_agg_body,
        out_type=jax.ShapeDtypeStruct((NC, NPAD, F), jnp.float32),
        mesh=plsc.VectorSubcoreMesh(core_axis_name="c", subcore_axis_name="s",
                                    num_cores=NC, num_subcores=NS),
        scratch_types=[
            pltpu.VMEM((NCHUNK, K), jnp.int32),
            pltpu.VMEM((K, F), jnp.float32),
            pltpu.VMEM((K, F), jnp.float32),
            pltpu.VMEM((K,), jnp.int32),
            pltpu.VMEM((K,), jnp.int32),
            pltpu.VMEM((K,), jnp.int32),
            pltpu.VMEM((K,), jnp.int32),
            pltpu.VMEM_SHARED((NPAD, F), jnp.float32),
            pltpu.SemaphoreType.DMA,
            pltpu.SemaphoreType.DMA,
            pltpu.SemaphoreType.DMA,
            pltpu.SemaphoreType.DMA,
        ],
    )


def kernel(feat, edge_index, etypes, W_e, b_e, W_ih, W_hh, b_ih, b_hh,
           out_W, out_b):
    src = edge_index[0]
    dst = edge_index[1]
    be3 = b_e.reshape(NT, 1, F)
    bhh2 = b_hh.reshape(1, 3 * F)
    bih2 = b_ih.reshape(1, 3 * F)
    ob2 = out_b.reshape(1, 1)
    fpad = jnp.pad(feat, ((0, NPAD - N_NODES), (0, 0)))
    epad = EROWS * F - N_EDGES
    spad = jnp.pad(src, (0, epad)).reshape(EROWS, F)
    tpad = jnp.pad(etypes, (0, epad)).reshape(EROWS, F)
    dpad = jnp.pad(dst, (0, epad)).reshape(EROWS, F)

    h = fpad
    hcat, packed = _pre_call(h, W_e, be3, spad, tpad, dpad)
    packed = packed.reshape(-1)[:N_EDGES].reshape(NW, NCHUNK, K)
    for _ in range(NSTEP - 1):
        apart = _sc_agg_call()(hcat.reshape(NT * NPAD, F), packed)
        h, hcat = _gru_pre_call(apart, h, W_ih, bih2, W_e, be3, W_hh, bhh2)
    apart = _sc_agg_call()(hcat.reshape(NT * NPAD, F), packed)
    wpad = jnp.pad(out_W, ((0, 7), (0, 0)))
    out = _gru_head_call(apart, h, W_ih, bih2, W_hh, bhh2, fpad, wpad, ob2)
    return out[:N_NODES, 0]

# --- scband reference (transcript-rebuilt; emitter-appended) ---
"""Pipeline reference for scband-hash-sat-ggnn-73624329388328 (READ-ONLY COPY).

The authoritative reference and input builder live on the scoring server;
editing this copy changes nothing except your own understanding.
"""

import jax, jax.numpy as jnp
import numpy as np

FEAT_SIZE = 128
OUT_FEATS = 128
N_STEPS = 3
N_ETYPES = 3
N_NODES = 10000
N_EDGES = 320000


def setup_inputs(seed: int = 0) -> dict:
    key = jax.random.key(seed)
    ks = jax.random.split(key, 12)
    feat = jax.random.normal(ks[0], (N_NODES, FEAT_SIZE), dtype=jnp.float32)
    edge_index = jax.random.randint(ks[1], (2, N_EDGES), 0, N_NODES, dtype=jnp.int32)
    etypes = jax.random.randint(ks[2], (N_EDGES,), 0, N_ETYPES, dtype=jnp.int32)
    s = 1.0 / np.sqrt(OUT_FEATS)
    W_e = jax.random.uniform(ks[3], (N_ETYPES, OUT_FEATS, OUT_FEATS), minval=-s, maxval=s, dtype=jnp.float32)
    b_e = jax.random.uniform(ks[4], (N_ETYPES, OUT_FEATS), minval=-s, maxval=s, dtype=jnp.float32)
    W_ih = jax.random.uniform(ks[5], (3 * OUT_FEATS, OUT_FEATS), minval=-s, maxval=s, dtype=jnp.float32)
    W_hh = jax.random.uniform(ks[6], (3 * OUT_FEATS, OUT_FEATS), minval=-s, maxval=s, dtype=jnp.float32)
    b_ih = jax.random.uniform(ks[7], (3 * OUT_FEATS,), minval=-s, maxval=s, dtype=jnp.float32)
    b_hh = jax.random.uniform(ks[8], (3 * OUT_FEATS,), minval=-s, maxval=s, dtype=jnp.float32)
    so = 1.0 / np.sqrt(FEAT_SIZE + OUT_FEATS)
    out_W = jax.random.uniform(ks[9], (1, FEAT_SIZE + OUT_FEATS), minval=-so, maxval=so, dtype=jnp.float32)
    out_b = jax.random.uniform(ks[10], (1,), minval=-so, maxval=so, dtype=jnp.float32)
    return {"feat": feat, "edge_index": edge_index, "etypes": etypes,
            "W_e": W_e, "b_e": b_e, "W_ih": W_ih, "W_hh": W_hh,
            "b_ih": b_ih, "b_hh": b_hh, "out_W": out_W, "out_b": out_b}


def reference(feat, edge_index, etypes, W_e, b_e, W_ih, W_hh, b_ih, b_hh, out_W, out_b):
    src = edge_index[0]
    dst = edge_index[1]
    # out_feats == feat_size, so no zero padding branch
    h = feat
    for _ in range(N_STEPS):
        h_src = h[src]  # gather src node states per edge
        msg = jnp.zeros((N_EDGES, OUT_FEATS), dtype=h.dtype)
        for i in range(N_ETYPES):
            mask = (etypes == i).astype(h.dtype)[:, None]
            msg = msg + (h_src @ W_e[i].T + b_e[i]) * mask
        a = jax.ops.segment_sum(msg, dst, num_segments=N_NODES)
        # GRUCell (PyTorch gate order: r, z, n)
        gi = a @ W_ih.T + b_ih
        gh = h @ W_hh.T + b_hh
        i_r, i_z, i_n = jnp.split(gi, 3, axis=-1)
        h_r, h_z, h_n = jnp.split(gh, 3, axis=-1)
        r = jax.nn.sigmoid(i_r + h_r)
        z = jax.nn.sigmoid(i_z + h_z)
        n = jnp.tanh(i_n + r * h_n)
        h = (1.0 - z) * n + z * h
    out = jnp.concatenate([h, feat], axis=-1) @ out_W.T + out_b
    out = jax.nn.sigmoid(out.squeeze(-1))
    return out

if __name__ == "__main__":
    import jax
    _d = setup_inputs()
    print(jax.jit(kernel)(*tuple(_d.values())))

</pallas_src>

<mosaic_0001>
#map = affine_map<(d0, d1) -> (0, 0)>
#map1 = affine_map<(d0, d1) -> (0, 0, 0)>
module attributes {stable_mosaic.version = 14 : i64} {
  func.func @_sc_agg_body(%arg0: i32, %arg1: i32, %arg2: memref<30720x128xf32, #tpu.memory_space<hbm>>, %arg3: memref<32x125x80xi32, #tpu.memory_space<hbm>>, %arg4: memref<2x10240x128xf32, #tpu.memory_space<hbm>>, %arg5: memref<125x80xi32, #tpu.memory_space<vmem>>, %arg6: memref<80x128xf32, #tpu.memory_space<vmem>>, %arg7: memref<80x128xf32, #tpu.memory_space<vmem>>, %arg8: memref<80xi32, #tpu.memory_space<vmem>>, %arg9: memref<80xi32, #tpu.memory_space<vmem>>, %arg10: memref<80xi32, #tpu.memory_space<vmem>>, %arg11: memref<80xi32, #tpu.memory_space<vmem>>, %arg12: memref<10240x128xf32, #tpu.memory_space<vmem_shared>>, %arg13: memref<!tpu.dma_semaphore, #tpu.memory_space<semaphore_mem>>, %arg14: memref<!tpu.dma_semaphore, #tpu.memory_space<semaphore_mem>>, %arg15: memref<!tpu.dma_semaphore, #tpu.memory_space<semaphore_mem>>, %arg16: memref<!tpu.dma_semaphore, #tpu.memory_space<semaphore_mem>>) attributes {dimension_semantics = [#tpu.dimension_semantics<core_parallel>, #tpu.dimension_semantics<subcore_parallel>], iteration_bounds = array<i64: 2, 16>, scalar_prefetch = 0 : i64, scratch_operands = 12 : i64, tpu.core_type = #tpu.core_type<sc_vector_subcore>, window_params = [{transform_indices = #map}, {transform_indices = #map1}, {transform_indices = #map1}]} {
    %mul3A = arith.constant 16 : i32
    %mul3A_0 = arith.muli %arg0, %mul3A : i32
    %add3A = arith.addi %mul3A_0, %arg1 : i32
    %dma_start3A = arith.constant 0 : i32
    %dma_start3A_1 = arith.constant 0 : i32
    %dma_start3A_2 = tpu.memref_slice %arg3[%add3A, %dma_start3A, %dma_start3A_1] : memref<32x125x80xi32, #tpu.memory_space<hbm>> -> memref<1x125x80xi32, #tpu.memory_space<hbm>>
    %dma_start3A_3 = tpu.memref_squeeze %dma_start3A_2 : memref<1x125x80xi32, #tpu.memory_space<hbm>> -> memref<125x80xi32, #tpu.memory_space<hbm>>
    %dma_start3A_4 = arith.constant 0 : i32
    %dma_start3A_5 = arith.constant 0 : i32
    %dma_start3A_6 = tpu.memref_slice %arg3[%add3A, %dma_start3A_4, %dma_start3A_5] : memref<32x125x80xi32, #tpu.memory_space<hbm>> -> memref<1x125x80xi32, #tpu.memory_space<hbm>>
    %dma_start3A_7 = tpu.memref_squeeze %dma_start3A_6 : memref<1x125x80xi32, #tpu.memory_space<hbm>> -> memref<125x80xi32, #tpu.memory_space<hbm>>
    tpu.enqueue_dma source(%dma_start3A_7 : memref<125x80xi32, #tpu.memory_space<hbm>>) target(%arg5 : memref<125x80xi32, #tpu.memory_space<vmem>>) target_semaphore(%arg13 : memref<!tpu.dma_semaphore, #tpu.memory_space<semaphore_mem>>)
    %broadcast_in_dim3A = arith.constant 0.000000e+00 : f32
    %broadcast_in_dim3A_8 = vector.broadcast %broadcast_in_dim3A : f32 to vector<16xf32>
    %scan3A = arith.constant 0 : i32
    %scan3A_9 = arith.constant 0 : i32
    %scan3A_10 = arith.constant 640 : i32
    %scan3A_11 = arith.addi %scan3A_9, %scan3A_10 : i32
    %scan3A_12 = arith.constant 1 : i32
    scf.for %scan3A_146 = %scan3A_9 to %scan3A_11 step %scan3A_12  : i32 {
      %jit3A = arith.constant 8 : i32
      %div3A = arith.divsi %scan3A_146, %jit3A : i32
      %sign3A = arith.constant 0 : i32
      %sign3A_147 = arith.cmpi sgt, %scan3A_146, %sign3A : i32
      %sign3A_148 = arith.extui %sign3A_147 : i1 to i32
      %sign3A_149 = arith.constant 0 : i32
      %sign3A_150 = arith.cmpi slt, %scan3A_146, %sign3A_149 : i32
      %sign3A_151 = arith.extui %sign3A_150 : i1 to i32
      %sign3A_152 = arith.subi %sign3A_148, %sign3A_151 : i32
      %sign3A_153 = arith.constant 0 : i32
      %sign3A_154 = arith.cmpi sgt, %jit3A, %sign3A_153 : i32
      %sign3A_155 = arith.extui %sign3A_154 : i1 to i32
      %sign3A_156 = arith.constant 0 : i32
      %sign3A_157 = arith.cmpi slt, %jit3A, %sign3A_156 : i32
      %sign3A_158 = arith.extui %sign3A_157 : i1 to i32
      %sign3A_159 = arith.subi %sign3A_155, %sign3A_158 : i32
      %ne3A = arith.cmpi ne, %sign3A_152, %sign3A_159 : i32
      %rem3A = arith.remsi %scan3A_146, %jit3A : i32
      %ne3A_160 = arith.constant 0 : i32
      %ne3A_161 = arith.cmpi ne, %rem3A, %ne3A_160 : i32
      %and3A_162 = arith.andi %ne3A, %ne3A_161 : i1
      %sub3A = arith.constant 1 : i32
      %sub3A_163 = arith.subi %div3A, %sub3A : i32
      %select_n3A = arith.select %and3A_162, %sub3A_163, %div3A : i32
      %jit3A_164 = arith.constant 8 : i32
      %eq3A = arith.constant 0 : i32
      %eq3A_165 = arith.cmpi eq, %jit3A_164, %eq3A : i32
      %jit3A_166 = arith.constant 1 : i32
      %select_n3A_167 = arith.select %eq3A_165, %jit3A_166, %jit3A_164 : i32
      %rem3A_168 = arith.remsi %scan3A_146, %select_n3A_167 : i32
      %ne3A_169 = arith.constant 0 : i32
      %ne3A_170 = arith.cmpi ne, %rem3A_168, %ne3A_169 : i32
      %lt3A = arith.constant 0 : i32
      %lt3A_171 = arith.cmpi slt, %rem3A_168, %lt3A : i32
      %lt3A_172 = arith.constant 0 : i32
      %lt3A_173 = arith.cmpi slt, %select_n3A_167, %lt3A_172 : i32
      %ne3A_174 = arith.xori %lt3A_171, %lt3A_173 : i1
      %and3A_175 = arith.andi %ne3A_174, %ne3A_170 : i1
      %add3A_176 = arith.addi %rem3A_168, %select_n3A_167 : i32
      %select_n3A_177 = arith.select %and3A_175, %add3A_176, %rem3A_168 : i32
      %mul3A_178 = arith.constant 16 : i32
      %mul3A_179 = arith.muli %select_n3A_177, %mul3A_178 : i32
      %swap3A_180 = arith.index_cast %select_n3A : i32 to index
      %swap3A_181 = arith.index_cast %mul3A_179 : i32 to index
      %swap3A_182 = tpu.vector_load %arg6[%swap3A_180, %swap3A_181] {strides = array<i32>} : memref<80x128xf32, #tpu.memory_space<vmem>>, vector<1x16xf32>,
      %swap3A_183 = vector.shape_cast %swap3A_182 : vector<1x16xf32> to vector<16xf32>
      %swap3A_184 = vector.shape_cast %broadcast_in_dim3A_8 : vector<16xf32> to vector<1x16xf32>
      tpu.vector_store %arg6[%swap3A_180, %swap3A_181], %swap3A_184 {strides = array<i32>} : memref<80x128xf32, #tpu.memory_space<vmem>>, vector<1x16xf32>,
    }
    %scan3A_13 = arith.constant 640 : i32
    %scan3A_14 = arith.constant 0 : i32
    %scan3A_15 = arith.constant 0 : i32
    %scan3A_16 = arith.constant 8 : i32
    %scan3A_17 = arith.addi %scan3A_15, %scan3A_16 : i32
    %scan3A_18 = arith.constant 1 : i32
    scf.for %scan3A_146 = %scan3A_15 to %scan3A_17 step %scan3A_18  : i32 {
      %mul3A_147 = arith.constant 640 : i32
      %mul3A_148 = arith.muli %arg1, %mul3A_147 : i32
      %mul3A_149 = arith.constant 80 : i32
      %mul3A_150 = arith.muli %scan3A_146, %mul3A_149 : i32
      %add3A_151 = arith.addi %mul3A_148, %mul3A_150 : i32
      "tpu.region"() ({
        %run_scoped3A = tpu.sem_alloc : memref<!tpu.dma_semaphore, #tpu.memory_space<semaphore_mem>>
        %dma_start3A_152 = arith.constant 0 : i32
        %dma_start3A_153 = tpu.memref_slice %arg12[%add3A_151, %dma_start3A_152] : memref<10240x128xf32, #tpu.memory_space<vmem_shared>> -> memref<80x128xf32, #tpu.memory_space<vmem_shared>>
        %dma_start3A_154 = arith.constant 0 : i32
        %dma_start3A_155 = tpu.memref_slice %arg12[%add3A_151, %dma_start3A_154] : memref<10240x128xf32, #tpu.memory_space<vmem_shared>> -> memref<80x128xf32, #tpu.memory_space<vmem_shared>>
        tpu.enqueue_dma source(%arg6 : memref<80x128xf32, #tpu.memory_space<vmem>>) target(%dma_start3A_155 : memref<80x128xf32, #tpu.memory_space<vmem_shared>>) target_semaphore(%run_scoped3A : memref<!tpu.dma_semaphore, #tpu.memory_space<semaphore_mem>>)
        %dma_wait3A_156 = arith.constant 0 : i32
        %dma_wait3A_157 = tpu.memref_slice %arg12[%add3A_151, %dma_wait3A_156] : memref<10240x128xf32, #tpu.memory_space<vmem_shared>> -> memref<80x128xf32, #tpu.memory_space<vmem_shared>>
        %dma_wait3A_158 = arith.constant 0 : i32
        %dma_wait3A_159 = tpu.memref_slice %arg12[%add3A_151, %dma_wait3A_158] : memref<10240x128xf32, #tpu.memory_space<vmem_shared>> -> memref<80x128xf32, #tpu.memory_space<vmem_shared>>
        tpu.wait_dma2 semaphore(%run_scoped3A : memref<!tpu.dma_semaphore, #tpu.memory_space<semaphore_mem>>) src(%arg6 : memref<80x128xf32, #tpu.memory_space<vmem>>) dst(%dma_wait3A_159 : memref<80x128xf32, #tpu.memory_space<vmem_shared>>)
        tpu.yield
      }) : () -> ()
    }
    %scan3A_19 = arith.constant 8 : i32
    %dma_wait3A = arith.constant 0 : i32
    %dma_wait3A_20 = arith.constant 0 : i32
    %dma_wait3A_21 = tpu.memref_slice %arg3[%add3A, %dma_wait3A, %dma_wait3A_20] : memref<32x125x80xi32, #tpu.memory_space<hbm>> -> memref<1x125x80xi32, #tpu.memory_space<hbm>>
    %dma_wait3A_22 = tpu.memref_squeeze %dma_wait3A_21 : memref<1x125x80xi32, #tpu.memory_space<hbm>> -> memref<125x80xi32, #tpu.memory_space<hbm>>
    %dma_wait3A_23 = arith.constant 0 : i32
    %dma_wait3A_24 = arith.constant 0 : i32
    %dma_wait3A_25 = tpu.memref_slice %arg3[%add3A, %dma_wait3A_23, %dma_wait3A_24] : memref<32x125x80xi32, #tpu.memory_space<hbm>> -> memref<1x125x80xi32, #tpu.memory_space<hbm>>
    %dma_wait3A_26 = tpu.memref_squeeze %dma_wait3A_25 : memref<1x125x80xi32, #tpu.memory_space<hbm>> -> memref<125x80xi32, #tpu.memory_space<hbm>>
    tpu.wait_dma2 semaphore(%arg13 : memref<!tpu.dma_semaphore, #tpu.memory_space<semaphore_mem>>) src(%dma_wait3A_26 : memref<125x80xi32, #tpu.memory_space<hbm>>) dst(%arg5 : memref<125x80xi32, #tpu.memory_space<vmem>>)
    %get3A = arith.constant 0 : i32
    %get3A_27 = arith.index_cast %get3A : i32 to index
    %get3A_28 = arith.constant 0 : index
    %get3A_29 = tpu.vector_load %arg5[%get3A_27, %get3A_28] {strides = array<i32>} : memref<125x80xi32, #tpu.memory_space<vmem>>, vector<1x16xi32>,
    %get3A_30 = vector.shape_cast %get3A_29 : vector<1x16xi32> to vector<16xi32>
    %and3A = arith.constant 65535 : i32
    %and3A_31 = vector.broadcast %and3A : i32 to vector<16xi32>
    %and3A_32 = arith.andi %get3A_30, %and3A_31 : vector<16xi32>
    %swap3A = arith.constant 0 : index
    %swap3A_33 = tpu.vector_load %arg8[%swap3A] {strides = array<i32>} : memref<80xi32, #tpu.memory_space<vmem>>, vector<16xi32>,
    %swap3A_34 = vector.shape_cast %swap3A_33 : vector<16xi32> to vector<16xi32>
    %swap3A_35 = vector.shape_cast %and3A_32 : vector<16xi32> to vector<16xi32>
    tpu.vector_store %arg8[%swap3A], %swap3A_35 {strides = array<i32>} : memref<80xi32, #tpu.memory_space<vmem>>, vector<16xi32>,
    %shift_right_logical3A = arith.constant 16 : i32
    %shift_right_logical3A_36 = vector.broadcast %shift_right_logical3A : i32 to vector<16xi32>
    %shift_right_logical3A_37 = arith.shrui %get3A_30, %shift_right_logical3A_36 : vector<16xi32>
    %swap3A_38 = arith.constant 0 : index
    %swap3A_39 = tpu.vector_load %arg10[%swap3A_38] {strides = array<i32>} : memref<80xi32, #tpu.memory_space<vmem>>, vector<16xi32>,
    %swap3A_40 = vector.shape_cast %swap3A_39 : vector<16xi32> to vector<16xi32>
    %swap3A_41 = vector.shape_cast %shift_right_logical3A_37 : vector<16xi32> to vector<16xi32>
    tpu.vector_store %arg10[%swap3A_38], %swap3A_41 {strides = array<i32>} : memref<80xi32, #tpu.memory_space<vmem>>, vector<16xi32>,
    %get3A_42 = arith.constant 0 : i32
    %get3A_43 = arith.index_cast %get3A_42 : i32 to index
    %get3A_44 = arith.constant 16 : index
    %get3A_45 = tpu.vector_load %arg5[%get3A_43, %get3A_44] {strides = array<i32>} : memref<125x80xi32, #tpu.memory_space<vmem>>, vector<1x16xi32>,
    %get3A_46 = vector.shape_cast %get3A_45 : vector<1x16xi32> to vector<16xi32>
    %and3A_47 = arith.constant 65535 : i32
    %and3A_48 = vector.broadcast %and3A_47 : i32 to vector<16xi32>
    %and3A_49 = arith.andi %get3A_46, %and3A_48 : vector<16xi32>
    %swap3A_50 = arith.constant 16 : index
    %swap3A_51 = tpu.vector_load %arg8[%swap3A_50] {strides = array<i32>} : memref<80xi32, #tpu.memory_space<vmem>>, vector<16xi32>,
    %swap3A_52 = vector.shape_cast %swap3A_51 : vector<16xi32> to vector<16xi32>
    %swap3A_53 = vector.shape_cast %and3A_49 : vector<16xi32> to vector<16xi32>
    tpu.vector_store %arg8[%swap3A_50], %swap3A_53 {strides = array<i32>} : memref<80xi32, #tpu.memory_space<vmem>>, vector<16xi32>,
    %shift_right_logical3A_54 = arith.constant 16 : i32
    %shift_right_logical3A_55 = vector.broadcast %shift_right_logical3A_54 : i32 to vector<16xi32>
    %shift_right_logical3A_56 = arith.shrui %get3A_46, %shift_right_logical3A_55 : vector<16xi32>
    %swap3A_57 = arith.constant 16 : index
    %swap3A_58 = tpu.vector_load %arg10[%swap3A_57] {strides = array<i32>} : memref<80xi32, #tpu.memory_space<vmem>>, vector<16xi32>,
    %swap3A_59 = vector.shape_cast %swap3A_58 : vector<16xi32> to vector<16xi32>
    %swap3A_60 = vector.shape_cast %shift_right_logical3A_56 : vector<16xi32> to vector<16xi32>
    tpu.vector_store %arg10[%swap3A_57], %swap3A_60 {strides = array<i32>} : memref<80xi32, #tpu.memory_space<vmem>>, vector<16xi32>,
    %get3A_61 = arith.constant 0 : i32
    %get3A_62 = arith.index_cast %get3A_61 : i32 to index
    %get3A_63 = arith.constant 32 : index
    %get3A_64 = tpu.vector_load %arg5[%get3A_62, %get3A_63] {strides = array<i32>} : memref<125x80xi32, #tpu.memory_space<vmem>>, vector<1x16xi32>,
    %get3A_65 = vector.shape_cast %get3A_64 : vector<1x16xi32> to vector<16xi32>
    %and3A_66 = arith.constant 65535 : i32
    %and3A_67 = vector.broadcast %and3A_66 : i32 to vector<16xi32>
    %and3A_68 = arith.andi %get3A_65, %and3A_67 : vector<16xi32>
    %swap3A_69 = arith.constant 32 : index
    %swap3A_70 = tpu.vector_load %arg8[%swap3A_69] {strides = array<i32>} : memref<80xi32, #tpu.memory_space<vmem>>, vector<16xi32>,
    %swap3A_71 = vector.shape_cast %swap3A_70 : vector<16xi32> to vector<16xi32>
    %swap3A_72 = vector.shape_cast %and3A_68 : vector<16xi32> to vector<16xi32>
    tpu.vector_store %arg8[%swap3A_69], %swap3A_72 {strides = array<i32>} : memref<80xi32, #tpu.memory_space<vmem>>, vector<16xi32>,
    %shift_right_logical3A_73 = arith.constant 16 : i32
    %shift_right_logical3A_74 = vector.broadcast %shift_right_logical3A_73 : i32 to vector<16xi32>
    %shift_right_logical3A_75 = arith.shrui %get3A_65, %shift_right_logical3A_74 : vector<16xi32>
    %swap3A_76 = arith.constant 32 : index
    %swap3A_77 = tpu.vector_load %arg10[%swap3A_76] {strides = array<i32>} : memref<80xi32, #tpu.memory_space<vmem>>, vector<16xi32>,
    %swap3A_78 = vector.shape_cast %swap3A_77 : vector<16xi32> to vector<16xi32>
    %swap3A_79 = vector.shape_cast %shift_right_logical3A_75 : vector<16xi32> to vector<16xi32>
    tpu.vector_store %arg10[%swap3A_76], %swap3A_79 {strides = array<i32>} : memref<80xi32, #tpu.memory_space<vmem>>, vector<16xi32>,
    %get3A_80 = arith.constant 0 : i32
    %get3A_81 = arith.index_cast %get3A_80 : i32 to index
    %get3A_82 = arith.constant 48 : index
    %get3A_83 = tpu.vector_load %arg5[%get3A_81, %get3A_82] {strides = array<i32>} : memref<125x80xi32, #tpu.memory_space<vmem>>, vector<1x16xi32>,
    %get3A_84 = vector.shape_cast %get3A_83 : vector<1x16xi32> to vector<16xi32>
    %and3A_85 = arith.constant 65535 : i32
    %and3A_86 = vector.broadcast %and3A_85 : i32 to vector<16xi32>
    %and3A_87 = arith.andi %get3A_84, %and3A_86 : vector<16xi32>
    %swap3A_88 = arith.constant 48 : index
    %swap3A_89 = tpu.vector_load %arg8[%swap3A_88] {strides = array<i32>} : memref<80xi32, #tpu.memory_space<vmem>>, vector<16xi32>,
    %swap3A_90 = vector.shape_cast %swap3A_89 : vector<16xi32> to vector<16xi32>
    %swap3A_91 = vector.shape_cast %and3A_87 : vector<16xi32> to vector<16xi32>
    tpu.vector_store %arg8[%swap3A_88], %swap3A_91 {strides = array<i32>} : memref<80xi32, #tpu.memory_space<vmem>>, vector<16xi32>,
    %shift_right_logical3A_92 = arith.constant 16 : i32
    %shift_right_logical3A_93 = vector.broadcast %shift_right_logical3A_92 : i32 to vector<16xi32>
    %shift_right_logical3A_94 = arith.shrui %get3A_84, %shift_right_logical3A_93 : vector<16xi32>
    %swap3A_95 = arith.constant 48 : index
    %swap3A_96 = tpu.vector_load %arg10[%swap3A_95] {strides = array<i32>} : memref<80xi32, #tpu.memory_space<vmem>>, vector<16xi32>,
    %swap3A_97 = vector.shape_cast %swap3A_96 : vector<16xi32> to vector<16xi32>
    %swap3A_98 = vector.shape_cast %shift_right_logical3A_94 : vector<16xi32> to vector<16xi32>
    tpu.vector_store %arg10[%swap3A_95], %swap3A_98 {strides = array<i32>} : memref<80xi32, #tpu.memory_space<vmem>>, vector<16xi32>,
    %get3A_99 = arith.constant 0 : i32
    %get3A_100 = arith.index_cast %get3A_99 : i32 to index
    %get3A_101 = arith.constant 64 : index
    %get3A_102 = tpu.vector_load %arg5[%get3A_100, %get3A_101] {strides = array<i32>} : memref<125x80xi32, #tpu.memory_space<vmem>>, vector<1x16xi32>,
    %get3A_103 = vector.shape_cast %get3A_102 : vector<1x16xi32> to vector<16xi32>
    %and3A_104 = arith.constant 65535 : i32
    %and3A_105 = vector.broadcast %and3A_104 : i32 to vector<16xi32>
    %and3A_106 = arith.andi %get3A_103, %and3A_105 : vector<16xi32>
    %swap3A_107 = arith.constant 64 : index
    %swap3A_108 = tpu.vector_load %arg8[%swap3A_107] {strides = array<i32>} : memref<80xi32, #tpu.memory_space<vmem>>, vector<16xi32>,
    %swap3A_109 = vector.shape_cast %swap3A_108 : vector<16xi32> to vector<16xi32>
    %swap3A_110 = vector.shape_cast %and3A_106 : vector<16xi32> to vector<16xi32>
    tpu.vector_store %arg8[%swap3A_107], %swap3A_110 {strides = array<i32>} : memref<80xi32, #tpu.memory_space<vmem>>, vector<16xi32>,
    %shift_right_logical3A_111 = arith.constant 16 : i32
    %shift_right_logical3A_112 = vector.broadcast %shift_right_logical3A_111 : i32 to vector<16xi32>
    %shift_right_logical3A_113 = arith.shrui %get3A_103, %shift_right_logical3A_112 : vector<16xi32>
    %swap3A_114 = arith.constant 64 : index
    %swap3A_115 = tpu.vector_load %arg10[%swap3A_114] {strides = array<i32>} : memref<80xi32, #tpu.memory_space<vmem>>, vector<16xi32>,
    %swap3A_116 = vector.shape_cast %swap3A_115 : vector<16xi32> to vector<16xi32>
    %swap3A_117 = vector.shape_cast %shift_right_logical3A_113 : vector<16xi32> to vector<16xi32>
    tpu.vector_store %arg10[%swap3A_114], %swap3A_117 {strides = array<i32>} : memref<80xi32, #tpu.memory_space<vmem>>, vector<16xi32>,
    %dma_start3A_118 = arith.constant 0 : i32
    %dma_start3A_119 = arith.constant 0 : i32
    %dma_start3A_120 = tpu.memref_slice %arg2[%dma_start3A_118, %dma_start3A_119] : memref<30720x128xf32, #tpu.memory_space<hbm>> -> memref<30720x128xf32, #tpu.memory_space<hbm>>
    tpu.enqueue_indirect_dma source(%dma_start3A_120 : memref<30720x128xf32, #tpu.memory_space<hbm>>) target(%arg6 : memref<80x128xf32, #tpu.memory_space<vmem>>) offsets(%arg8 : memref<80xi32, #tpu.memory_space<vmem>>) semaphore(%arg13 : memref<!tpu.dma_semaphore, #tpu.memory_space<semaphore_mem>>)
    %barrier3A = arith.constant 0 : index
    tpu.barrier barrier_id(%barrier3A)
    %scan3A_121 = arith.constant 0 : i32
    %scan3A_122 = arith.constant 0 : i32
    %scan3A_123 = arith.constant 62 : i32
    %scan3A_124 = arith.addi %scan3A_122, %scan3A_123 : i32
    %scan3A_125 = arith.constant 1 : i32
    scf.for %scan3A_146 = %scan3A_122 to %scan3A_124 step %scan3A_125  : i32 {
      %mul3A_147 = arith.constant 2 : i32
      %mul3A_148 = arith.muli %scan3A_146, %mul3A_147 : i32
      %add3A_149 = arith.constant 0 : i32
      %add3A_150 = arith.addi %mul3A_148, %add3A_149 : i32
      %add3A_151 = arith.constant 1 : i32
      %add3A_152 = arith.addi %add3A_150, %add3A_151 : i32
      %lt3A = arith.constant 125 : i32
      %lt3A_153 = arith.cmpi slt, %add3A_152, %lt3A : i32
      %ge3A = arith.constant 1 : i32
      %ge3A_154 = arith.cmpi sge, %add3A_150, %ge3A : i32
      %and3A_155 = arith.andi %lt3A_153, %ge3A_154 : i1
      %convert_element_type3A_156 = arith.extui %and3A_155 : i1 to i32
      %cond3A_157 = arith.constant 0 : i32
      %cond3A_158 = arith.cmpi ne, %convert_element_type3A_156, %cond3A_157 : i32
      scf.if %cond3A_158 {
        %dma_wait3A_199 = arith.constant 0 : i32
        %dma_wait3A_200 = arith.constant 0 : i32
        %dma_wait3A_201 = tpu.memref_slice %arg12[%dma_wait3A_199, %dma_wait3A_200] : memref<10240x128xf32, #tpu.memory_space<vmem_shared>> -> memref<10240x128xf32, #tpu.memory_space<vmem_shared>>
        tpu.wait_indirect_dma semaphore(%arg16 : memref<!tpu.dma_semaphore, #tpu.memory_space<semaphore_mem>>) src(%arg7 : memref<80x128xf32, #tpu.memory_space<vmem>>) dst(%dma_wait3A_201 : memref<10240x128xf32, #tpu.memory_space<vmem_shared>>)
      } else {
      }
      %add3A_159 = arith.constant 1 : i32
      %add3A_160 = arith.addi %add3A_150, %add3A_159 : i32
      %lt3A_161 = arith.constant 125 : i32
      %lt3A_162 = arith.cmpi slt, %add3A_160, %lt3A_161 : i32
      %convert_element_type3A_163 = arith.extui %lt3A_162 : i1 to i32
      %cond3A_164 = arith.constant 0 : i32
      %cond3A_165 = arith.cmpi ne, %convert_element_type3A_163, %cond3A_164 : i32
      scf.if %cond3A_165 {
        %add3A_199 = arith.constant 1 : i32
        %add3A_200 = arith.addi %add3A_150, %add3A_199 : i32
        %get3A_201 = arith.index_cast %add3A_200 : i32 to index
        %get3A_202 = arith.constant 0 : index
        %get3A_203 = tpu.vector_load %arg5[%get3A_201, %get3A_202] {strides = array<i32>} : memref<125x80xi32, #tpu.memory_space<vmem>>, vector<1x16xi32>,
        %get3A_204 = vector.shape_cast %get3A_203 : vector<1x16xi32> to vector<16xi32>
        %and3A_205 = arith.constant 65535 : i32
        %and3A_206 = vector.broadcast %and3A_205 : i32 to vector<16xi32>
        %and3A_207 = arith.andi %get3A_204, %and3A_206 : vector<16xi32>
        %swap3A_208 = arith.constant 0 : index
        %swap3A_209 = tpu.vector_load %arg9[%swap3A_208] {strides = array<i32>} : memref<80xi32, #tpu.memory_space<vmem>>, vector<16xi32>,
        %swap3A_210 = vector.shape_cast %swap3A_209 : vector<16xi32> to vector<16xi32>
        %swap3A_211 = vector.shape_cast %and3A_207 : vector<16xi32> to vector<16xi32>
        tpu.vector_store %arg9[%swap3A_208], %swap3A_211 {strides = array<i32>} : memref<80xi32, #tpu.memory_space<vmem>>, vector<16xi32>,
        %shift_right_logical3A_212 = arith.constant 16 : i32
        %shift_right_logical3A_213 = vector.broadcast %shift_right_logical3A_212 : i32 to vector<16xi32>
        %shift_right_logical3A_214 = arith.shrui %get3A_204, %shift_right_logical3A_213 : vector<16xi32>
        %swap3A_215 = arith.constant 0 : index
        %swap3A_216 = tpu.vector_load %arg11[%swap3A_215] {strides = array<i32>} : memref<80xi32, #tpu.memory_space<vmem>>, vector<16xi32>,
        %swap3A_217 = vector.shape_cast %swap3A_216 : vector<16xi32> to vector<16xi32>
        %swap3A_218 = vector.shape_cast %shift_right_logical3A_214 : vector<16xi32> to vector<16xi32>
        tpu.vector_store %arg11[%swap3A_215], %swap3A_218 {strides = array<i32>} : memref<80xi32, #tpu.memory_space<vmem>>, vector<16xi32>,
        %get3A_219 = arith.index_cast %add3A_200 : i32 to index
        %get3A_220 = arith.constant 16 : index
        %get3A_221 = tpu.vector_load %arg5[%get3A_219, %get3A_220] {strides = array<i32>} : memref<125x80xi32, #tpu.memory_space<vmem>>, vector<1x16xi32>,
        %get3A_222 = vector.shape_cast %get3A_221 : vector<1x16xi32> to vector<16xi32>
        %and3A_223 = arith.constant 65535 : i32
        %and3A_224 = vector.broadcast %and3A_223 : i32 to vector<16xi32>
        %and3A_225 = arith.andi %get3A_222, %and3A_224 : vector<16xi32>
        %swap3A_226 = arith.constant 16 : index
        %swap3A_227 = tpu.vector_load %arg9[%swap3A_226] {strides = array<i32>} : memref<80xi32, #tpu.memory_space<vmem>>, vector<16xi32>,
        %swap3A_228 = vector.shape_cast %swap3A_227 : vector<16xi32> to vector<16xi32>
        %swap3A_229 = vector.shape_cast %and3A_225 : vector<16xi32> to vector<16xi32>
        tpu.vector_store %arg9[%swap3A_226], %swap3A_229 {strides = array<i32>} : memref<80xi32, #tpu.memory_space<vmem>>, vector<16xi32>,
        %shift_right_logical3A_230 = arith.constant 16 : i32
        %shift_right_logical3A_231 = vector.broadcast %shift_right_logical3A_230 : i32 to vector<16xi32>
        %shift_right_logical3A_232 = arith.shrui %get3A_222, %shift_right_logical3A_231 : vector<16xi32>
        %swap3A_233 = arith.constant 16 : index
        %swap3A_234 = tpu.vector_load %arg11[%swap3A_233] {strides = array<i32>} : memref<80xi32, #tpu.memory_space<vmem>>, vector<16xi32>,
        %swap3A_235 = vector.shape_cast %swap3A_234 : vector<16xi32> to vector<16xi32>
        %swap3A_236 = vector.shape_cast %shift_right_logical3A_232 : vector<16xi32> to vector<16xi32>
        tpu.vector_store %arg11[%swap3A_233], %swap3A_236 {strides = array<i32>} : memref<80xi32, #tpu.memory_space<vmem>>, vector<16xi32>,
        %get3A_237 = arith.index_cast %add3A_200 : i32 to index
        %get3A_238 = arith.constant 32 : index
        %get3A_239 = tpu.vector_load %arg5[%get3A_237, %get3A_238] {strides = array<i32>} : memref<125x80xi32, #tpu.memory_space<vmem>>, vector<1x16xi32>,
        %get3A_240 = vector.shape_cast %get3A_239 : vector<1x16xi32> to vector<16xi32>
        %and3A_241 = arith.constant 65535 : i32
        %and3A_242 = vector.broadcast %and3A_241 : i32 to vector<16xi32>
        %and3A_243 = arith.andi %get3A_240, %and3A_242 : vector<16xi32>
        %swap3A_244 = arith.constant 32 : index
        %swap3A_245 = tpu.vector_load %arg9[%swap3A_244] {strides = array<i32>} : memref<80xi32, #tpu.memory_space<vmem>>, vector<16xi32>,
        %swap3A_246 = vector.shape_cast %swap3A_245 : vector<16xi32> to vector<16xi32>
        %swap3A_247 = vector.shape_cast %and3A_243 : vector<16xi32> to vector<16xi32>
        tpu.vector_store %arg9[%swap3A_244], %swap3A_247 {strides = array<i32>} : memref<80xi32, #tpu.memory_space<vmem>>, vector<16xi32>,
        %shift_right_logical3A_248 = arith.constant 16 : i32
        %shift_right_logical3A_249 = vector.broadcast %shift_right_logical3A_248 : i32 to vector<16xi32>
        %shift_right_logical3A_250 = arith.shrui %get3A_240, %shift_right_logical3A_249 : vector<16xi32>
        %swap3A_251 = arith.constant 32 : index
        %swap3A_252 = tpu.vector_load %arg11[%swap3A_251] {strides = array<i32>} : memref<80xi32, #tpu.memory_space<vmem>>, vector<16xi32>,
        %swap3A_253 = vector.shape_cast %swap3A_252 : vector<16xi32> to vector<16xi32>
        %swap3A_254 = vector.shape_cast %shift_right_logical3A_250 : vector<16xi32> to vector<16xi32>
        tpu.vector_store %arg11[%swap3A_251], %swap3A_254 {strides = array<i32>} : memref<80xi32, #tpu.memory_space<vmem>>, vector<16xi32>,
        %get3A_255 = arith.index_cast %add3A_200 : i32 to index
        %get3A_256 = arith.constant 48 : index
        %get3A_257 = tpu.vector_load %arg5[%get3A_255, %get3A_256] {strides = array<i32>} : memref<125x80xi32, #tpu.memory_space<vmem>>, vector<1x16xi32>,
        %get3A_258 = vector.shape_cast %get3A_257 : vector<1x16xi32> to vector<16xi32>
        %and3A_259 = arith.constant 65535 : i32
        %and3A_260 = vector.broadcast %and3A_259 : i32 to vector<16xi32>
        %and3A_261 = arith.andi %get3A_258, %and3A_260 : vector<16xi32>
        %swap3A_262 = arith.constant 48 : index
        %swap3A_263 = tpu.vector_load %arg9[%swap3A_262] {strides = array<i32>} : memref<80xi32, #tpu.memory_space<vmem>>, vector<16xi32>,
        %swap3A_264 = vector.shape_cast %swap3A_263 : vector<16xi32> to vector<16xi32>
        %swap3A_265 = vector.shape_cast %and3A_261 : vector<16xi32> to vector<16xi32>
        tpu.vector_store %arg9[%swap3A_262], %swap3A_265 {strides = array<i32>} : memref<80xi32, #tpu.memory_space<vmem>>, vector<16xi32>,
        %shift_right_logical3A_266 = arith.constant 16 : i32
        %shift_right_logical3A_267 = vector.broadcast %shift_right_logical3A_266 : i32 to vector<16xi32>
        %shift_right_logical3A_268 = arith.shrui %get3A_258, %shift_right_logical3A_267 : vector<16xi32>
        %swap3A_269 = arith.constant 48 : index
        %swap3A_270 = tpu.vector_load %arg11[%swap3A_269] {strides = array<i32>} : memref<80xi32, #tpu.memory_space<vmem>>, vector<16xi32>,
        %swap3A_271 = vector.shape_cast %swap3A_270 : vector<16xi32> to vector<16xi32>
        %swap3A_272 = vector.shape_cast %shift_right_logical3A_268 : vector<16xi32> to vector<16xi32>
        tpu.vector_store %arg11[%swap3A_269], %swap3A_272 {strides = array<i32>} : memref<80xi32, #tpu.memory_space<vmem>>, vector<16xi32>,
        %get3A_273 = arith.index_cast %add3A_200 : i32 to index
        %get3A_274 = arith.constant 64 : index
        %get3A_275 = tpu.vector_load %arg5[%get3A_273, %get3A_274] {strides = array<i32>} : memref<125x80xi32, #tpu.memory_space<vmem>>, vector<1x16xi32>,
        %get3A_276 = vector.shape_cast %get3A_275 : vector<1x16xi32> to vector<16xi32>
        %and3A_277 = arith.constant 65535 : i32
        %and3A_278 = vector.broadcast %and3A_277 : i32 to vector<16xi32>
        %and3A_279 = arith.andi %get3A_276, %and3A_278 : vector<16xi32>
        %swap3A_280 = arith.constant 64 : index
        %swap3A_281 = tpu.vector_load %arg9[%swap3A_280] {strides = array<i32>} : memref<80xi32, #tpu.memory_space<vmem>>, vector<16xi32>,
        %swap3A_282 = vector.shape_cast %swap3A_281 : vector<16xi32> to vector<16xi32>
        %swap3A_283 = vector.shape_cast %and3A_279 : vector<16xi32> to vector<16xi32>
        tpu.vector_store %arg9[%swap3A_280], %swap3A_283 {strides = array<i32>} : memref<80xi32, #tpu.memory_space<vmem>>, vector<16xi32>,
        %shift_right_logical3A_284 = arith.constant 16 : i32
        %shift_right_logical3A_285 = vector.broadcast %shift_right_logical3A_284 : i32 to vector<16xi32>
        %shift_right_logical3A_286 = arith.shrui %get3A_276, %shift_right_logical3A_285 : vector<16xi32>
        %swap3A_287 = arith.constant 64 : index
        %swap3A_288 = tpu.vector_load %arg11[%swap3A_287] {strides = array<i32>} : memref<80xi32, #tpu.memory_space<vmem>>, vector<16xi32>,
        %swap3A_289 = vector.shape_cast %swap3A_288 : vector<16xi32> to vector<16xi32>
        %swap3A_290 = vector.shape_cast %shift_right_logical3A_286 : vector<16xi32> to vector<16xi32>
        tpu.vector_store %arg11[%swap3A_287], %swap3A_290 {strides = array<i32>} : memref<80xi32, #tpu.memory_space<vmem>>, vector<16xi32>,
        %dma_start3A_291 = arith.constant 0 : i32
        %dma_start3A_292 = arith.constant 0 : i32
        %dma_start3A_293 = tpu.memref_slice %arg2[%dma_start3A_291, %dma_start3A_292] : memref<30720x128xf32, #tpu.memory_space<hbm>> -> memref<30720x128xf32, #tpu.memory_space<hbm>>
        tpu.enqueue_indirect_dma source(%dma_start3A_293 : memref<30720x128xf32, #tpu.memory_space<hbm>>) target(%arg7 : memref<80x128xf32, #tpu.memory_space<vmem>>) offsets(%arg9 : memref<80xi32, #tpu.memory_space<vmem>>) semaphore(%arg14 : memref<!tpu.dma_semaphore, #tpu.memory_space<semaphore_mem>>)
      } else {
      }
      %dma_wait3A_166 = arith.constant 0 : i32
      %dma_wait3A_167 = arith.constant 0 : i32
      %dma_wait3A_168 = tpu.memref_slice %arg2[%dma_wait3A_166, %dma_wait3A_167] : memref<30720x128xf32, #tpu.memory_space<hbm>> -> memref<30720x128xf32, #tpu.memory_space<hbm>>
      tpu.wait_indirect_dma semaphore(%arg13 : memref<!tpu.dma_semaphore, #tpu.memory_space<semaphore_mem>>) src(%dma_wait3A_168 : memref<30720x128xf32, #tpu.memory_space<hbm>>) dst(%arg6 : memref<80x128xf32, #tpu.memory_space<vmem>>)
      %dma_start3A_169 = arith.constant 0 : i32
      %dma_start3A_170 = arith.constant 0 : i32
      %dma_start3A_171 = tpu.memref_slice %arg12[%dma_start3A_169, %dma_start3A_170] : memref<10240x128xf32, #tpu.memory_space<vmem_shared>> -> memref<10240x128xf32, #tpu.memory_space<vmem_shared>>
      tpu.enqueue_indirect_dma source(%arg6 : memref<80x128xf32, #tpu.memory_space<vmem>>) target(%dma_start3A_171 : memref<10240x128xf32, #tpu.memory_space<vmem_shared>>) offsets(%arg10 : memref<80xi32, #tpu.memory_space<vmem>>) semaphore(%arg15 : memref<!tpu.dma_semaphore, #tpu.memory_space<semaphore_mem>>) {add = true}
      %mul3A_172 = arith.constant 2 : i32
      %mul3A_173 = arith.muli %scan3A_146, %mul3A_172 : i32
      %add3A_174 = arith.constant 1 : i32
      %add3A_175 = arith.addi %mul3A_173, %add3A_174 : i32
      %add3A_176 = arith.constant 1 : i32
      %add3A_177 = arith.addi %add3A_175, %add3A_176 : i32
      %lt3A_178 = arith.constant 125 : i32
      %lt3A_179 = arith.cmpi slt, %add3A_177, %lt3A_178 : i32
      %ge3A_180 = arith.constant 1 : i32
      %ge3A_181 = arith.cmpi sge, %add3A_175, %ge3A_180 : i32
      %and3A_182 = arith.andi %lt3A_179, %ge3A_181 : i1
      %convert_element_type3A_183 = arith.extui %and3A_182 : i1 to i32
      %cond3A_184 = arith.constant 0 : i32
      %cond3A_185 = arith.cmpi ne, %convert_element_type3A_183, %cond3A_184 : i32
      scf.if %cond3A_185 {
        %dma_wait3A_199 = arith.constant 0 : i32
        %dma_wait3A_200 = arith.constant 0 : i32
        %dma_wait3A_201 = tpu.memref_slice %arg12[%dma_wait3A_199, %dma_wait3A_200] : memref<10240x128xf32, #tpu.memory_space<vmem_shared>> -> memref<10240x128xf32, #tpu.memory_space<vmem_shared>>
        tpu.wait_indirect_dma semaphore(%arg15 : memref<!tpu.dma_semaphore, #tpu.memory_space<semaphore_mem>>) src(%arg6 : memref<80x128xf32, #tpu.memory_space<vmem>>) dst(%dma_wait3A_201 : memref<10240x128xf32, #tpu.memory_space<vmem_shared>>)
      } else {
      }
      %add3A_186 = arith.constant 1 : i32
      %add3A_187 = arith.addi %add3A_175, %add3A_186 : i32
      %lt3A_188 = arith.constant 125 : i32
      %lt3A_189 = arith.cmpi slt, %add3A_187, %lt3A_188 : i32
      %convert_element_type3A_190 = arith.extui %lt3A_189 : i1 to i32
      %cond3A_191 = arith.constant 0 : i32
      %cond3A_192 = arith.cmpi ne, %convert_element_type3A_190, %cond3A_191 : i32
      scf.if %cond3A_192 {
        %add3A_199 = arith.constant 1 : i32
        %add3A_200 = arith.addi %add3A_175, %add3A_199 : i32
        %get3A_201 = arith.index_cast %add3A_200 : i32 to index
        %get3A_202 = arith.constant 0 : index
        %get3A_203 = tpu.vector_load %arg5[%get3A_201, %get3A_202] {strides = array<i32>} : memref<125x80xi32, #tpu.memory_space<vmem>>, vector<1x16xi32>,
        %get3A_204 = vector.shape_cast %get3A_203 : vector<1x16xi32> to vector<16xi32>
        %and3A_205 = arith.constant 65535 : i32
        %and3A_206 = vector.broadcast %and3A_205 : i32 to vector<16xi32>
        %and3A_207 = arith.andi %get3A_204, %and3A_206 : vector<16xi32>
        %swap3A_208 = arith.constant 0 : index
        %swap3A_209 = tpu.vector_load %arg8[%swap3A_208] {strides = array<i32>} : memref<80xi32, #tpu.memory_space<vmem>>, vector<16xi32>,
        %swap3A_210 = vector.shape_cast %swap3A_209 : vector<16xi32> to vector<16xi32>
        %swap3A_211 = vector.shape_cast %and3A_207 : vector<16xi32> to vector<16xi32>
        tpu.vector_store %arg8[%swap3A_208], %swap3A_211 {strides = array<i32>} : memref<80xi32, #tpu.memory_space<vmem>>, vector<16xi32>,
        %shift_right_logical3A_212 = arith.constant 16 : i32
        %shift_right_logical3A_213 = vector.broadcast %shift_right_logical3A_212 : i32 to vector<16xi32>
        %shift_right_logical3A_214 = arith.shrui %get3A_204, %shift_right_logical3A_213 : vector<16xi32>
        %swap3A_215 = arith.constant 0 : index
        %swap3A_216 = tpu.vector_load %arg10[%swap3A_215] {strides = array<i32>} : memref<80xi32, #tpu.memory_space<vmem>>, vector<16xi32>,
        %swap3A_217 = vector.shape_cast %swap3A_216 : vector<16xi32> to vector<16xi32>
        %swap3A_218 = vector.shape_cast %shift_right_logical3A_214 : vector<16xi32> to vector<16xi32>
        tpu.vector_store %arg10[%swap3A_215], %swap3A_218 {strides = array<i32>} : memref<80xi32, #tpu.memory_space<vmem>>, vector<16xi32>,
        %get3A_219 = arith.index_cast %add3A_200 : i32 to index
        %get3A_220 = arith.constant 16 : index
        %get3A_221 = tpu.vector_load %arg5[%get3A_219, %get3A_220] {strides = array<i32>} : memref<125x80xi32, #tpu.memory_space<vmem>>, vector<1x16xi32>,
        %get3A_222 = vector.shape_cast %get3A_221 : vector<1x16xi32> to vector<16xi32>
        %and3A_223 = arith.constant 65535 : i32
        %and3A_224 = vector.broadcast %and3A_223 : i32 to vector<16xi32>
        %and3A_225 = arith.andi %get3A_222, %and3A_224 : vector<16xi32>
        %swap3A_226 = arith.constant 16 : index
        %swap3A_227 = tpu.vector_load %arg8[%swap3A_226] {strides = array<i32>} : memref<80xi32, #tpu.memory_space<vmem>>, vector<16xi32>,
        %swap3A_228 = vector.shape_cast %swap3A_227 : vector<16xi32> to vector<16xi32>
        %swap3A_229 = vector.shape_cast %and3A_225 : vector<16xi32> to vector<16xi32>
        tpu.vector_store %arg8[%swap3A_226], %swap3A_229 {strides = array<i32>} : memref<80xi32, #tpu.memory_space<vmem>>, vector<16xi32>,
        %shift_right_logical3A_230 = arith.constant 16 : i32
        %shift_right_logical3A_231 = vector.broadcast %shift_right_logical3A_230 : i32 to vector<16xi32>
        %shift_right_logical3A_232 = arith.shrui %get3A_222, %shift_right_logical3A_231 : vector<16xi32>
        %swap3A_233 = arith.constant 16 : index
        %swap3A_234 = tpu.vector_load %arg10[%swap3A_233] {strides = array<i32>} : memref<80xi32, #tpu.memory_space<vmem>>, vector<16xi32>,
        %swap3A_235 = vector.shape_cast %swap3A_234 : vector<16xi32> to vector<16xi32>
        %swap3A_236 = vector.shape_cast %shift_right_logical3A_232 : vector<16xi32> to vector<16xi32>
        tpu.vector_store %arg10[%swap3A_233], %swap3A_236 {strides = array<i32>} : memref<80xi32, #tpu.memory_space<vmem>>, vector<16xi32>,
        %get3A_237 = arith.index_cast %add3A_200 : i32 to index
        %get3A_238 = arith.constant 32 : index
        %get3A_239 = tpu.vector_load %arg5[%get3A_237, %get3A_238] {strides = array<i32>} : memref<125x80xi32, #tpu.memory_space<vmem>>, vector<1x16xi32>,
        %get3A_240 = vector.shape_cast %get3A_239 : vector<1x16xi32> to vector<16xi32>
        %and3A_241 = arith.constant 65535 : i32
        %and3A_242 = vector.broadcast %and3A_241 : i32 to vector<16xi32>
        %and3A_243 = arith.andi %get3A_240, %and3A_242 : vector<16xi32>
        %swap3A_244 = arith.constant 32 : index
        %swap3A_245 = tpu.vector_load %arg8[%swap3A_244] {strides = array<i32>} : memref<80xi32, #tpu.memory_space<vmem>>, vector<16xi32>,
        %swap3A_246 = vector.shape_cast %swap3A_245 : vector<16xi32> to vector<16xi32>
        %swap3A_247 = vector.shape_cast %and3A_243 : vector<16xi32> to vector<16xi32>
        tpu.vector_store %arg8[%swap3A_244], %swap3A_247 {strides = array<i32>} : memref<80xi32, #tpu.memory_space<vmem>>, vector<16xi32>,
        %shift_right_logical3A_248 = arith.constant 16 : i32
        %shift_right_logical3A_249 = vector.broadcast %shift_right_logical3A_248 : i32 to vector<16xi32>
        %shift_right_logical3A_250 = arith.shrui %get3A_240, %shift_right_logical3A_249 : vector<16xi32>
        %swap3A_251 = arith.constant 32 : index
        %swap3A_252 = tpu.vector_load %arg10[%swap3A_251] {strides = array<i32>} : memref<80xi32, #tpu.memory_space<vmem>>, vector<16xi32>,
        %swap3A_253 = vector.shape_cast %swap3A_252 : vector<16xi32> to vector<16xi32>
        %swap3A_254 = vector.shape_cast %shift_right_logical3A_250 : vector<16xi32> to vector<16xi32>
        tpu.vector_store %arg10[%swap3A_251], %swap3A_254 {strides = array<i32>} : memref<80xi32, #tpu.memory_space<vmem>>, vector<16xi32>,
        %get3A_255 = arith.index_cast %add3A_200 : i32 to index
        %get3A_256 = arith.constant 48 : index
        %get3A_257 = tpu.vector_load %arg5[%get3A_255, %get3A_256] {strides = array<i32>} : memref<125x80xi32, #tpu.memory_space<vmem>>, vector<1x16xi32>,
        %get3A_258 = vector.shape_cast %get3A_257 : vector<1x16xi32> to vector<16xi32>
        %and3A_259 = arith.constant 65535 : i32
        %and3A_260 = vector.broadcast %and3A_259 : i32 to vector<16xi32>
        %and3A_261 = arith.andi %get3A_258, %and3A_260 : vector<16xi32>
        %swap3A_262 = arith.constant 48 : index
        %swap3A_263 = tpu.vector_load %arg8[%swap3A_262] {strides = array<i32>} : memref<80xi32, #tpu.memory_space<vmem>>, vector<16xi32>,
        %swap3A_264 = vector.shape_cast %swap3A_263 : vector<16xi32> to vector<16xi32>
        %swap3A_265 = vector.shape_cast %and3A_261 : vector<16xi32> to vector<16xi32>
        tpu.vector_store %arg8[%swap3A_262], %swap3A_265 {strides = array<i32>} : memref<80xi32, #tpu.memory_space<vmem>>, vector<16xi32>,
        %shift_right_logical3A_266 = arith.constant 16 : i32
        %shift_right_logical3A_267 = vector.broadcast %shift_right_logical3A_266 : i32 to vector<16xi32>
        %shift_right_logical3A_268 = arith.shrui %get3A_258, %shift_right_logical3A_267 : vector<16xi32>
        %swap3A_269 = arith.constant 48 : index
        %swap3A_270 = tpu.vector_load %arg10[%swap3A_269] {strides = array<i32>} : memref<80xi32, #tpu.memory_space<vmem>>, vector<16xi32>,
        %swap3A_271 = vector.shape_cast %swap3A_270 : vector<16xi32> to vector<16xi32>
        %swap3A_272 = vector.shape_cast %shift_right_logical3A_268 : vector<16xi32> to vector<16xi32>
        tpu.vector_store %arg10[%swap3A_269], %swap3A_272 {strides = array<i32>} : memref<80xi32, #tpu.memory_space<vmem>>, vector<16xi32>,
        %get3A_273 = arith.index_cast %add3A_200 : i32 to index
        %get3A_274 = arith.constant 64 : index
        %get3A_275 = tpu.vector_load %arg5[%get3A_273, %get3A_274] {strides = array<i32>} : memref<125x80xi32, #tpu.memory_space<vmem>>, vector<1x16xi32>,
        %get3A_276 = vector.shape_cast %get3A_275 : vector<1x16xi32> to vector<16xi32>
        %and3A_277 = arith.constant 65535 : i32
        %and3A_278 = vector.broadcast %and3A_277 : i32 to vector<16xi32>
        %and3A_279 = arith.andi %get3A_276, %and3A_278 : vector<16xi32>
        %swap3A_280 = arith.constant 64 : index
        %swap3A_281 = tpu.vector_load %arg8[%swap3A_280] {strides = array<i32>} : memref<80xi32, #tpu.memory_space<vmem>>, vector<16xi32>,
        %swap3A_282 = vector.shape_cast %swap3A_281 : vector<16xi32> to vector<16xi32>
        %swap3A_283 = vector.shape_cast %and3A_279 : vector<16xi32> to vector<16xi32>
        tpu.vector_store %arg8[%swap3A_280], %swap3A_283 {strides = array<i32>} : memref<80xi32, #tpu.memory_space<vmem>>, vector<16xi32>,
        %shift_right_logical3A_284 = arith.constant 16 : i32
        %shift_right_logical3A_285 = vector.broadcast %shift_right_logical3A_284 : i32 to vector<16xi32>
        %shift_right_logical3A_286 = arith.shrui %get3A_276, %shift_right_logical3A_285 : vector<16xi32>
        %swap3A_287 = arith.constant 64 : index
        %swap3A_288 = tpu.vector_load %arg10[%swap3A_287] {strides = array<i32>} : memref<80xi32, #tpu.memory_space<vmem>>, vector<16xi32>,
        %swap3A_289 = vector.shape_cast %swap3A_288 : vector<16xi32> to vector<16xi32>
        %swap3A_290 = vector.shape_cast %shift_right_logical3A_286 : vector<16xi32> to vector<16xi32>
        tpu.vector_store %arg10[%swap3A_287], %swap3A_290 {strides = array<i32>} : memref<80xi32, #tpu.memory_space<vmem>>, vector<16xi32>,
        %dma_start3A_291 = arith.constant 0 : i32
        %dma_start3A_292 = arith.constant 0 : i32
        %dma_start3A_293 = tpu.memref_slice %arg2[%dma_start3A_291, %dma_start3A_292] : memref<30720x128xf32, #tpu.memory_space<hbm>> -> memref<30720x128xf32, #tpu.memory_space<hbm>>
        tpu.enqueue_indirect_dma source(%dma_start3A_293 : memref<30720x128xf32, #tpu.memory_space<hbm>>) target(%arg6 : memref<80x128xf32, #tpu.memory_space<vmem>>) offsets(%arg8 : memref<80xi32, #tpu.memory_space<vmem>>) semaphore(%arg13 : memref<!tpu.dma_semaphore, #tpu.memory_space<semaphore_mem>>)
      } else {
      }
      %dma_wait3A_193 = arith.constant 0 : i32
      %dma_wait3A_194 = arith.constant 0 : i32
      %dma_wait3A_195 = tpu.memref_slice %arg2[%dma_wait3A_193, %dma_wait3A_194] : memref<30720x128xf32, #tpu.memory_space<hbm>> -> memref<30720x128xf32, #tpu.memory_space<hbm>>
      tpu.wait_indirect_dma semaphore(%arg14 : memref<!tpu.dma_semaphore, #tpu.memory_space<semaphore_mem>>) src(%dma_wait3A_195 : memref<30720x128xf32, #tpu.memory_space<hbm>>) dst(%arg7 : memref<80x128xf32, #tpu.memory_space<vmem>>)
      %dma_start3A_196 = arith.constant 0 : i32
      %dma_start3A_197 = arith.constant 0 : i32
      %dma_start3A_198 = tpu.memref_slice %arg12[%dma_start3A_196, %dma_start3A_197] : memref<10240x128xf32, #tpu.memory_space<vmem_shared>> -> memref<10240x128xf32, #tpu.memory_space<vmem_shared>>
      tpu.enqueue_indirect_dma source(%arg7 : memref<80x128xf32, #tpu.memory_space<vmem>>) target(%dma_start3A_198 : memref<10240x128xf32, #tpu.memory_space<vmem_shared>>) offsets(%arg11 : memref<80xi32, #tpu.memory_space<vmem>>) semaphore(%arg16 : memref<!tpu.dma_semaphore, #tpu.memory_space<semaphore_mem>>) {add = true}
    }
    %scan3A_126 = arith.constant 62 : i32
    %and3A_127 = arith.constant false
    %and3A_128 = arith.constant true
    %and3A_129 = arith.andi %and3A_127, %and3A_128 : i1
    %convert_element_type3A = arith.extui %and3A_129 : i1 to i32
    %cond3A = arith.constant 0 : i32
    %cond3A_130 = arith.cmpi ne, %convert_element_type3A, %cond3A : i32
    scf.if %cond3A_130 {
      %dma_wait3A_146 = arith.constant 0 : i32
      %dma_wait3A_147 = arith.constant 0 : i32
      %dma_wait3A_148 = tpu.memref_slice %arg12[%dma_wait3A_146, %dma_wait3A_147] : memref<10240x128xf32, #tpu.memory_space<vmem_shared>> -> memref<10240x128xf32, #tpu.memory_space<vmem_shared>>
      tpu.wait_indirect_dma semaphore(%arg16 : memref<!tpu.dma_semaphore, #tpu.memory_space<semaphore_mem>>) src(%arg7 : memref<80x128xf32, #tpu.memory_space<vmem>>) dst(%dma_wait3A_148 : memref<10240x128xf32, #tpu.memory_space<vmem_shared>>)
    } else {
    }
    %dma_wait3A_131 = arith.constant 0 : i32
    %dma_wait3A_132 = arith.constant 0 : i32
    %dma_wait3A_133 = tpu.memref_slice %arg2[%dma_wait3A_131, %dma_wait3A_132] : memref<30720x128xf32, #tpu.memory_space<hbm>> -> memref<30720x128xf32, #tpu.memory_space<hbm>>
    tpu.wait_indirect_dma semaphore(%arg13 : memref<!tpu.dma_semaphore, #tpu.memory_space<semaphore_mem>>) src(%dma_wait3A_133 : memref<30720x128xf32, #tpu.memory_space<hbm>>) dst(%arg6 : memref<80x128xf32, #tpu.memory_space<vmem>>)
    %dma_start3A_134 = arith.constant 0 : i32
    %dma_start3A_135 = arith.constant 0 : i32
    %dma_start3A_136 = tpu.memref_slice %arg12[%dma_start3A_134, %dma_start3A_135] : memref<10240x128xf32, #tpu.memory_space<vmem_shared>> -> memref<10240x128xf32, #tpu.memory_space<vmem_shared>>
    tpu.enqueue_indirect_dma source(%arg6 : memref<80x128xf32, #tpu.memory_space<vmem>>) target(%dma_start3A_136 : memref<10240x128xf32, #tpu.memory_space<vmem_shared>>) offsets(%arg10 : memref<80xi32, #tpu.memory_space<vmem>>) semaphore(%arg15 : memref<!tpu.dma_semaphore, #tpu.memory_space<semaphore_mem>>) {add = true}
    %dma_wait3A_137 = arith.constant 0 : i32
    %dma_wait3A_138 = arith.constant 0 : i32
    %dma_wait3A_139 = tpu.memref_slice %arg12[%dma_wait3A_137, %dma_wait3A_138] : memref<10240x128xf32, #tpu.memory_space<vmem_shared>> -> memref<10240x128xf32, #tpu.memory_space<vmem_shared>>
    tpu.wait_indirect_dma semaphore(%arg16 : memref<!tpu.dma_semaphore, #tpu.memory_space<semaphore_mem>>) src(%arg7 : memref<80x128xf32, #tpu.memory_space<vmem>>) dst(%dma_wait3A_139 : memref<10240x128xf32, #tpu.memory_space<vmem_shared>>)
    %dma_wait3A_140 = arith.constant 0 : i32
    %dma_wait3A_141 = arith.constant 0 : i32
    %dma_wait3A_142 = tpu.memref_slice %arg12[%dma_wait3A_140, %dma_wait3A_141] : memref<10240x128xf32, #tpu.memory_space<vmem_shared>> -> memref<10240x128xf32, #tpu.memory_space<vmem_shared>>
    tpu.wait_indirect_dma semaphore(%arg15 : memref<!tpu.dma_semaphore, #tpu.memory_space<semaphore_mem>>) src(%arg6 : memref<80x128xf32, #tpu.memory_space<vmem>>) dst(%dma_wait3A_142 : memref<10240x128xf32, #tpu.memory_space<vmem_shared>>)
    %barrier3A_143 = arith.constant 0 : index
    tpu.barrier barrier_id(%barrier3A_143)
    %mul3A_144 = arith.constant 640 : i32
    %mul3A_145 = arith.muli %arg1, %mul3A_144 : i32
    "tpu.region"() ({
      %run_scoped3A = tpu.sem_alloc : memref<!tpu.dma_semaphore, #tpu.memory_space<semaphore_mem>>
      %dma_start3A_146 = arith.constant 0 : i32
      %dma_start3A_147 = tpu.memref_slice %arg4[%arg0, %mul3A_145, %dma_start3A_146] : memref<2x10240x128xf32, #tpu.memory_space<hbm>> -> memref<1x640x128xf32, #tpu.memory_space<hbm>>
      %dma_start3A_148 = tpu.memref_squeeze %dma_start3A_147 : memref<1x640x128xf32, #tpu.memory_space<hbm>> -> memref<640x128xf32, #tpu.memory_space<hbm>>
      %dma_start3A_149 = arith.constant 0 : i32
      %dma_start3A_150 = tpu.memref_slice %arg12[%mul3A_145, %dma_start3A_149] : memref<10240x128xf32, #tpu.memory_space<vmem_shared>> -> memref<640x128xf32, #tpu.memory_space<vmem_shared>>
      tpu.enqueue_dma source(%dma_start3A_150 : memref<640x128xf32, #tpu.memory_space<vmem_shared>>) target(%dma_start3A_148 : memref<640x128xf32, #tpu.memory_space<hbm>>) target_semaphore(%run_scoped3A : memref<!tpu.dma_semaphore, #tpu.memory_space<semaphore_mem>>)
      %dma_wait3A_151 = arith.constant 0 : i32
      %dma_wait3A_152 = tpu.memref_slice %arg4[%arg0, %mul3A_145, %dma_wait3A_151] : memref<2x10240x128xf32, #tpu.memory_space<hbm>> -> memref<1x640x128xf32, #tpu.memory_space<hbm>>
      %dma_wait3A_153 = tpu.memref_squeeze %dma_wait3A_152 : memref<1x640x128xf32, #tpu.memory_space<hbm>> -> memref<640x128xf32, #tpu.memory_space<hbm>>
      %dma_wait3A_154 = arith.constant 0 : i32
      %dma_wait3A_155 = tpu.memref_slice %arg12[%mul3A_145, %dma_wait3A_154] : memref<10240x128xf32, #tpu.memory_space<vmem_shared>> -> memref<640x128xf32, #tpu.memory_space<vmem_shared>>
      tpu.wait_dma2 semaphore(%run_scoped3A : memref<!tpu.dma_semaphore, #tpu.memory_space<semaphore_mem>>) src(%dma_wait3A_155 : memref<640x128xf32, #tpu.memory_space<vmem_shared>>) dst(%dma_wait3A_153 : memref<640x128xf32, #tpu.memory_space<hbm>>)
      tpu.yield
    }) : () -> ()
    return
  }
}

#map = affine_map<(d0, d1) -> (0, 0)>
#map1 = affine_map<(d0, d1) -> (0, 0, 0)>
module attributes {stable_mosaic.version = 14 : i64} {
  func.func @_sc_agg_body(%arg0: i32, %arg1: i32, %arg2: memref<30720x128xf32, #tpu.memory_space<hbm>>, %arg3: memref<32x125x80xi32, #tpu.memory_space<hbm>>, %arg4: memref<2x10240x128xf32, #tpu.memory_space<hbm>>, %arg5: memref<125x80xi32, #tpu.memory_space<vmem>>, %arg6: memref<80x128xf32, #tpu.memory_space<vmem>>, %arg7: memref<80x128xf32, #tpu.memory_space<vmem>>, %arg8: memref<80xi32, #tpu.memory_space<vmem>>, %arg9: memref<80xi32, #tpu.memory_space<vmem>>, %arg10: memref<80xi32, #tpu.memory_space<vmem>>, %arg11: memref<80xi32, #tpu.memory_space<vmem>>, %arg12: memref<10240x128xf32, #tpu.memory_space<vmem_shared>>, %arg13: memref<!tpu.dma_semaphore, #tpu.memory_space<semaphore_mem>>, %arg14: memref<!tpu.dma_semaphore, #tpu.memory_space<semaphore_mem>>, %arg15: memref<!tpu.dma_semaphore, #tpu.memory_space<semaphore_mem>>, %arg16: memref<!tpu.dma_semaphore, #tpu.memory_space<semaphore_mem>>) attributes {dimension_semantics = [#tpu.dimension_semantics<core_parallel>, #tpu.dimension_semantics<subcore_parallel>], iteration_bounds = array<i64: 2, 16>, scalar_prefetch = 0 : i64, scratch_operands = 12 : i64, tpu.core_type = #tpu.core_type<sc_vector_subcore>, window_params = [{transform_indices = #map}, {transform_indices = #map1}, {transform_indices = #map1}]} {
    %mul3A = arith.constant 16 : i32
    %mul3A_0 = arith.muli %arg0, %mul3A : i32
    %add3A = arith.addi %mul3A_0, %arg1 : i32
    %dma_start3A = arith.constant 0 : i32
    %dma_start3A_1 = arith.constant 0 : i32
    %dma_start3A_2 = tpu.memref_slice %arg3[%add3A, %dma_start3A, %dma_start3A_1] : memref<32x125x80xi32, #tpu.memory_space<hbm>> -> memref<1x125x80xi32, #tpu.memory_space<hbm>>
    %dma_start3A_3 = tpu.memref_squeeze %dma_start3A_2 : memref<1x125x80xi32, #tpu.memory_space<hbm>> -> memref<125x80xi32, #tpu.memory_space<hbm>>
    %dma_start3A_4 = arith.constant 0 : i32
    %dma_start3A_5 = arith.constant 0 : i32
    %dma_start3A_6 = tpu.memref_slice %arg3[%add3A, %dma_start3A_4, %dma_start3A_5] : memref<32x125x80xi32, #tpu.memory_space<hbm>> -> memref<1x125x80xi32, #tpu.memory_space<hbm>>
    %dma_start3A_7 = tpu.memref_squeeze %dma_start3A_6 : memref<1x125x80xi32, #tpu.memory_space<hbm>> -> memref<125x80xi32, #tpu.memory_space<hbm>>
    tpu.enqueue_dma source(%dma_start3A_7 : memref<125x80xi32, #tpu.memory_space<hbm>>) target(%arg5 : memref<125x80xi32, #tpu.memory_space<vmem>>) target_semaphore(%arg13 : memref<!tpu.dma_semaphore, #tpu.memory_space<semaphore_mem>>)
    %broadcast_in_dim3A = arith.constant 0.000000e+00 : f32
    %broadcast_in_dim3A_8 = vector.broadcast %broadcast_in_dim3A : f32 to vector<16xf32>
    %scan3A = arith.constant 0 : i32
    %scan3A_9 = arith.constant 0 : i32
    %scan3A_10 = arith.constant 640 : i32
    %scan3A_11 = arith.addi %scan3A_9, %scan3A_10 : i32
    %scan3A_12 = arith.constant 1 : i32
    scf.for %scan3A_146 = %scan3A_9 to %scan3A_11 step %scan3A_12  : i32 {
      %jit3A = arith.constant 8 : i32
      %div3A = arith.divsi %scan3A_146, %jit3A : i32
      %sign3A = arith.constant 0 : i32
      %sign3A_147 = arith.cmpi sgt, %scan3A_146, %sign3A : i32
      %sign3A_148 = arith.extui %sign3A_147 : i1 to i32
      %sign3A_149 = arith.constant 0 : i32
      %sign3A_150 = arith.cmpi slt, %scan3A_146, %sign3A_149 : i32
      %sign3A_151 = arith.extui %sign3A_150 : i1 to i32
      %sign3A_152 = arith.subi %sign3A_148, %sign3A_151 : i32
      %sign3A_153 = arith.constant 0 : i32
      %sign3A_154 = arith.cmpi sgt, %jit3A, %sign3A_153 : i32
      %sign3A_155 = arith.extui %sign3A_154 : i1 to i32
      %sign3A_156 = arith.constant 0 : i32
      %sign3A_157 = arith.cmpi slt, %jit3A, %sign3A_156 : i32
      %sign3A_158 = arith.extui %sign3A_157 : i1 to i32
      %sign3A_159 = arith.subi %sign3A_155, %sign3A_158 : i32
      %ne3A = arith.cmpi ne, %sign3A_152, %sign3A_159 : i32
      %rem3A = arith.remsi %scan3A_146, %jit3A : i32
      %ne3A_160 = arith.constant 0 : i32
      %ne3A_161 = arith.cmpi ne, %rem3A, %ne3A_160 : i32
      %and3A_162 = arith.andi %ne3A, %ne3A_161 : i1
      %sub3A = arith.constant 1 : i32
      %sub3A_163 = arith.subi %div3A, %sub3A : i32
      %select_n3A = arith.select %and3A_162, %sub3A_163, %div3A : i32
      %jit3A_164 = arith.constant 8 : i32
      %eq3A = arith.constant 0 : i32
      %eq3A_165 = arith.cmpi eq, %jit3A_164, %eq3A : i32
      %jit3A_166 = arith.constant 1 : i32
      %select_n3A_167 = arith.select %eq3A_165, %jit3A_166, %jit3A_164 : i32
      %rem3A_168 = arith.remsi %scan3A_146, %select_n3A_167 : i32
      %ne3A_169 = arith.constant 0 : i32
      %ne3A_170 = arith.cmpi ne, %rem3A_168, %ne3A_169 : i32
      %lt3A = arith.constant 0 : i32
      %lt3A_171 = arith.cmpi slt, %rem3A_168, %lt3A : i32
      %lt3A_172 = arith.constant 0 : i32
      %lt3A_173 = arith.cmpi slt, %select_n3A_167, %lt3A_172 : i32
      %ne3A_174 = arith.xori %lt3A_171, %lt3A_173 : i1
      %and3A_175 = arith.andi %ne3A_174, %ne3A_170 : i1
      %add3A_176 = arith.addi %rem3A_168, %select_n3A_167 : i32
      %select_n3A_177 = arith.select %and3A_175, %add3A_176, %rem3A_168 : i32
      %mul3A_178 = arith.constant 16 : i32
      %mul3A_179 = arith.muli %select_n3A_177, %mul3A_178 : i32
      %swap3A_180 = arith.index_cast %select_n3A : i32 to index
      %swap3A_181 = arith.index_cast %mul3A_179 : i32 to index
      %swap3A_182 = tpu.vector_load %arg6[%swap3A_180, %swap3A_181] {strides = array<i32>} : memref<80x128xf32, #tpu.memory_space<vmem>>, vector<1x16xf32>,
      %swap3A_183 = vector.shape_cast %swap3A_182 : vector<1x16xf32> to vector<16xf32>
      %swap3A_184 = vector.shape_cast %broadcast_in_dim3A_8 : vector<16xf32> to vector<1x16xf32>
      tpu.vector_store %arg6[%swap3A_180, %swap3A_181], %swap3A_184 {strides = array<i32>} : memref<80x128xf32, #tpu.memory_space<vmem>>, vector<1x16xf32>,
    }
    %scan3A_13 = arith.constant 640 : i32
    %scan3A_14 = arith.constant 0 : i32
    %scan3A_15 = arith.constant 0 : i32
    %scan3A_16 = arith.constant 8 : i32
    %scan3A_17 = arith.addi %scan3A_15, %scan3A_16 : i32
    %scan3A_18 = arith.constant 1 : i32
    scf.for %scan3A_146 = %scan3A_15 to %scan3A_17 step %scan3A_18  : i32 {
      %mul3A_147 = arith.constant 640 : i32
      %mul3A_148 = arith.muli %arg1, %mul3A_147 : i32
      %mul3A_149 = arith.constant 80 : i32
      %mul3A_150 = arith.muli %scan3A_146, %mul3A_149 : i32
      %add3A_151 = arith.addi %mul3A_148, %mul3A_150 : i32
      "tpu.region"() ({
        %run_scoped3A = tpu.sem_alloc : memref<!tpu.dma_semaphore, #tpu.memory_space<semaphore_mem>>
        %dma_start3A_152 = arith.constant 0 : i32
        %dma_start3A_153 = tpu.memref_slice %arg12[%add3A_151, %dma_start3A_152] : memref<10240x128xf32, #tpu.memory_space<vmem_shared>> -> memref<80x128xf32, #tpu.memory_space<vmem_shared>>
        %dma_start3A_154 = arith.constant 0 : i32
        %dma_start3A_155 = tpu.memref_slice %arg12[%add3A_151, %dma_start3A_154] : memref<10240x128xf32, #tpu.memory_space<vmem_shared>> -> memref<80x128xf32, #tpu.memory_space<vmem_shared>>
        tpu.enqueue_dma source(%arg6 : memref<80x128xf32, #tpu.memory_space<vmem>>) target(%dma_start3A_155 : memref<80x128xf32, #tpu.memory_space<vmem_shared>>) target_semaphore(%run_scoped3A : memref<!tpu.dma_semaphore, #tpu.memory_space<semaphore_mem>>)
        %dma_wait3A_156 = arith.constant 0 : i32
        %dma_wait3A_157 = tpu.memref_slice %arg12[%add3A_151, %dma_wait3A_156] : memref<10240x128xf32, #tpu.memory_space<vmem_shared>> -> memref<80x128xf32, #tpu.memory_space<vmem_shared>>
        %dma_wait3A_158 = arith.constant 0 : i32
        %dma_wait3A_159 = tpu.memref_slice %arg12[%add3A_151, %dma_wait3A_158] : memref<10240x128xf32, #tpu.memory_space<vmem_shared>> -> memref<80x128xf32, #tpu.memory_space<vmem_shared>>
        tpu.wait_dma2 semaphore(%run_scoped3A : memref<!tpu.dma_semaphore, #tpu.memory_space<semaphore_mem>>) src(%arg6 : memref<80x128xf32, #tpu.memory_space<vmem>>) dst(%dma_wait3A_159 : memref<80x128xf32, #tpu.memory_space<vmem_shared>>)
        tpu.yield
      }) : () -> ()
    }
    %scan3A_19 = arith.constant 8 : i32
    %dma_wait3A = arith.constant 0 : i32
    %dma_wait3A_20 = arith.constant 0 : i32
    %dma_wait3A_21 = tpu.memref_slice %arg3[%add3A, %dma_wait3A, %dma_wait3A_20] : memref<32x125x80xi32, #tpu.memory_space<hbm>> -> memref<1x125x80xi32, #tpu.memory_space<hbm>>
    %dma_wait3A_22 = tpu.memref_squeeze %dma_wait3A_21 : memref<1x125x80xi32, #tpu.memory_space<hbm>> -> memref<125x80xi32, #tpu.memory_space<hbm>>
    %dma_wait3A_23 = arith.constant 0 : i32
    %dma_wait3A_24 = arith.constant 0 : i32
    %dma_wait3A_25 = tpu.memref_slice %arg3[%add3A, %dma_wait3A_23, %dma_wait3A_24] : memref<32x125x80xi32, #tpu.memory_space<hbm>> -> memref<1x125x80xi32, #tpu.memory_space<hbm>>
    %dma_wait3A_26 = tpu.memref_squeeze %dma_wait3A_25 : memref<1x125x80xi32, #tpu.memory_space<hbm>> -> memref<125x80xi32, #tpu.memory_space<hbm>>
    tpu.wait_dma2 semaphore(%arg13 : memref<!tpu.dma_semaphore, #tpu.memory_space<semaphore_mem>>) src(%dma_wait3A_26 : memref<125x80xi32, #tpu.memory_space<hbm>>) dst(%arg5 : memref<125x80xi32, #tpu.memory_space<vmem>>)
    %get3A = arith.constant 0 : i32
    %get3A_27 = arith.index_cast %get3A : i32 to index
    %get3A_28 = arith.constant 0 : index
    %get3A_29 = tpu.vector_load %arg5[%get3A_27, %get3A_28] {strides = array<i32>} : memref<125x80xi32, #tpu.memory_space<vmem>>, vector<1x16xi32>,
    %get3A_30 = vector.shape_cast %get3A_29 : vector<1x16xi32> to vector<16xi32>
    %and3A = arith.constant 65535 : i32
    %and3A_31 = vector.broadcast %and3A : i32 to vector<16xi32>
    %and3A_32 = arith.andi %get3A_30, %and3A_31 : vector<16xi32>
    %swap3A = arith.constant 0 : index
    %swap3A_33 = tpu.vector_load %arg8[%swap3A] {strides = array<i32>} : memref<80xi32, #tpu.memory_space<vmem>>, vector<16xi32>,
    %swap3A_34 = vector.shape_cast %swap3A_33 : vector<16xi32> to vector<16xi32>
    %swap3A_35 = vector.shape_cast %and3A_32 : vector<16xi32> to vector<16xi32>
    tpu.vector_store %arg8[%swap3A], %swap3A_35 {strides = array<i32>} : memref<80xi32, #tpu.memory_space<vmem>>, vector<16xi32>,
    %shift_right_logical3A = arith.constant 16 : i32
    %shift_right_logical3A_36 = vector.broadcast %shift_right_logical3A : i32 to vector<16xi32>
    %shift_right_logical3A_37 = arith.shrui %get3A_30, %shift_right_logical3A_36 : vector<16xi32>
    %swap3A_38 = arith.constant 0 : index
    %swap3A_39 = tpu.vector_load %arg10[%swap3A_38] {strides = array<i32>} : memref<80xi32, #tpu.memory_space<vmem>>, vector<16xi32>,
    %swap3A_40 = vector.shape_cast %swap3A_39 : vector<16xi32> to vector<16xi32>
    %swap3A_41 = vector.shape_cast %shift_right_logical3A_37 : vector<16xi32> to vector<16xi32>
    tpu.vector_store %arg10[%swap3A_38], %swap3A_41 {strides = array<i32>} : memref<80xi32, #tpu.memory_space<vmem>>, vector<16xi32>,
    %get3A_42 = arith.constant 0 : i32
    %get3A_43 = arith.index_cast %get3A_42 : i32 to index
    %get3A_44 = arith.constant 16 : index
    %get3A_45 = tpu.vector_load %arg5[%get3A_43, %get3A_44] {strides = array<i32>} : memref<125x80xi32, #tpu.memory_space<vmem>>, vector<1x16xi32>,
    %get3A_46 = vector.shape_cast %get3A_45 : vector<1x16xi32> to vector<16xi32>
    %and3A_47 = arith.constant 65535 : i32
    %and3A_48 = vector.broadcast %and3A_47 : i32 to vector<16xi32>
    %and3A_49 = arith.andi %get3A_46, %and3A_48 : vector<16xi32>
    %swap3A_50 = arith.constant 16 : index
    %swap3A_51 = tpu.vector_load %arg8[%swap3A_50] {strides = array<i32>} : memref<80xi32, #tpu.memory_space<vmem>>, vector<16xi32>,
    %swap3A_52 = vector.shape_cast %swap3A_51 : vector<16xi32> to vector<16xi32>
    %swap3A_53 = vector.shape_cast %and3A_49 : vector<16xi32> to vector<16xi32>
    tpu.vector_store %arg8[%swap3A_50], %swap3A_53 {strides = array<i32>} : memref<80xi32, #tpu.memory_space<vmem>>, vector<16xi32>,
    %shift_right_logical3A_54 = arith.constant 16 : i32
    %shift_right_logical3A_55 = vector.broadcast %shift_right_logical3A_54 : i32 to vector<16xi32>
    %shift_right_logical3A_56 = arith.shrui %get3A_46, %shift_right_logical3A_55 : vector<16xi32>
    %swap3A_57 = arith.constant 16 : index
    %swap3A_58 = tpu.vector_load %arg10[%swap3A_57] {strides = array<i32>} : memref<80xi32, #tpu.memory_space<vmem>>, vector<16xi32>,
    %swap3A_59 = vector.shape_cast %swap3A_58 : vector<16xi32> to vector<16xi32>
    %swap3A_60 = vector.shape_cast %shift_right_logical3A_56 : vector<16xi32> to vector<16xi32>
    tpu.vector_store %arg10[%swap3A_57], %swap3A_60 {strides = array<i32>} : memref<80xi32, #tpu.memory_space<vmem>>, vector<16xi32>,
    %get3A_61 = arith.constant 0 : i32
    %get3A_62 = arith.index_cast %get3A_61 : i32 to index
    %get3A_63 = arith.constant 32 : index
    %get3A_64 = tpu.vector_load %arg5[%get3A_62, %get3A_63] {strides = array<i32>} : memref<125x80xi32, #tpu.memory_space<vmem>>, vector<1x16xi32>,
    %get3A_65 = vector.shape_cast %get3A_64 : vector<1x16xi32> to vector<16xi32>
    %and3A_66 = arith.constant 65535 : i32
    %and3A_67 = vector.broadcast %and3A_66 : i32 to vector<16xi32>
    %and3A_68 = arith.andi %get3A_65, %and3A_67 : vector<16xi32>
    %swap3A_69 = arith.constant 32 : index
    %swap3A_70 = tpu.vector_load %arg8[%swap3A_69] {strides = array<i32>} : memref<80xi32, #tpu.memory_space<vmem>>, vector<16xi32>,
    %swap3A_71 = vector.shape_cast %swap3A_70 : vector<16xi32> to vector<16xi32>
    %swap3A_72 = vector.shape_cast %and3A_68 : vector<16xi32> to vector<16xi32>
    tpu.vector_store %arg8[%swap3A_69], %swap3A_72 {strides = array<i32>} : memref<80xi32, #tpu.memory_space<vmem>>, vector<16xi32>,
    %shift_right_logical3A_73 = arith.constant 16 : i32
    %shift_right_logical3A_74 = vector.broadcast %shift_right_logical3A_73 : i32 to vector<16xi32>
    %shift_right_logical3A_75 = arith.shrui %get3A_65, %shift_right_logical3A_74 : vector<16xi32>
    %swap3A_76 = arith.constant 32 : index
    %swap3A_77 = tpu.vector_load %arg10[%swap3A_76] {strides = array<i32>} : memref<80xi32, #tpu.memory_space<vmem>>, vector<16xi32>,
    %swap3A_78 = vector.shape_cast %swap3A_77 : vector<16xi32> to vector<16xi32>
    %swap3A_79 = vector.shape_cast %shift_right_logical3A_75 : vector<16xi32> to vector<16xi32>
    tpu.vector_store %arg10[%swap3A_76], %swap3A_79 {strides = array<i32>} : memref<80xi32, #tpu.memory_space<vmem>>, vector<16xi32>,
    %get3A_80 = arith.constant 0 : i32
    %get3A_81 = arith.index_cast %get3A_80 : i32 to index
    %get3A_82 = arith.constant 48 : index
    %get3A_83 = tpu.vector_load %arg5[%get3A_81, %get3A_82] {strides = array<i32>} : memref<125x80xi32, #tpu.memory_space<vmem>>, vector<1x16xi32>,
    %get3A_84 = vector.shape_cast %get3A_83 : vector<1x16xi32> to vector<16xi32>
    %and3A_85 = arith.constant 65535 : i32
    %and3A_86 = vector.broadcast %and3A_85 : i32 to vector<16xi32>
    %and3A_87 = arith.andi %get3A_84, %and3A_86 : vector<16xi32>
    %swap3A_88 = arith.constant 48 : index
    %swap3A_89 = tpu.vector_load %arg8[%swap3A_88] {strides = array<i32>} : memref<80xi32, #tpu.memory_space<vmem>>, vector<16xi32>,
    %swap3A_90 = vector.shape_cast %swap3A_89 : vector<16xi32> to vector<16xi32>
    %swap3A_91 = vector.shape_cast %and3A_87 : vector<16xi32> to vector<16xi32>
    tpu.vector_store %arg8[%swap3A_88], %swap3A_91 {strides = array<i32>} : memref<80xi32, #tpu.memory_space<vmem>>, vector<16xi32>,
    %shift_right_logical3A_92 = arith.constant 16 : i32
    %shift_right_logical3A_93 = vector.broadcast %shift_right_logical3A_92 : i32 to vector<16xi32>
    %shift_right_logical3A_94 = arith.shrui %get3A_84, %shift_right_logical3A_93 : vector<16xi32>
    %swap3A_95 = arith.constant 48 : index
    %swap3A_96 = tpu.vector_load %arg10[%swap3A_95] {strides = array<i32>} : memref<80xi32, #tpu.memory_space<vmem>>, vector<16xi32>,
    %swap3A_97 = vector.shape_cast %swap3A_96 : vector<16xi32> to vector<16xi32>
    %swap3A_98 = vector.shape_cast %shift_right_logical3A_94 : vector<16xi32> to vector<16xi32>
    tpu.vector_store %arg10[%swap3A_95], %swap3A_98 {strides = array<i32>} : memref<80xi32, #tpu.memory_space<vmem>>, vector<16xi32>,
    %get3A_99 = arith.constant 0 : i32
    %get3A_100 = arith.index_cast %get3A_99 : i32 to index
    %get3A_101 = arith.constant 64 : index
    %get3A_102 = tpu.vector_load %arg5[%get3A_100, %get3A_101] {strides = array<i32>} : memref<125x80xi32, #tpu.memory_space<vmem>>, vector<1x16xi32>,
    %get3A_103 = vector.shape_cast %get3A_102 : vector<1x16xi32> to vector<16xi32>
    %and3A_104 = arith.constant 65535 : i32
    %and3A_105 = vector.broadcast %and3A_104 : i32 to vector<16xi32>
    %and3A_106 = arith.andi %get3A_103, %and3A_105 : vector<16xi32>
    %swap3A_107 = arith.constant 64 : index
    %swap3A_108 = tpu.vector_load %arg8[%swap3A_107] {strides = array<i32>} : memref<80xi32, #tpu.memory_space<vmem>>, vector<16xi32>,
    %swap3A_109 = vector.shape_cast %swap3A_108 : vector<16xi32> to vector<16xi32>
    %swap3A_110 = vector.shape_cast %and3A_106 : vector<16xi32> to vector<16xi32>
    tpu.vector_store %arg8[%swap3A_107], %swap3A_110 {strides = array<i32>} : memref<80xi32, #tpu.memory_space<vmem>>, vector<16xi32>,
    %shift_right_logical3A_111 = arith.constant 16 : i32
    %shift_right_logical3A_112 = vector.broadcast %shift_right_logical3A_111 : i32 to vector<16xi32>
    %shift_right_logical3A_113 = arith.shrui %get3A_103, %shift_right_logical3A_112 : vector<16xi32>
    %swap3A_114 = arith.constant 64 : index
    %swap3A_115 = tpu.vector_load %arg10[%swap3A_114] {strides = array<i32>} : memref<80xi32, #tpu.memory_space<vmem>>, vector<16xi32>,
    %swap3A_116 = vector.shape_cast %swap3A_115 : vector<16xi32> to vector<16xi32>
    %swap3A_117 = vector.shape_cast %shift_right_logical3A_113 : vector<16xi32> to vector<16xi32>
    tpu.vector_store %arg10[%swap3A_114], %swap3A_117 {strides = array<i32>} : memref<80xi32, #tpu.memory_space<vmem>>, vector<16xi32>,
    %dma_start3A_118 = arith.constant 0 : i32
    %dma_start3A_119 = arith.constant 0 : i32
    %dma_start3A_120 = tpu.memref_slice %arg2[%dma_start3A_118, %dma_start3A_119] : memref<30720x128xf32, #tpu.memory_space<hbm>> -> memref<30720x128xf32, #tpu.memory_space<hbm>>
    tpu.enqueue_indirect_dma source(%dma_start3A_120 : memref<30720x128xf32, #tpu.memory_space<hbm>>) target(%arg6 : memref<80x128xf32, #tpu.memory_space<vmem>>) offsets(%arg8 : memref<80xi32, #tpu.memory_space<vmem>>) semaphore(%arg13 : memref<!tpu.dma_semaphore, #tpu.memory_space<semaphore_mem>>)
    %barrier3A = arith.constant 0 : index
    tpu.barrier barrier_id(%barrier3A)
    %scan3A_121 = arith.constant 0 : i32
    %scan3A_122 = arith.constant 0 : i32
    %scan3A_123 = arith.constant 62 : i32
    %scan3A_124 = arith.addi %scan3A_122, %scan3A_123 : i32
    %scan3A_125 = arith.constant 1 : i32
    scf.for %scan3A_146 = %scan3A_122 to %scan3A_124 step %scan3A_125  : i32 {
      %mul3A_147 = arith.constant 2 : i32
      %mul3A_148 = arith.muli %scan3A_146, %mul3A_147 : i32
      %add3A_149 = arith.constant 0 : i32
      %add3A_150 = arith.addi %mul3A_148, %add3A_149 : i32
      %add3A_151 = arith.constant 1 : i32
      %add3A_152 = arith.addi %add3A_150, %add3A_151 : i32
      %lt3A = arith.constant 125 : i32
      %lt3A_153 = arith.cmpi slt, %add3A_152, %lt3A : i32
      %ge3A = arith.constant 1 : i32
      %ge3A_154 = arith.cmpi sge, %add3A_150, %ge3A : i32
      %and3A_155 = arith.andi %lt3A_153, %ge3A_154 : i1
      %convert_element_type3A_156 = arith.extui %and3A_155 : i1 to i32
      %cond3A_157 = arith.constant 0 : i32
      %cond3A_158 = arith.cmpi ne, %convert_element_type3A_156, %cond3A_157 : i32
      scf.if %cond3A_158 {
        %dma_wait3A_199 = arith.constant 0 : i32
        %dma_wait3A_200 = arith.constant 0 : i32
        %dma_wait3A_201 = tpu.memref_slice %arg12[%dma_wait3A_199, %dma_wait3A_200] : memref<10240x128xf32, #tpu.memory_space<vmem_shared>> -> memref<10240x128xf32, #tpu.memory_space<vmem_shared>>
        tpu.wait_indirect_dma semaphore(%arg16 : memref<!tpu.dma_semaphore, #tpu.memory_space<semaphore_mem>>) src(%arg7 : memref<80x128xf32, #tpu.memory_space<vmem>>) dst(%dma_wait3A_201 : memref<10240x128xf32, #tpu.memory_space<vmem_shared>>)
      } else {
      }
      %add3A_159 = arith.constant 1 : i32
      %add3A_160 = arith.addi %add3A_150, %add3A_159 : i32
      %lt3A_161 = arith.constant 125 : i32
      %lt3A_162 = arith.cmpi slt, %add3A_160, %lt3A_161 : i32
      %convert_element_type3A_163 = arith.extui %lt3A_162 : i1 to i32
      %cond3A_164 = arith.constant 0 : i32
      %cond3A_165 = arith.cmpi ne, %convert_element_type3A_163, %cond3A_164 : i32
      scf.if %cond3A_165 {
        %add3A_199 = arith.constant 1 : i32
        %add3A_200 = arith.addi %add3A_150, %add3A_199 : i32
        %get3A_201 = arith.index_cast %add3A_200 : i32 to index
        %get3A_202 = arith.constant 0 : index
        %get3A_203 = tpu.vector_load %arg5[%get3A_201, %get3A_202] {strides = array<i32>} : memref<125x80xi32, #tpu.memory_space<vmem>>, vector<1x16xi32>,
        %get3A_204 = vector.shape_cast %get3A_203 : vector<1x16xi32> to vector<16xi32>
        %and3A_205 = arith.constant 65535 : i32
        %and3A_206 = vector.broadcast %and3A_205 : i32 to vector<16xi32>
        %and3A_207 = arith.andi %get3A_204, %and3A_206 : vector<16xi32>
        %swap3A_208 = arith.constant 0 : index
        %swap3A_209 = tpu.vector_load %arg9[%swap3A_208] {strides = array<i32>} : memref<80xi32, #tpu.memory_space<vmem>>, vector<16xi32>,
        %swap3A_210 = vector.shape_cast %swap3A_209 : vector<16xi32> to vector<16xi32>
        %swap3A_211 = vector.shape_cast %and3A_207 : vector<16xi32> to vector<16xi32>
        tpu.vector_store %arg9[%swap3A_208], %swap3A_211 {strides = array<i32>} : memref<80xi32, #tpu.memory_space<vmem>>, vector<16xi32>,
        %shift_right_logical3A_212 = arith.constant 16 : i32
        %shift_right_logical3A_213 = vector.broadcast %shift_right_logical3A_212 : i32 to vector<16xi32>
        %shift_right_logical3A_214 = arith.shrui %get3A_204, %shift_right_logical3A_213 : vector<16xi32>
        %swap3A_215 = arith.constant 0 : index
        %swap3A_216 = tpu.vector_load %arg11[%swap3A_215] {strides = array<i32>} : memref<80xi32, #tpu.memory_space<vmem>>, vector<16xi32>,
        %swap3A_217 = vector.shape_cast %swap3A_216 : vector<16xi32> to vector<16xi32>
        %swap3A_218 = vector.shape_cast %shift_right_logical3A_214 : vector<16xi32> to vector<16xi32>
        tpu.vector_store %arg11[%swap3A_215], %swap3A_218 {strides = array<i32>} : memref<80xi32, #tpu.memory_space<vmem>>, vector<16xi32>,
        %get3A_219 = arith.index_cast %add3A_200 : i32 to index
        %get3A_220 = arith.constant 16 : index
        %get3A_221 = tpu.vector_load %arg5[%get3A_219, %get3A_220] {strides = array<i32>} : memref<125x80xi32, #tpu.memory_space<vmem>>, vector<1x16xi32>,
        %get3A_222 = vector.shape_cast %get3A_221 : vector<1x16xi32> to vector<16xi32>
        %and3A_223 = arith.constant 65535 : i32
        %and3A_224 = vector.broadcast %and3A_223 : i32 to vector<16xi32>
        %and3A_225 = arith.andi %get3A_222, %and3A_224 : vector<16xi32>
        %swap3A_226 = arith.constant 16 : index
        %swap3A_227 = tpu.vector_load %arg9[%swap3A_226] {strides = array<i32>} : memref<80xi32, #tpu.memory_space<vmem>>, vector<16xi32>,
        %swap3A_228 = vector.shape_cast %swap3A_227 : vector<16xi32> to vector<16xi32>
        %swap3A_229 = vector.shape_cast %and3A_225 : vector<16xi32> to vector<16xi32>
        tpu.vector_store %arg9[%swap3A_226], %swap3A_229 {strides = array<i32>} : memref<80xi32, #tpu.memory_space<vmem>>, vector<16xi32>,
        %shift_right_logical3A_230 = arith.constant 16 : i32
        %shift_right_logical3A_231 = vector.broadcast %shift_right_logical3A_230 : i32 to vector<16xi32>
        %shift_right_logical3A_232 = arith.shrui %get3A_222, %shift_right_logical3A_231 : vector<16xi32>
        %swap3A_233 = arith.constant 16 : index
        %swap3A_234 = tpu.vector_load %arg11[%swap3A_233] {strides = array<i32>} : memref<80xi32, #tpu.memory_space<vmem>>, vector<16xi32>,
        %swap3A_235 = vector.shape_cast %swap3A_234 : vector<16xi32> to vector<16xi32>
        %swap3A_236 = vector.shape_cast %shift_right_logical3A_232 : vector<16xi32> to vector<16xi32>
        tpu.vector_store %arg11[%swap3A_233], %swap3A_236 {strides = array<i32>} : memref<80xi32, #tpu.memory_space<vmem>>, vector<16xi32>,
        %get3A_237 = arith.index_cast %add3A_200 : i32 to index
        %get3A_238 = arith.constant 32 : index
        %get3A_239 = tpu.vector_load %arg5[%get3A_237, %get3A_238] {strides = array<i32>} : memref<125x80xi32, #tpu.memory_space<vmem>>, vector<1x16xi32>,
        %get3A_240 = vector.shape_cast %get3A_239 : vector<1x16xi32> to vector<16xi32>
        %and3A_241 = arith.constant 65535 : i32
        %and3A_242 = vector.broadcast %and3A_241 : i32 to vector<16xi32>
        %and3A_243 = arith.andi %get3A_240, %and3A_242 : vector<16xi32>
        %swap3A_244 = arith.constant 32 : index
        %swap3A_245 = tpu.vector_load %arg9[%swap3A_244] {strides = array<i32>} : memref<80xi32, #tpu.memory_space<vmem>>, vector<16xi32>,
        %swap3A_246 = vector.shape_cast %swap3A_245 : vector<16xi32> to vector<16xi32>
        %swap3A_247 = vector.shape_cast %and3A_243 : vector<16xi32> to vector<16xi32>
        tpu.vector_store %arg9[%swap3A_244], %swap3A_247 {strides = array<i32>} : memref<80xi32, #tpu.memory_space<vmem>>, vector<16xi32>,
        %shift_right_logical3A_248 = arith.constant 16 : i32
        %shift_right_logical3A_249 = vector.broadcast %shift_right_logical3A_248 : i32 to vector<16xi32>
        %shift_right_logical3A_250 = arith.shrui %get3A_240, %shift_right_logical3A_249 : vector<16xi32>
        %swap3A_251 = arith.constant 32 : index
        %swap3A_252 = tpu.vector_load %arg11[%swap3A_251] {strides = array<i32>} : memref<80xi32, #tpu.memory_space<vmem>>, vector<16xi32>,
        %swap3A_253 = vector.shape_cast %swap3A_252 : vector<16xi32> to vector<16xi32>
        %swap3A_254 = vector.shape_cast %shift_right_logical3A_250 : vector<16xi32> to vector<16xi32>
        tpu.vector_store %arg11[%swap3A_251], %swap3A_254 {strides = array<i32>} : memref<80xi32, #tpu.memory_space<vmem>>, vector<16xi32>,
        %get3A_255 = arith.index_cast %add3A_200 : i32 to index
        %get3A_256 = arith.constant 48 : index
        %get3A_257 = tpu.vector_load %arg5[%get3A_255, %get3A_256] {strides = array<i32>} : memref<125x80xi32, #tpu.memory_space<vmem>>, vector<1x16xi32>,
        %get3A_258 = vector.shape_cast %get3A_257 : vector<1x16xi32> to vector<16xi32>
        %and3A_259 = arith.constant 65535 : i32
        %and3A_260 = vector.broadcast %and3A_259 : i32 to vector<16xi32>
        %and3A_261 = arith.andi %get3A_258, %and3A_260 : vector<16xi32>
        %swap3A_262 = arith.constant 48 : index
        %swap3A_263 = tpu.vector_load %arg9[%swap3A_262] {strides = array<i32>} : memref<80xi32, #tpu.memory_space<vmem>>, vector<16xi32>,
        %swap3A_264 = vector.shape_cast %swap3A_263 : vector<16xi32> to vector<16xi32>
        %swap3A_265 = vector.shape_cast %and3A_261 : vector<16xi32> to vector<16xi32>
        tpu.vector_store %arg9[%swap3A_262], %swap3A_265 {strides = array<i32>} : memref<80xi32, #tpu.memory_space<vmem>>, vector<16xi32>,
        %shift_right_logical3A_266 = arith.constant 16 : i32
        %shift_right_logical3A_267 = vector.broadcast %shift_right_logical3A_266 : i32 to vector<16xi32>
        %shift_right_logical3A_268 = arith.shrui %get3A_258, %shift_right_logical3A_267 : vector<16xi32>
        %swap3A_269 = arith.constant 48 : index
        %swap3A_270 = tpu.vector_load %arg11[%swap3A_269] {strides = array<i32>} : memref<80xi32, #tpu.memory_space<vmem>>, vector<16xi32>,
        %swap3A_271 = vector.shape_cast %swap3A_270 : vector<16xi32> to vector<16xi32>
        %swap3A_272 = vector.shape_cast %shift_right_logical3A_268 : vector<16xi32> to vector<16xi32>
        tpu.vector_store %arg11[%swap3A_269], %swap3A_272 {strides = array<i32>} : memref<80xi32, #tpu.memory_space<vmem>>, vector<16xi32>,
        %get3A_273 = arith.index_cast %add3A_200 : i32 to index
        %get3A_274 = arith.constant 64 : index
        %get3A_275 = tpu.vector_load %arg5[%get3A_273, %get3A_274] {strides = array<i32>} : memref<125x80xi32, #tpu.memory_space<vmem>>, vector<1x16xi32>,
        %get3A_276 = vector.shape_cast %get3A_275 : vector<1x16xi32> to vector<16xi32>
        %and3A_277 = arith.constant 65535 : i32
        %and3A_278 = vector.broadcast %and3A_277 : i32 to vector<16xi32>
        %and3A_279 = arith.andi %get3A_276, %and3A_278 : vector<16xi32>
        %swap3A_280 = arith.constant 64 : index
        %swap3A_281 = tpu.vector_load %arg9[%swap3A_280] {strides = array<i32>} : memref<80xi32, #tpu.memory_space<vmem>>, vector<16xi32>,
        %swap3A_282 = vector.shape_cast %swap3A_281 : vector<16xi32> to vector<16xi32>
        %swap3A_283 = vector.shape_cast %and3A_279 : vector<16xi32> to vector<16xi32>
        tpu.vector_store %arg9[%swap3A_280], %swap3A_283 {strides = array<i32>} : memref<80xi32, #tpu.memory_space<vmem>>, vector<16xi32>,
        %shift_right_logical3A_284 = arith.constant 16 : i32
        %shift_right_logical3A_285 = vector.broadcast %shift_right_logical3A_284 : i32 to vector<16xi32>
        %shift_right_logical3A_286 = arith.shrui %get3A_276, %shift_right_logical3A_285 : vector<16xi32>
        %swap3A_287 = arith.constant 64 : index
        %swap3A_288 = tpu.vector_load %arg11[%swap3A_287] {strides = array<i32>} : memref<80xi32, #tpu.memory_space<vmem>>, vector<16xi32>,
        %swap3A_289 = vector.shape_cast %swap3A_288 : vector<16xi32> to vector<16xi32>
        %swap3A_290 = vector.shape_cast %shift_right_logical3A_286 : vector<16xi32> to vector<16xi32>
        tpu.vector_store %arg11[%swap3A_287], %swap3A_290 {strides = array<i32>} : memref<80xi32, #tpu.memory_space<vmem>>, vector<16xi32>,
        %dma_start3A_291 = arith.constant 0 : i32
        %dma_start3A_292 = arith.constant 0 : i32
        %dma_start3A_293 = tpu.memref_slice %arg2[%dma_start3A_291, %dma_start3A_292] : memref<30720x128xf32, #tpu.memory_space<hbm>> -> memref<30720x128xf32, #tpu.memory_space<hbm>>
        tpu.enqueue_indirect_dma source(%dma_start3A_293 : memref<30720x128xf32, #tpu.memory_space<hbm>>) target(%arg7 : memref<80x128xf32, #tpu.memory_space<vmem>>) offsets(%arg9 : memref<80xi32, #tpu.memory_space<vmem>>) semaphore(%arg14 : memref<!tpu.dma_semaphore, #tpu.memory_space<semaphore_mem>>)
      } else {
      }
      %dma_wait3A_166 = arith.constant 0 : i32
      %dma_wait3A_167 = arith.constant 0 : i32
      %dma_wait3A_168 = tpu.memref_slice %arg2[%dma_wait3A_166, %dma_wait3A_167] : memref<30720x128xf32, #tpu.memory_space<hbm>> -> memref<30720x128xf32, #tpu.memory_space<hbm>>
      tpu.wait_indirect_dma semaphore(%arg13 : memref<!tpu.dma_semaphore, #tpu.memory_space<semaphore_mem>>) src(%dma_wait3A_168 : memref<30720x128xf32, #tpu.memory_space<hbm>>) dst(%arg6 : memref<80x128xf32, #tpu.memory_space<vmem>>)
      %dma_start3A_169 = arith.constant 0 : i32
      %dma_start3A_170 = arith.constant 0 : i32
      %dma_start3A_171 = tpu.memref_slice %arg12[%dma_start3A_169, %dma_start3A_170] : memref<10240x128xf32, #tpu.memory_space<vmem_shared>> -> memref<10240x128xf32, #tpu.memory_space<vmem_shared>>
      tpu.enqueue_indirect_dma source(%arg6 : memref<80x128xf32, #tpu.memory_space<vmem>>) target(%dma_start3A_171 : memref<10240x128xf32, #tpu.memory_space<vmem_shared>>) offsets(%arg10 : memref<80xi32, #tpu.memory_space<vmem>>) semaphore(%arg15 : memref<!tpu.dma_semaphore, #tpu.memory_space<semaphore_mem>>) {add = true}
      %mul3A_172 = arith.constant 2 : i32
      %mul3A_173 = arith.muli %scan3A_146, %mul3A_172 : i32
      %add3A_174 = arith.constant 1 : i32
      %add3A_175 = arith.addi %mul3A_173, %add3A_174 : i32
      %add3A_176 = arith.constant 1 : i32
      %add3A_177 = arith.addi %add3A_175, %add3A_176 : i32
      %lt3A_178 = arith.constant 125 : i32
      %lt3A_179 = arith.cmpi slt, %add3A_177, %lt3A_178 : i32
      %ge3A_180 = arith.constant 1 : i32
      %ge3A_181 = arith.cmpi sge, %add3A_175, %ge3A_180 : i32
      %and3A_182 = arith.andi %lt3A_179, %ge3A_181 : i1
      %convert_element_type3A_183 = arith.extui %and3A_182 : i1 to i32
      %cond3A_184 = arith.constant 0 : i32
      %cond3A_185 = arith.cmpi ne, %convert_element_type3A_183, %cond3A_184 : i32
      scf.if %cond3A_185 {
        %dma_wait3A_199 = arith.constant 0 : i32
        %dma_wait3A_200 = arith.constant 0 : i32
        %dma_wait3A_201 = tpu.memref_slice %arg12[%dma_wait3A_199, %dma_wait3A_200] : memref<10240x128xf32, #tpu.memory_space<vmem_shared>> -> memref<10240x128xf32, #tpu.memory_space<vmem_shared>>
        tpu.wait_indirect_dma semaphore(%arg15 : memref<!tpu.dma_semaphore, #tpu.memory_space<semaphore_mem>>) src(%arg6 : memref<80x128xf32, #tpu.memory_space<vmem>>) dst(%dma_wait3A_201 : memref<10240x128xf32, #tpu.memory_space<vmem_shared>>)
      } else {
      }
      %add3A_186 = arith.constant 1 : i32
      %add3A_187 = arith.addi %add3A_175, %add3A_186 : i32
      %lt3A_188 = arith.constant 125 : i32
      %lt3A_189 = arith.cmpi slt, %add3A_187, %lt3A_188 : i32
      %convert_element_type3A_190 = arith.extui %lt3A_189 : i1 to i32
      %cond3A_191 = arith.constant 0 : i32
      %cond3A_192 = arith.cmpi ne, %convert_element_type3A_190, %cond3A_191 : i32
      scf.if %cond3A_192 {
        %add3A_199 = arith.constant 1 : i32
        %add3A_200 = arith.addi %add3A_175, %add3A_199 : i32
        %get3A_201 = arith.index_cast %add3A_200 : i32 to index
        %get3A_202 = arith.constant 0 : index
        %get3A_203 = tpu.vector_load %arg5[%get3A_201, %get3A_202] {strides = array<i32>} : memref<125x80xi32, #tpu.memory_space<vmem>>, vector<1x16xi32>,
        %get3A_204 = vector.shape_cast %get3A_203 : vector<1x16xi32> to vector<16xi32>
        %and3A_205 = arith.constant 65535 : i32
        %and3A_206 = vector.broadcast %and3A_205 : i32 to vector<16xi32>
        %and3A_207 = arith.andi %get3A_204, %and3A_206 : vector<16xi32>
        %swap3A_208 = arith.constant 0 : index
        %swap3A_209 = tpu.vector_load %arg8[%swap3A_208] {strides = array<i32>} : memref<80xi32, #tpu.memory_space<vmem>>, vector<16xi32>,
        %swap3A_210 = vector.shape_cast %swap3A_209 : vector<16xi32> to vector<16xi32>
        %swap3A_211 = vector.shape_cast %and3A_207 : vector<16xi32> to vector<16xi32>
        tpu.vector_store %arg8[%swap3A_208], %swap3A_211 {strides = array<i32>} : memref<80xi32, #tpu.memory_space<vmem>>, vector<16xi32>,
        %shift_right_logical3A_212 = arith.constant 16 : i32
        %shift_right_logical3A_213 = vector.broadcast %shift_right_logical3A_212 : i32 to vector<16xi32>
        %shift_right_logical3A_214 = arith.shrui %get3A_204, %shift_right_logical3A_213 : vector<16xi32>
        %swap3A_215 = arith.constant 0 : index
        %swap3A_216 = tpu.vector_load %arg10[%swap3A_215] {strides = array<i32>} : memref<80xi32, #tpu.memory_space<vmem>>, vector<16xi32>,
        %swap3A_217 = vector.shape_cast %swap3A_216 : vector<16xi32> to vector<16xi32>
        %swap3A_218 = vector.shape_cast %shift_right_logical3A_214 : vector<16xi32> to vector<16xi32>
        tpu.vector_store %arg10[%swap3A_215], %swap3A_218 {strides = array<i32>} : memref<80xi32, #tpu.memory_space<vmem>>, vector<16xi32>,
        %get3A_219 = arith.index_cast %add3A_200 : i32 to index
        %get3A_220 = arith.constant 16 : index
        %get3A_221 = tpu.vector_load %arg5[%get3A_219, %get3A_220] {strides = array<i32>} : memref<125x80xi32, #tpu.memory_space<vmem>>, vector<1x16xi32>,
        %get3A_222 = vector.shape_cast %get3A_221 : vector<1x16xi32> to vector<16xi32>
        %and3A_223 = arith.constant 65535 : i32
        %and3A_224 = vector.broadcast %and3A_223 : i32 to vector<16xi32>
        %and3A_225 = arith.andi %get3A_222, %and3A_224 : vector<16xi32>
        %swap3A_226 = arith.constant 16 : index
        %swap3A_227 = tpu.vector_load %arg8[%swap3A_226] {strides = array<i32>} : memref<80xi32, #tpu.memory_space<vmem>>, vector<16xi32>,
        %swap3A_228 = vector.shape_cast %swap3A_227 : vector<16xi32> to vector<16xi32>
        %swap3A_229 = vector.shape_cast %and3A_225 : vector<16xi32> to vector<16xi32>
        tpu.vector_store %arg8[%swap3A_226], %swap3A_229 {strides = array<i32>} : memref<80xi32, #tpu.memory_space<vmem>>, vector<16xi32>,
        %shift_right_logical3A_230 = arith.constant 16 : i32
        %shift_right_logical3A_231 = vector.broadcast %shift_right_logical3A_230 : i32 to vector<16xi32>
        %shift_right_logical3A_232 = arith.shrui %get3A_222, %shift_right_logical3A_231 : vector<16xi32>
        %swap3A_233 = arith.constant 16 : index
        %swap3A_234 = tpu.vector_load %arg10[%swap3A_233] {strides = array<i32>} : memref<80xi32, #tpu.memory_space<vmem>>, vector<16xi32>,
        %swap3A_235 = vector.shape_cast %swap3A_234 : vector<16xi32> to vector<16xi32>
        %swap3A_236 = vector.shape_cast %shift_right_logical3A_232 : vector<16xi32> to vector<16xi32>
        tpu.vector_store %arg10[%swap3A_233], %swap3A_236 {strides = array<i32>} : memref<80xi32, #tpu.memory_space<vmem>>, vector<16xi32>,
        %get3A_237 = arith.index_cast %add3A_200 : i32 to index
        %get3A_238 = arith.constant 32 : index
        %get3A_239 = tpu.vector_load %arg5[%get3A_237, %get3A_238] {strides = array<i32>} : memref<125x80xi32, #tpu.memory_space<vmem>>, vector<1x16xi32>,
        %get3A_240 = vector.shape_cast %get3A_239 : vector<1x16xi32> to vector<16xi32>
        %and3A_241 = arith.constant 65535 : i32
        %and3A_242 = vector.broadcast %and3A_241 : i32 to vector<16xi32>
        %and3A_243 = arith.andi %get3A_240, %and3A_242 : vector<16xi32>
        %swap3A_244 = arith.constant 32 : index
        %swap3A_245 = tpu.vector_load %arg8[%swap3A_244] {strides = array<i32>} : memref<80xi32, #tpu.memory_space<vmem>>, vector<16xi32>,
        %swap3A_246 = vector.shape_cast %swap3A_245 : vector<16xi32> to vector<16xi32>
        %swap3A_247 = vector.shape_cast %and3A_243 : vector<16xi32> to vector<16xi32>
        tpu.vector_store %arg8[%swap3A_244], %swap3A_247 {strides = array<i32>} : memref<80xi32, #tpu.memory_space<vmem>>, vector<16xi32>,
        %shift_right_logical3A_248 = arith.constant 16 : i32
        %shift_right_logical3A_249 = vector.broadcast %shift_right_logical3A_248 : i32 to vector<16xi32>
        %shift_right_logical3A_250 = arith.shrui %get3A_240, %shift_right_logical3A_249 : vector<16xi32>
        %swap3A_251 = arith.constant 32 : index
        %swap3A_252 = tpu.vector_load %arg10[%swap3A_251] {strides = array<i32>} : memref<80xi32, #tpu.memory_space<vmem>>, vector<16xi32>,
        %swap3A_253 = vector.shape_cast %swap3A_252 : vector<16xi32> to vector<16xi32>
        %swap3A_254 = vector.shape_cast %shift_right_logical3A_250 : vector<16xi32> to vector<16xi32>
        tpu.vector_store %arg10[%swap3A_251], %swap3A_254 {strides = array<i32>} : memref<80xi32, #tpu.memory_space<vmem>>, vector<16xi32>,
        %get3A_255 = arith.index_cast %add3A_200 : i32 to index
        %get3A_256 = arith.constant 48 : index
        %get3A_257 = tpu.vector_load %arg5[%get3A_255, %get3A_256] {strides = array<i32>} : memref<125x80xi32, #tpu.memory_space<vmem>>, vector<1x16xi32>,
        %get3A_258 = vector.shape_cast %get3A_257 : vector<1x16xi32> to vector<16xi32>
        %and3A_259 = arith.constant 65535 : i32
        %and3A_260 = vector.broadcast %and3A_259 : i32 to vector<16xi32>
        %and3A_261 = arith.andi %get3A_258, %and3A_260 : vector<16xi32>
        %swap3A_262 = arith.constant 48 : index
        %swap3A_263 = tpu.vector_load %arg8[%swap3A_262] {strides = array<i32>} : memref<80xi32, #tpu.memory_space<vmem>>, vector<16xi32>,
        %swap3A_264 = vector.shape_cast %swap3A_263 : vector<16xi32> to vector<16xi32>
        %swap3A_265 = vector.shape_cast %and3A_261 : vector<16xi32> to vector<16xi32>
        tpu.vector_store %arg8[%swap3A_262], %swap3A_265 {strides = array<i32>} : memref<80xi32, #tpu.memory_space<vmem>>, vector<16xi32>,
        %shift_right_logical3A_266 = arith.constant 16 : i32
        %shift_right_logical3A_267 = vector.broadcast %shift_right_logical3A_266 : i32 to vector<16xi32>
        %shift_right_logical3A_268 = arith.shrui %get3A_258, %shift_right_logical3A_267 : vector<16xi32>
        %swap3A_269 = arith.constant 48 : index
        %swap3A_270 = tpu.vector_load %arg10[%swap3A_269] {strides = array<i32>} : memref<80xi32, #tpu.memory_space<vmem>>, vector<16xi32>,
        %swap3A_271 = vector.shape_cast %swap3A_270 : vector<16xi32> to vector<16xi32>
        %swap3A_272 = vector.shape_cast %shift_right_logical3A_268 : vector<16xi32> to vector<16xi32>
        tpu.vector_store %arg10[%swap3A_269], %swap3A_272 {strides = array<i32>} : memref<80xi32, #tpu.memory_space<vmem>>, vector<16xi32>,
        %get3A_273 = arith.index_cast %add3A_200 : i32 to index
        %get3A_274 = arith.constant 64 : index
        %get3A_275 = tpu.vector_load %arg5[%get3A_273, %get3A_274] {strides = array<i32>} : memref<125x80xi32, #tpu.memory_space<vmem>>, vector<1x16xi32>,
        %get3A_276 = vector.shape_cast %get3A_275 : vector<1x16xi32> to vector<16xi32>
        %and3A_277 = arith.constant 65535 : i32
        %and3A_278 = vector.broadcast %and3A_277 : i32 to vector<16xi32>
        %and3A_279 = arith.andi %get3A_276, %and3A_278 : vector<16xi32>
        %swap3A_280 = arith.constant 64 : index
        %swap3A_281 = tpu.vector_load %arg8[%swap3A_280] {strides = array<i32>} : memref<80xi32, #tpu.memory_space<vmem>>, vector<16xi32>,
        %swap3A_282 = vector.shape_cast %swap3A_281 : vector<16xi32> to vector<16xi32>
        %swap3A_283 = vector.shape_cast %and3A_279 : vector<16xi32> to vector<16xi32>
        tpu.vector_store %arg8[%swap3A_280], %swap3A_283 {strides = array<i32>} : memref<80xi32, #tpu.memory_space<vmem>>, vector<16xi32>,
        %shift_right_logical3A_284 = arith.constant 16 : i32
        %shift_right_logical3A_285 = vector.broadcast %shift_right_logical3A_284 : i32 to vector<16xi32>
        %shift_right_logical3A_286 = arith.shrui %get3A_276, %shift_right_logical3A_285 : vector<16xi32>
        %swap3A_287 = arith.constant 64 : index
        %swap3A_288 = tpu.vector_load %arg10[%swap3A_287] {strides = array<i32>} : memref<80xi32, #tpu.memory_space<vmem>>, vector<16xi32>,
        %swap3A_289 = vector.shape_cast %swap3A_288 : vector<16xi32> to vector<16xi32>
        %swap3A_290 = vector.shape_cast %shift_right_logical3A_286 : vector<16xi32> to vector<16xi32>
        tpu.vector_store %arg10[%swap3A_287], %swap3A_290 {strides = array<i32>} : memref<80xi32, #tpu.memory_space<vmem>>, vector<16xi32>,
        %dma_start3A_291 = arith.constant 0 : i32
        %dma_start3A_292 = arith.constant 0 : i32
        %dma_start3A_293 = tpu.memref_slice %arg2[%dma_start3A_291, %dma_start3A_292] : memref<30720x128xf32, #tpu.memory_space<hbm>> -> memref<30720x128xf32, #tpu.memory_space<hbm>>
        tpu.enqueue_indirect_dma source(%dma_start3A_293 : memref<30720x128xf32, #tpu.memory_space<hbm>>) target(%arg6 : memref<80x128xf32, #tpu.memory_space<vmem>>) offsets(%arg8 : memref<80xi32, #tpu.memory_space<vmem>>) semaphore(%arg13 : memref<!tpu.dma_semaphore, #tpu.memory_space<semaphore_mem>>)
      } else {
      }
      %dma_wait3A_193 = arith.constant 0 : i32
      %dma_wait3A_194 = arith.constant 0 : i32
      %dma_wait3A_195 = tpu.memref_slice %arg2[%dma_wait3A_193, %dma_wait3A_194] : memref<30720x128xf32, #tpu.memory_space<hbm>> -> memref<30720x128xf32, #tpu.memory_space<hbm>>
      tpu.wait_indirect_dma semaphore(%arg14 : memref<!tpu.dma_semaphore, #tpu.memory_space<semaphore_mem>>) src(%dma_wait3A_195 : memref<30720x128xf32, #tpu.memory_space<hbm>>) dst(%arg7 : memref<80x128xf32, #tpu.memory_space<vmem>>)
      %dma_start3A_196 = arith.constant 0 : i32
      %dma_start3A_197 = arith.constant 0 : i32
      %dma_start3A_198 = tpu.memref_slice %arg12[%dma_start3A_196, %dma_start3A_197] : memref<10240x128xf32, #tpu.memory_space<vmem_shared>> -> memref<10240x128xf32, #tpu.memory_space<vmem_shared>>
      tpu.enqueue_indirect_dma source(%arg7 : memref<80x128xf32, #tpu.memory_space<vmem>>) target(%dma_start3A_198 : memref<10240x128xf32, #tpu.memory_space<vmem_shared>>) offsets(%arg11 : memref<80xi32, #tpu.memory_space<vmem>>) semaphore(%arg16 : memref<!tpu.dma_semaphore, #tpu.memory_space<semaphore_mem>>) {add = true}
    }
    %scan3A_126 = arith.constant 62 : i32
    %and3A_127 = arith.constant false
    %and3A_128 = arith.constant true
    %and3A_129 = arith.andi %and3A_127, %and3A_128 : i1
    %convert_element_type3A = arith.extui %and3A_129 : i1 to i32
    %cond3A = arith.constant 0 : i32
    %cond3A_130 = arith.cmpi ne, %convert_element_type3A, %cond3A : i32
    scf.if %cond3A_130 {
      %dma_wait3A_146 = arith.constant 0 : i32
      %dma_wait3A_147 = arith.constant 0 : i32
      %dma_wait3A_148 = tpu.memref_slice %arg12[%dma_wait3A_146, %dma_wait3A_147] : memref<10240x128xf32, #tpu.memory_space<vmem_shared>> -> memref<10240x128xf32, #tpu.memory_space<vmem_shared>>
      tpu.wait_indirect_dma semaphore(%arg16 : memref<!tpu.dma_semaphore, #tpu.memory_space<semaphore_mem>>) src(%arg7 : memref<80x128xf32, #tpu.memory_space<vmem>>) dst(%dma_wait3A_148 : memref<10240x128xf32, #tpu.memory_space<vmem_shared>>)
    } else {
    }
    %dma_wait3A_131 = arith.constant 0 : i32
    %dma_wait3A_132 = arith.constant 0 : i32
    %dma_wait3A_133 = tpu.memref_slice %arg2[%dma_wait3A_131, %dma_wait3A_132] : memref<30720x128xf32, #tpu.memory_space<hbm>> -> memref<30720x128xf32, #tpu.memory_space<hbm>>
    tpu.wait_indirect_dma semaphore(%arg13 : memref<!tpu.dma_semaphore, #tpu.memory_space<semaphore_mem>>) src(%dma_wait3A_133 : memref<30720x128xf32, #tpu.memory_space<hbm>>) dst(%arg6 : memref<80x128xf32, #tpu.memory_space<vmem>>)
    %dma_start3A_134 = arith.constant 0 : i32
    %dma_start3A_135 = arith.constant 0 : i32
    %dma_start3A_136 = tpu.memref_slice %arg12[%dma_start3A_134, %dma_start3A_135] : memref<10240x128xf32, #tpu.memory_space<vmem_shared>> -> memref<10240x128xf32, #tpu.memory_space<vmem_shared>>
    tpu.enqueue_indirect_dma source(%arg6 : memref<80x128xf32, #tpu.memory_space<vmem>>) target(%dma_start3A_136 : memref<10240x128xf32, #tpu.memory_space<vmem_shared>>) offsets(%arg10 : memref<80xi32, #tpu.memory_space<vmem>>) semaphore(%arg15 : memref<!tpu.dma_semaphore, #tpu.memory_space<semaphore_mem>>) {add = true}
    %dma_wait3A_137 = arith.constant 0 : i32
    %dma_wait3A_138 = arith.constant 0 : i32
    %dma_wait3A_139 = tpu.memref_slice %arg12[%dma_wait3A_137, %dma_wait3A_138] : memref<10240x128xf32, #tpu.memory_space<vmem_shared>> -> memref<10240x128xf32, #tpu.memory_space<vmem_shared>>
    tpu.wait_indirect_dma semaphore(%arg16 : memref<!tpu.dma_semaphore, #tpu.memory_space<semaphore_mem>>) src(%arg7 : memref<80x128xf32, #tpu.memory_space<vmem>>) dst(%dma_wait3A_139 : memref<10240x128xf32, #tpu.memory_space<vmem_shared>>)
    %dma_wait3A_140 = arith.constant 0 : i32
    %dma_wait3A_141 = arith.constant 0 : i32
    %dma_wait3A_142 = tpu.memref_slice %arg12[%dma_wait3A_140, %dma_wait3A_141] : memref<10240x128xf32, #tpu.memory_space<vmem_shared>> -> memref<10240x128xf32, #tpu.memory_space<vmem_shared>>
    tpu.wait_indirect_dma semaphore(%arg15 : memref<!tpu.dma_semaphore, #tpu.memory_space<semaphore_mem>>) src(%arg6 : memref<80x128xf32, #tpu.memory_space<vmem>>) dst(%dma_wait3A_142 : memref<10240x128xf32, #tpu.memory_space<vmem_shared>>)
    %barrier3A_143 = arith.constant 0 : index
    tpu.barrier barrier_id(%barrier3A_143)
    %mul3A_144 = arith.constant 640 : i32
    %mul3A_145 = arith.muli %arg1, %mul3A_144 : i32
    "tpu.region"() ({
      %run_scoped3A = tpu.sem_alloc : memref<!tpu.dma_semaphore, #tpu.memory_space<semaphore_mem>>
      %dma_start3A_146 = arith.constant 0 : i32
      %dma_start3A_147 = tpu.memref_slice %arg4[%arg0, %mul3A_145, %dma_start3A_146] : memref<2x10240x128xf32, #tpu.memory_space<hbm>> -> memref<1x640x128xf32, #tpu.memory_space<hbm>>
      %dma_start3A_148 = tpu.memref_squeeze %dma_start3A_147 : memref<1x640x128xf32, #tpu.memory_space<hbm>> -> memref<640x128xf32, #tpu.memory_space<hbm>>
      %dma_start3A_149 = arith.constant 0 : i32
      %dma_start3A_150 = tpu.memref_slice %arg12[%mul3A_145, %dma_start3A_149] : memref<10240x128xf32, #tpu.memory_space<vmem_shared>> -> memref<640x128xf32, #tpu.memory_space<vmem_shared>>
      tpu.enqueue_dma source(%dma_start3A_150 : memref<640x128xf32, #tpu.memory_space<vmem_shared>>) target(%dma_start3A_148 : memref<640x128xf32, #tpu.memory_space<hbm>>) target_semaphore(%run_scoped3A : memref<!tpu.dma_semaphore, #tpu.memory_space<semaphore_mem>>)
      %dma_wait3A_151 = arith.constant 0 : i32
      %dma_wait3A_152 = tpu.memref_slice %arg4[%arg0, %mul3A_145, %dma_wait3A_151] : memref<2x10240x128xf32, #tpu.memory_space<hbm>> -> memref<1x640x128xf32, #tpu.memory_space<hbm>>
      %dma_wait3A_153 = tpu.memref_squeeze %dma_wait3A_152 : memref<1x640x128xf32, #tpu.memory_space<hbm>> -> memref<640x128xf32, #tpu.memory_space<hbm>>
      %dma_wait3A_154 = arith.constant 0 : i32
      %dma_wait3A_155 = tpu.memref_slice %arg12[%mul3A_145, %dma_wait3A_154] : memref<10240x128xf32, #tpu.memory_space<vmem_shared>> -> memref<640x128xf32, #tpu.memory_space<vmem_shared>>
      tpu.wait_dma2 semaphore(%run_scoped3A : memref<!tpu.dma_semaphore, #tpu.memory_space<semaphore_mem>>) src(%dma_wait3A_155 : memref<640x128xf32, #tpu.memory_space<vmem_shared>>) dst(%dma_wait3A_153 : memref<640x128xf32, #tpu.memory_space<hbm>>)
      tpu.yield
    }) : () -> ()
    return
  }
}

#map = affine_map<(d0, d1) -> (0, 0)>
#map1 = affine_map<(d0, d1) -> (0, 0, 0)>
module attributes {stable_mosaic.version = 14 : i64} {
  func.func @_sc_agg_body(%arg0: i32, %arg1: i32, %arg2: memref<30720x128xf32, #tpu.memory_space<hbm>>, %arg3: memref<32x125x80xi32, #tpu.memory_space<hbm>>, %arg4: memref<2x10240x128xf32, #tpu.memory_space<hbm>>, %arg5: memref<125x80xi32, #tpu.memory_space<vmem>>, %arg6: memref<80x128xf32, #tpu.memory_space<vmem>>, %arg7: memref<80x128xf32, #tpu.memory_space<vmem>>, %arg8: memref<80xi32, #tpu.memory_space<vmem>>, %arg9: memref<80xi32, #tpu.memory_space<vmem>>, %arg10: memref<80xi32, #tpu.memory_space<vmem>>, %arg11: memref<80xi32, #tpu.memory_space<vmem>>, %arg12: memref<10240x128xf32, #tpu.memory_space<vmem_shared>>, %arg13: memref<!tpu.dma_semaphore, #tpu.memory_space<semaphore_mem>>, %arg14: memref<!tpu.dma_semaphore, #tpu.memory_space<semaphore_mem>>, %arg15: memref<!tpu.dma_semaphore, #tpu.memory_space<semaphore_mem>>, %arg16: memref<!tpu.dma_semaphore, #tpu.memory_space<semaphore_mem>>) attributes {dimension_semantics = [#tpu.dimension_semantics<core_parallel>, #tpu.dimension_semantics<subcore_parallel>], iteration_bounds = array<i64: 2, 16>, scalar_prefetch = 0 : i64, scratch_operands = 12 : i64, tpu.core_type = #tpu.core_type<sc_vector_subcore>, window_params = [{transform_indices = #map}, {transform_indices = #map1}, {transform_indices = #map1}]} {
    %mul3A = arith.constant 16 : i32
    %mul3A_0 = arith.muli %arg0, %mul3A : i32
    %add3A = arith.addi %mul3A_0, %arg1 : i32
    %dma_start3A = arith.constant 0 : i32
    %dma_start3A_1 = arith.constant 0 : i32
    %dma_start3A_2 = tpu.memref_slice %arg3[%add3A, %dma_start3A, %dma_start3A_1] : memref<32x125x80xi32, #tpu.memory_space<hbm>> -> memref<1x125x80xi32, #tpu.memory_space<hbm>>
    %dma_start3A_3 = tpu.memref_squeeze %dma_start3A_2 : memref<1x125x80xi32, #tpu.memory_space<hbm>> -> memref<125x80xi32, #tpu.memory_space<hbm>>
    %dma_start3A_4 = arith.constant 0 : i32
    %dma_start3A_5 = arith.constant 0 : i32
    %dma_start3A_6 = tpu.memref_slice %arg3[%add3A, %dma_start3A_4, %dma_start3A_5] : memref<32x125x80xi32, #tpu.memory_space<hbm>> -> memref<1x125x80xi32, #tpu.memory_space<hbm>>
    %dma_start3A_7 = tpu.memref_squeeze %dma_start3A_6 : memref<1x125x80xi32, #tpu.memory_space<hbm>> -> memref<125x80xi32, #tpu.memory_space<hbm>>
    tpu.enqueue_dma source(%dma_start3A_7 : memref<125x80xi32, #tpu.memory_space<hbm>>) target(%arg5 : memref<125x80xi32, #tpu.memory_space<vmem>>) target_semaphore(%arg13 : memref<!tpu.dma_semaphore, #tpu.memory_space<semaphore_mem>>)
    %broadcast_in_dim3A = arith.constant 0.000000e+00 : f32
    %broadcast_in_dim3A_8 = vector.broadcast %broadcast_in_dim3A : f32 to vector<16xf32>
    %scan3A = arith.constant 0 : i32
    %scan3A_9 = arith.constant 0 : i32
    %scan3A_10 = arith.constant 640 : i32
    %scan3A_11 = arith.addi %scan3A_9, %scan3A_10 : i32
    %scan3A_12 = arith.constant 1 : i32
    scf.for %scan3A_146 = %scan3A_9 to %scan3A_11 step %scan3A_12  : i32 {
      %jit3A = arith.constant 8 : i32
      %div3A = arith.divsi %scan3A_146, %jit3A : i32
      %sign3A = arith.constant 0 : i32
      %sign3A_147 = arith.cmpi sgt, %scan3A_146, %sign3A : i32
      %sign3A_148 = arith.extui %sign3A_147 : i1 to i32
      %sign3A_149 = arith.constant 0 : i32
      %sign3A_150 = arith.cmpi slt, %scan3A_146, %sign3A_149 : i32
      %sign3A_151 = arith.extui %sign3A_150 : i1 to i32
      %sign3A_152 = arith.subi %sign3A_148, %sign3A_151 : i32
      %sign3A_153 = arith.constant 0 : i32
      %sign3A_154 = arith.cmpi sgt, %jit3A, %sign3A_153 : i32
      %sign3A_155 = arith.extui %sign3A_154 : i1 to i32
      %sign3A_156 = arith.constant 0 : i32
      %sign3A_157 = arith.cmpi slt, %jit3A, %sign3A_156 : i32
      %sign3A_158 = arith.extui %sign3A_157 : i1 to i32
      %sign3A_159 = arith.subi %sign3A_155, %sign3A_158 : i32
      %ne3A = arith.cmpi ne, %sign3A_152, %sign3A_159 : i32
      %rem3A = arith.remsi %scan3A_146, %jit3A : i32
      %ne3A_160 = arith.constant 0 : i32
      %ne3A_161 = arith.cmpi ne, %rem3A, %ne3A_160 : i32
      %and3A_162 = arith.andi %ne3A, %ne3A_161 : i1
      %sub3A = arith.constant 1 : i32
      %sub3A_163 = arith.subi %div3A, %sub3A : i32
      %select_n3A = arith.select %and3A_162, %sub3A_163, %div3A : i32
      %jit3A_164 = arith.constant 8 : i32
      %eq3A = arith.constant 0 : i32
      %eq3A_165 = arith.cmpi eq, %jit3A_164, %eq3A : i32
      %jit3A_166 = arith.constant 1 : i32
      %select_n3A_167 = arith.select %eq3A_165, %jit3A_166, %jit3A_164 : i32
      %rem3A_168 = arith.remsi %scan3A_146, %select_n3A_167 : i32
      %ne3A_169 = arith.constant 0 : i32
      %ne3A_170 = arith.cmpi ne, %rem3A_168, %ne3A_169 : i32
      %lt3A = arith.constant 0 : i32
      %lt3A_171 = arith.cmpi slt, %rem3A_168, %lt3A : i32
      %lt3A_172 = arith.constant 0 : i32
      %lt3A_173 = arith.cmpi slt, %select_n3A_167, %lt3A_172 : i32
      %ne3A_174 = arith.xori %lt3A_171, %lt3A_173 : i1
      %and3A_175 = arith.andi %ne3A_174, %ne3A_170 : i1
      %add3A_176 = arith.addi %rem3A_168, %select_n3A_167 : i32
      %select_n3A_177 = arith.select %and3A_175, %add3A_176, %rem3A_168 : i32
      %mul3A_178 = arith.constant 16 : i32
      %mul3A_179 = arith.muli %select_n3A_177, %mul3A_178 : i32
      %swap3A_180 = arith.index_cast %select_n3A : i32 to index
      %swap3A_181 = arith.index_cast %mul3A_179 : i32 to index
      %swap3A_182 = tpu.vector_load %arg6[%swap3A_180, %swap3A_181] {strides = array<i32>} : memref<80x128xf32, #tpu.memory_space<vmem>>, vector<1x16xf32>,
      %swap3A_183 = vector.shape_cast %swap3A_182 : vector<1x16xf32> to vector<16xf32>
      %swap3A_184 = vector.shape_cast %broadcast_in_dim3A_8 : vector<16xf32> to vector<1x16xf32>
      tpu.vector_store %arg6[%swap3A_180, %swap3A_181], %swap3A_184 {strides = array<i32>} : memref<80x128xf32, #tpu.memory_space<vmem>>, vector<1x16xf32>,
    }
    %scan3A_13 = arith.constant 640 : i32
    %scan3A_14 = arith.constant 0 : i32
    %scan3A_15 = arith.constant 0 : i32
    %scan3A_16 = arith.constant 8 : i32
    %scan3A_17 = arith.addi %scan3A_15, %scan3A_16 : i32
    %scan3A_18 = arith.constant 1 : i32
    scf.for %scan3A_146 = %scan3A_15 to %scan3A_17 step %scan3A_18  : i32 {
      %mul3A_147 = arith.constant 640 : i32
      %mul3A_148 = arith.muli %arg1, %mul3A_147 : i32
      %mul3A_149 = arith.constant 80 : i32
      %mul3A_150 = arith.muli %scan3A_146, %mul3A_149 : i32
      %add3A_151 = arith.addi %mul3A_148, %mul3A_150 : i32
      "tpu.region"() ({
        %run_scoped3A = tpu.sem_alloc : memref<!tpu.dma_semaphore, #tpu.memory_space<semaphore_mem>>
        %dma_start3A_152 = arith.constant 0 : i32
        %dma_start3A_153 = tpu.memref_slice %arg12[%add3A_151, %dma_start3A_152] : memref<10240x128xf32, #tpu.memory_space<vmem_shared>> -> memref<80x128xf32, #tpu.memory_space<vmem_shared>>
        %dma_start3A_154 = arith.constant 0 : i32
        %dma_start3A_155 = tpu.memref_slice %arg12[%add3A_151, %dma_start3A_154] : memref<10240x128xf32, #tpu.memory_space<vmem_shared>> -> memref<80x128xf32, #tpu.memory_space<vmem_shared>>
        tpu.enqueue_dma source(%arg6 : memref<80x128xf32, #tpu.memory_space<vmem>>) target(%dma_start3A_155 : memref<80x128xf32, #tpu.memory_space<vmem_shared>>) target_semaphore(%run_scoped3A : memref<!tpu.dma_semaphore, #tpu.memory_space<semaphore_mem>>)
        %dma_wait3A_156 = arith.constant 0 : i32
        %dma_wait3A_157 = tpu.memref_slice %arg12[%add3A_151, %dma_wait3A_156] : memref<10240x128xf32, #tpu.memory_space<vmem_shared>> -> memref<80x128xf32, #tpu.memory_space<vmem_shared>>
        %dma_wait3A_158 = arith.constant 0 : i32
        %dma_wait3A_159 = tpu.memref_slice %arg12[%add3A_151, %dma_wait3A_158] : memref<10240x128xf32, #tpu.memory_space<vmem_shared>> -> memref<80x128xf32, #tpu.memory_space<vmem_shared>>
        tpu.wait_dma2 semaphore(%run_scoped3A : memref<!tpu.dma_semaphore, #tpu.memory_space<semaphore_mem>>) src(%arg6 : memref<80x128xf32, #tpu.memory_space<vmem>>) dst(%dma_wait3A_159 : memref<80x128xf32, #tpu.memory_space<vmem_shared>>)
        tpu.yield
      }) : () -> ()
    }
    %scan3A_19 = arith.constant 8 : i32
    %dma_wait3A = arith.constant 0 : i32
    %dma_wait3A_20 = arith.constant 0 : i32
    %dma_wait3A_21 = tpu.memref_slice %arg3[%add3A, %dma_wait3A, %dma_wait3A_20] : memref<32x125x80xi32, #tpu.memory_space<hbm>> -> memref<1x125x80xi32, #tpu.memory_space<hbm>>
    %dma_wait3A_22 = tpu.memref_squeeze %dma_wait3A_21 : memref<1x125x80xi32, #tpu.memory_space<hbm>> -> memref<125x80xi32, #tpu.memory_space<hbm>>
    %dma_wait3A_23 = arith.constant 0 : i32
    %dma_wait3A_24 = arith.constant 0 : i32
    %dma_wait3A_25 = tpu.memref_slice %arg3[%add3A, %dma_wait3A_23, %dma_wait3A_24] : memref<32x125x80xi32, #tpu.memory_space<hbm>> -> memref<1x125x80xi32, #tpu.memory_space<hbm>>
    %dma_wait3A_26 = tpu.memref_squeeze %dma_wait3A_25 : memref<1x125x80xi32, #tpu.memory_space<hbm>> -> memref<125x80xi32, #tpu.memory_space<hbm>>
    tpu.wait_dma2 semaphore(%arg13 : memref<!tpu.dma_semaphore, #tpu.memory_space<semaphore_mem>>) src(%dma_wait3A_26 : memref<125x80xi32, #tpu.memory_space<hbm>>) dst(%arg5 : memref<125x80xi32, #tpu.memory_space<vmem>>)
    %get3A = arith.constant 0 : i32
    %get3A_27 = arith.index_cast %get3A : i32 to index
    %get3A_28 = arith.constant 0 : index
    %get3A_29 = tpu.vector_load %arg5[%get3A_27, %get3A_28] {strides = array<i32>} : memref<125x80xi32, #tpu.memory_space<vmem>>, vector<1x16xi32>,
    %get3A_30 = vector.shape_cast %get3A_29 : vector<1x16xi32> to vector<16xi32>
    %and3A = arith.constant 65535 : i32
    %and3A_31 = vector.broadcast %and3A : i32 to vector<16xi32>
    %and3A_32 = arith.andi %get3A_30, %and3A_31 : vector<16xi32>
    %swap3A = arith.constant 0 : index
    %swap3A_33 = tpu.vector_load %arg8[%swap3A] {strides = array<i32>} : memref<80xi32, #tpu.memory_space<vmem>>, vector<16xi32>,
    %swap3A_34 = vector.shape_cast %swap3A_33 : vector<16xi32> to vector<16xi32>
    %swap3A_35 = vector.shape_cast %and3A_32 : vector<16xi32> to vector<16xi32>
    tpu.vector_store %arg8[%swap3A], %swap3A_35 {strides = array<i32>} : memref<80xi32, #tpu.memory_space<vmem>>, vector<16xi32>,
    %shift_right_logical3A = arith.constant 16 : i32
    %shift_right_logical3A_36 = vector.broadcast %shift_right_logical3A : i32 to vector<16xi32>
    %shift_right_logical3A_37 = arith.shrui %get3A_30, %shift_right_logical3A_36 : vector<16xi32>
    %swap3A_38 = arith.constant 0 : index
    %swap3A_39 = tpu.vector_load %arg10[%swap3A_38] {strides = array<i32>} : memref<80xi32, #tpu.memory_space<vmem>>, vector<16xi32>,
    %swap3A_40 = vector.shape_cast %swap3A_39 : vector<16xi32> to vector<16xi32>
    %swap3A_41 = vector.shape_cast %shift_right_logical3A_37 : vector<16xi32> to vector<16xi32>
    tpu.vector_store %arg10[%swap3A_38], %swap3A_41 {strides = array<i32>} : memref<80xi32, #tpu.memory_space<vmem>>, vector<16xi32>,
    %get3A_42 = arith.constant 0 : i32
    %get3A_43 = arith.index_cast %get3A_42 : i32 to index
    %get3A_44 = arith.constant 16 : index
    %get3A_45 = tpu.vector_load %arg5[%get3A_43, %get3A_44] {strides = array<i32>} : memref<125x80xi32, #tpu.memory_space<vmem>>, vector<1x16xi32>,
    %get3A_46 = vector.shape_cast %get3A_45 : vector<1x16xi32> to vector<16xi32>
    %and3A_47 = arith.constant 65535 : i32
    %and3A_48 = vector.broadcast %and3A_47 : i32 to vector<16xi32>
    %and3A_49 = arith.andi %get3A_46, %and3A_48 : vector<16xi32>
    %swap3A_50 = arith.constant 16 : index
    %swap3A_51 = tpu.vector_load %arg8[%swap3A_50] {strides = array<i32>} : memref<80xi32, #tpu.memory_space<vmem>>, vector<16xi32>,
    %swap3A_52 = vector.shape_cast %swap3A_51 : vector<16xi32> to vector<16xi32>
    %swap3A_53 = vector.shape_cast %and3A_49 : vector<16xi32> to vector<16xi32>
    tpu.vector_store %arg8[%swap3A_50], %swap3A_53 {strides = array<i32>} : memref<80xi32, #tpu.memory_space<vmem>>, vector<16xi32>,
    %shift_right_logical3A_54 = arith.constant 16 : i32
    %shift_right_logical3A_55 = vector.broadcast %shift_right_logical3A_54 : i32 to vector<16xi32>
    %shift_right_logical3A_56 = arith.shrui %get3A_46, %shift_right_logical3A_55 : vector<16xi32>
    %swap3A_57 = arith.constant 16 : index
    %swap3A_58 = tpu.vector_load %arg10[%swap3A_57] {strides = array<i32>} : memref<80xi32, #tpu.memory_space<vmem>>, vector<16xi32>,
    %swap3A_59 = vector.shape_cast %swap3A_58 : vector<16xi32> to vector<16xi32>
    %swap3A_60 = vector.shape_cast %shift_right_logical3A_56 : vector<16xi32> to vector<16xi32>
    tpu.vector_store %arg10[%swap3A_57], %swap3A_60 {strides = array<i32>} : memref<80xi32, #tpu.memory_space<vmem>>, vector<16xi32>,
    %get3A_61 = arith.constant 0 : i32
    %get3A_62 = arith.index_cast %get3A_61 : i32 to index
    %get3A_63 = arith.constant 32 : index
    %get3A_64 = tpu.vector_load %arg5[%get3A_62, %get3A_63] {strides = array<i32>} : memref<125x80xi32, #tpu.memory_space<vmem>>, vector<1x16xi32>,
    %get3A_65 = vector.shape_cast %get3A_64 : vector<1x16xi32> to vector<16xi32>
    %and3A_66 = arith.constant 65535 : i32
    %and3A_67 = vector.broadcast %and3A_66 : i32 to vector<16xi32>
    %and3A_68 = arith.andi %get3A_65, %and3A_67 : vector<16xi32>
    %swap3A_69 = arith.constant 32 : index
    %swap3A_70 = tpu.vector_load %arg8[%swap3A_69] {strides = array<i32>} : memref<80xi32, #tpu.memory_space<vmem>>, vector<16xi32>,
    %swap3A_71 = vector.shape_cast %swap3A_70 : vector<16xi32> to vector<16xi32>
    %swap3A_72 = vector.shape_cast %and3A_68 : vector<16xi32> to vector<16xi32>
    tpu.vector_store %arg8[%swap3A_69], %swap3A_72 {strides = array<i32>} : memref<80xi32, #tpu.memory_space<vmem>>, vector<16xi32>,
    %shift_right_logical3A_73 = arith.constant 16 : i32
    %shift_right_logical3A_74 = vector.broadcast %shift_right_logical3A_73 : i32 to vector<16xi32>
    %shift_right_logical3A_75 = arith.shrui %get3A_65, %shift_right_logical3A_74 : vector<16xi32>
    %swap3A_76 = arith.constant 32 : index
    %swap3A_77 = tpu.vector_load %arg10[%swap3A_76] {strides = array<i32>} : memref<80xi32, #tpu.memory_space<vmem>>, vector<16xi32>,
    %swap3A_78 = vector.shape_cast %swap3A_77 : vector<16xi32> to vector<16xi32>
    %swap3A_79 = vector.shape_cast %shift_right_logical3A_75 : vector<16xi32> to vector<16xi32>
    tpu.vector_store %arg10[%swap3A_76], %swap3A_79 {strides = array<i32>} : memref<80xi32, #tpu.memory_space<vmem>>, vector<16xi32>,
    %get3A_80 = arith.constant 0 : i32
    %get3A_81 = arith.index_cast %get3A_80 : i32 to index
    %get3A_82 = arith.constant 48 : index
    %get3A_83 = tpu.vector_load %arg5[%get3A_81, %get3A_82] {strides = array<i32>} : memref<125x80xi32, #tpu.memory_space<vmem>>, vector<1x16xi32>,
    %get3A_84 = vector.shape_cast %get3A_83 : vector<1x16xi32> to vector<16xi32>
    %and3A_85 = arith.constant 65535 : i32
    %and3A_86 = vector.broadcast %and3A_85 : i32 to vector<16xi32>
    %and3A_87 = arith.andi %get3A_84, %and3A_86 : vector<16xi32>
    %swap3A_88 = arith.constant 48 : index
    %swap3A_89 = tpu.vector_load %arg8[%swap3A_88] {strides = array<i32>} : memref<80xi32, #tpu.memory_space<vmem>>, vector<16xi32>,
    %swap3A_90 = vector.shape_cast %swap3A_89 : vector<16xi32> to vector<16xi32>
    %swap3A_91 = vector.shape_cast %and3A_87 : vector<16xi32> to vector<16xi32>
    tpu.vector_store %arg8[%swap3A_88], %swap3A_91 {strides = array<i32>} : memref<80xi32, #tpu.memory_space<vmem>>, vector<16xi32>,
    %shift_right_logical3A_92 = arith.constant 16 : i32
    %shift_right_logical3A_93 = vector.broadcast %shift_right_logical3A_92 : i32 to vector<16xi32>
    %shift_right_logical3A_94 = arith.shrui %get3A_84, %shift_right_logical3A_93 : vector<16xi32>
    %swap3A_95 = arith.constant 48 : index
    %swap3A_96 = tpu.vector_load %arg10[%swap3A_95] {strides = array<i32>} : memref<80xi32, #tpu.memory_space<vmem>>, vector<16xi32>,
    %swap3A_97 = vector.shape_cast %swap3A_96 : vector<16xi32> to vector<16xi32>
    %swap3A_98 = vector.shape_cast %shift_right_logical3A_94 : vector<16xi32> to vector<16xi32>
    tpu.vector_store %arg10[%swap3A_95], %swap3A_98 {strides = array<i32>} : memref<80xi32, #tpu.memory_space<vmem>>, vector<16xi32>,
    %get3A_99 = arith.constant 0 : i32
    %get3A_100 = arith.index_cast %get3A_99 : i32 to index
    %get3A_101 = arith.constant 64 : index
    %get3A_102 = tpu.vector_load %arg5[%get3A_100, %get3A_101] {strides = array<i32>} : memref<125x80xi32, #tpu.memory_space<vmem>>, vector<1x16xi32>,
    %get3A_103 = vector.shape_cast %get3A_102 : vector<1x16xi32> to vector<16xi32>
    %and3A_104 = arith.constant 65535 : i32
    %and3A_105 = vector.broadcast %and3A_104 : i32 to vector<16xi32>
    %and3A_106 = arith.andi %get3A_103, %and3A_105 : vector<16xi32>
    %swap3A_107 = arith.constant 64 : index
    %swap3A_108 = tpu.vector_load %arg8[%swap3A_107] {strides = array<i32>} : memref<80xi32, #tpu.memory_space<vmem>>, vector<16xi32>,
    %swap3A_109 = vector.shape_cast %swap3A_108 : vector<16xi32> to vector<16xi32>
    %swap3A_110 = vector.shape_cast %and3A_106 : vector<16xi32> to vector<16xi32>
    tpu.vector_store %arg8[%swap3A_107], %swap3A_110 {strides = array<i32>} : memref<80xi32, #tpu.memory_space<vmem>>, vector<16xi32>,
    %shift_right_logical3A_111 = arith.constant 16 : i32
    %shift_right_logical3A_112 = vector.broadcast %shift_right_logical3A_111 : i32 to vector<16xi32>
    %shift_right_logical3A_113 = arith.shrui %get3A_103, %shift_right_logical3A_112 : vector<16xi32>
    %swap3A_114 = arith.constant 64 : index
    %swap3A_115 = tpu.vector_load %arg10[%swap3A_114] {strides = array<i32>} : memref<80xi32, #tpu.memory_space<vmem>>, vector<16xi32>,
    %swap3A_116 = vector.shape_cast %swap3A_115 : vector<16xi32> to vector<16xi32>
    %swap3A_117 = vector.shape_cast %shift_right_logical3A_113 : vector<16xi32> to vector<16xi32>
    tpu.vector_store %arg10[%swap3A_114], %swap3A_117 {strides = array<i32>} : memref<80xi32, #tpu.memory_space<vmem>>, vector<16xi32>,
    %dma_start3A_118 = arith.constant 0 : i32
    %dma_start3A_119 = arith.constant 0 : i32
    %dma_start3A_120 = tpu.memref_slice %arg2[%dma_start3A_118, %dma_start3A_119] : memref<30720x128xf32, #tpu.memory_space<hbm>> -> memref<30720x128xf32, #tpu.memory_space<hbm>>
    tpu.enqueue_indirect_dma source(%dma_start3A_120 : memref<30720x128xf32, #tpu.memory_space<hbm>>) target(%arg6 : memref<80x128xf32, #tpu.memory_space<vmem>>) offsets(%arg8 : memref<80xi32, #tpu.memory_space<vmem>>) semaphore(%arg13 : memref<!tpu.dma_semaphore, #tpu.memory_space<semaphore_mem>>)
    %barrier3A = arith.constant 0 : index
    tpu.barrier barrier_id(%barrier3A)
    %scan3A_121 = arith.constant 0 : i32
    %scan3A_122 = arith.constant 0 : i32
    %scan3A_123 = arith.constant 62 : i32
    %scan3A_124 = arith.addi %scan3A_122, %scan3A_123 : i32
    %scan3A_125 = arith.constant 1 : i32
    scf.for %scan3A_146 = %scan3A_122 to %scan3A_124 step %scan3A_125  : i32 {
      %mul3A_147 = arith.constant 2 : i32
      %mul3A_148 = arith.muli %scan3A_146, %mul3A_147 : i32
      %add3A_149 = arith.constant 0 : i32
      %add3A_150 = arith.addi %mul3A_148, %add3A_149 : i32
      %add3A_151 = arith.constant 1 : i32
      %add3A_152 = arith.addi %add3A_150, %add3A_151 : i32
      %lt3A = arith.constant 125 : i32
      %lt3A_153 = arith.cmpi slt, %add3A_152, %lt3A : i32
      %ge3A = arith.constant 1 : i32
      %ge3A_154 = arith.cmpi sge, %add3A_150, %ge3A : i32
      %and3A_155 = arith.andi %lt3A_153, %ge3A_154 : i1
      %convert_element_type3A_156 = arith.extui %and3A_155 : i1 to i32
      %cond3A_157 = arith.constant 0 : i32
      %cond3A_158 = arith.cmpi ne, %convert_element_type3A_156, %cond3A_157 : i32
      scf.if %cond3A_158 {
        %dma_wait3A_199 = arith.constant 0 : i32
        %dma_wait3A_200 = arith.constant 0 : i32
        %dma_wait3A_201 = tpu.memref_slice %arg12[%dma_wait3A_199, %dma_wait3A_200] : memref<10240x128xf32, #tpu.memory_space<vmem_shared>> -> memref<10240x128xf32, #tpu.memory_space<vmem_shared>>
        tpu.wait_indirect_dma semaphore(%arg16 : memref<!tpu.dma_semaphore, #tpu.memory_space<semaphore_mem>>) src(%arg7 : memref<80x128xf32, #tpu.memory_space<vmem>>) dst(%dma_wait3A_201 : memref<10240x128xf32, #tpu.memory_space<vmem_shared>>)
      } else {
      }
      %add3A_159 = arith.constant 1 : i32
      %add3A_160 = arith.addi %add3A_150, %add3A_159 : i32
      %lt3A_161 = arith.constant 125 : i32
      %lt3A_162 = arith.cmpi slt, %add3A_160, %lt3A_161 : i32
      %convert_element_type3A_163 = arith.extui %lt3A_162 : i1 to i32
      %cond3A_164 = arith.constant 0 : i32
      %cond3A_165 = arith.cmpi ne, %convert_element_type3A_163, %cond3A_164 : i32
      scf.if %cond3A_165 {
        %add3A_199 = arith.constant 1 : i32
        %add3A_200 = arith.addi %add3A_150, %add3A_199 : i32
        %get3A_201 = arith.index_cast %add3A_200 : i32 to index
        %get3A_202 = arith.constant 0 : index
        %get3A_203 = tpu.vector_load %arg5[%get3A_201, %get3A_202] {strides = array<i32>} : memref<125x80xi32, #tpu.memory_space<vmem>>, vector<1x16xi32>,
        %get3A_204 = vector.shape_cast %get3A_203 : vector<1x16xi32> to vector<16xi32>
        %and3A_205 = arith.constant 65535 : i32
        %and3A_206 = vector.broadcast %and3A_205 : i32 to vector<16xi32>
        %and3A_207 = arith.andi %get3A_204, %and3A_206 : vector<16xi32>
        %swap3A_208 = arith.constant 0 : index
        %swap3A_209 = tpu.vector_load %arg9[%swap3A_208] {strides = array<i32>} : memref<80xi32, #tpu.memory_space<vmem>>, vector<16xi32>,
        %swap3A_210 = vector.shape_cast %swap3A_209 : vector<16xi32> to vector<16xi32>
        %swap3A_211 = vector.shape_cast %and3A_207 : vector<16xi32> to vector<16xi32>
        tpu.vector_store %arg9[%swap3A_208], %swap3A_211 {strides = array<i32>} : memref<80xi32, #tpu.memory_space<vmem>>, vector<16xi32>,
        %shift_right_logical3A_212 = arith.constant 16 : i32
        %shift_right_logical3A_213 = vector.broadcast %shift_right_logical3A_212 : i32 to vector<16xi32>
        %shift_right_logical3A_214 = arith.shrui %get3A_204, %shift_right_logical3A_213 : vector<16xi32>
        %swap3A_215 = arith.constant 0 : index
        %swap3A_216 = tpu.vector_load %arg11[%swap3A_215] {strides = array<i32>} : memref<80xi32, #tpu.memory_space<vmem>>, vector<16xi32>,
        %swap3A_217 = vector.shape_cast %swap3A_216 : vector<16xi32> to vector<16xi32>
        %swap3A_218 = vector.shape_cast %shift_right_logical3A_214 : vector<16xi32> to vector<16xi32>
        tpu.vector_store %arg11[%swap3A_215], %swap3A_218 {strides = array<i32>} : memref<80xi32, #tpu.memory_space<vmem>>, vector<16xi32>,
        %get3A_219 = arith.index_cast %add3A_200 : i32 to index
        %get3A_220 = arith.constant 16 : index
        %get3A_221 = tpu.vector_load %arg5[%get3A_219, %get3A_220] {strides = array<i32>} : memref<125x80xi32, #tpu.memory_space<vmem>>, vector<1x16xi32>,
        %get3A_222 = vector.shape_cast %get3A_221 : vector<1x16xi32> to vector<16xi32>
        %and3A_223 = arith.constant 65535 : i32
        %and3A_224 = vector.broadcast %and3A_223 : i32 to vector<16xi32>
        %and3A_225 = arith.andi %get3A_222, %and3A_224 : vector<16xi32>
        %swap3A_226 = arith.constant 16 : index
        %swap3A_227 = tpu.vector_load %arg9[%swap3A_226] {strides = array<i32>} : memref<80xi32, #tpu.memory_space<vmem>>, vector<16xi32>,
        %swap3A_228 = vector.shape_cast %swap3A_227 : vector<16xi32> to vector<16xi32>
        %swap3A_229 = vector.shape_cast %and3A_225 : vector<16xi32> to vector<16xi32>
        tpu.vector_store %arg9[%swap3A_226], %swap3A_229 {strides = array<i32>} : memref<80xi32, #tpu.memory_space<vmem>>, vector<16xi32>,
        %shift_right_logical3A_230 = arith.constant 16 : i32
        %shift_right_logical3A_231 = vector.broadcast %shift_right_logical3A_230 : i32 to vector<16xi32>
        %shift_right_logical3A_232 = arith.shrui %get3A_222, %shift_right_logical3A_231 : vector<16xi32>
        %swap3A_233 = arith.constant 16 : index
        %swap3A_234 = tpu.vector_load %arg11[%swap3A_233] {strides = array<i32>} : memref<80xi32, #tpu.memory_space<vmem>>, vector<16xi32>,
        %swap3A_235 = vector.shape_cast %swap3A_234 : vector<16xi32> to vector<16xi32>
        %swap3A_236 = vector.shape_cast %shift_right_logical3A_232 : vector<16xi32> to vector<16xi32>
        tpu.vector_store %arg11[%swap3A_233], %swap3A_236 {strides = array<i32>} : memref<80xi32, #tpu.memory_space<vmem>>, vector<16xi32>,
        %get3A_237 = arith.index_cast %add3A_200 : i32 to index
        %get3A_238 = arith.constant 32 : index
        %get3A_239 = tpu.vector_load %arg5[%get3A_237, %get3A_238] {strides = array<i32>} : memref<125x80xi32, #tpu.memory_space<vmem>>, vector<1x16xi32>,
        %get3A_240 = vector.shape_cast %get3A_239 : vector<1x16xi32> to vector<16xi32>
        %and3A_241 = arith.constant 65535 : i32
        %and3A_242 = vector.broadcast %and3A_241 : i32 to vector<16xi32>
        %and3A_243 = arith.andi %get3A_240, %and3A_242 : vector<16xi32>
        %swap3A_244 = arith.constant 32 : index
        %swap3A_245 = tpu.vector_load %arg9[%swap3A_244] {strides = array<i32>} : memref<80xi32, #tpu.memory_space<vmem>>, vector<16xi32>,
        %swap3A_246 = vector.shape_cast %swap3A_245 : vector<16xi32> to vector<16xi32>
        %swap3A_247 = vector.shape_cast %and3A_243 : vector<16xi32> to vector<16xi32>
        tpu.vector_store %arg9[%swap3A_244], %swap3A_247 {strides = array<i32>} : memref<80xi32, #tpu.memory_space<vmem>>, vector<16xi32>,
        %shift_right_logical3A_248 = arith.constant 16 : i32
        %shift_right_logical3A_249 = vector.broadcast %shift_right_logical3A_248 : i32 to vector<16xi32>
        %shift_right_logical3A_250 = arith.shrui %get3A_240, %shift_right_logical3A_249 : vector<16xi32>
        %swap3A_251 = arith.constant 32 : index
        %swap3A_252 = tpu.vector_load %arg11[%swap3A_251] {strides = array<i32>} : memref<80xi32, #tpu.memory_space<vmem>>, vector<16xi32>,
        %swap3A_253 = vector.shape_cast %swap3A_252 : vector<16xi32> to vector<16xi32>
        %swap3A_254 = vector.shape_cast %shift_right_logical3A_250 : vector<16xi32> to vector<16xi32>
        tpu.vector_store %arg11[%swap3A_251], %swap3A_254 {strides = array<i32>} : memref<80xi32, #tpu.memory_space<vmem>>, vector<16xi32>,
        %get3A_255 = arith.index_cast %add3A_200 : i32 to index
        %get3A_256 = arith.constant 48 : index
        %get3A_257 = tpu.vector_load %arg5[%get3A_255, %get3A_256] {strides = array<i32>} : memref<125x80xi32, #tpu.memory_space<vmem>>, vector<1x16xi32>,
        %get3A_258 = vector.shape_cast %get3A_257 : vector<1x16xi32> to vector<16xi32>
        %and3A_259 = arith.constant 65535 : i32
        %and3A_260 = vector.broadcast %and3A_259 : i32 to vector<16xi32>
        %and3A_261 = arith.andi %get3A_258, %and3A_260 : vector<16xi32>
        %swap3A_262 = arith.constant 48 : index
        %swap3A_263 = tpu.vector_load %arg9[%swap3A_262] {strides = array<i32>} : memref<80xi32, #tpu.memory_space<vmem>>, vector<16xi32>,
        %swap3A_264 = vector.shape_cast %swap3A_263 : vector<16xi32> to vector<16xi32>
        %swap3A_265 = vector.shape_cast %and3A_261 : vector<16xi32> to vector<16xi32>
        tpu.vector_store %arg9[%swap3A_262], %swap3A_265 {strides = array<i32>} : memref<80xi32, #tpu.memory_space<vmem>>, vector<16xi32>,
        %shift_right_logical3A_266 = arith.constant 16 : i32
        %shift_right_logical3A_267 = vector.broadcast %shift_right_logical3A_266 : i32 to vector<16xi32>
        %shift_right_logical3A_268 = arith.shrui %get3A_258, %shift_right_logical3A_267 : vector<16xi32>
        %swap3A_269 = arith.constant 48 : index
        %swap3A_270 = tpu.vector_load %arg11[%swap3A_269] {strides = array<i32>} : memref<80xi32, #tpu.memory_space<vmem>>, vector<16xi32>,
        %swap3A_271 = vector.shape_cast %swap3A_270 : vector<16xi32> to vector<16xi32>
        %swap3A_272 = vector.shape_cast %shift_right_logical3A_268 : vector<16xi32> to vector<16xi32>
        tpu.vector_store %arg11[%swap3A_269], %swap3A_272 {strides = array<i32>} : memref<80xi32, #tpu.memory_space<vmem>>, vector<16xi32>,
        %get3A_273 = arith.index_cast %add3A_200 : i32 to index
        %get3A_274 = arith.constant 64 : index
        %get3A_275 = tpu.vector_load %arg5[%get3A_273, %get3A_274] {strides = array<i32>} : memref<125x80xi32, #tpu.memory_space<vmem>>, vector<1x16xi32>,
        %get3A_276 = vector.shape_cast %get3A_275 : vector<1x16xi32> to vector<16xi32>
        %and3A_277 = arith.constant 65535 : i32
        %and3A_278 = vector.broadcast %and3A_277 : i32 to vector<16xi32>
        %and3A_279 = arith.andi %get3A_276, %and3A_278 : vector<16xi32>
        %swap3A_280 = arith.constant 64 : index
        %swap3A_281 = tpu.vector_load %arg9[%swap3A_280] {strides = array<i32>} : memref<80xi32, #tpu.memory_space<vmem>>, vector<16xi32>,
        %swap3A_282 = vector.shape_cast %swap3A_281 : vector<16xi32> to vector<16xi32>
        %swap3A_283 = vector.shape_cast %and3A_279 : vector<16xi32> to vector<16xi32>
        tpu.vector_store %arg9[%swap3A_280], %swap3A_283 {strides = array<i32>} : memref<80xi32, #tpu.memory_space<vmem>>, vector<16xi32>,
        %shift_right_logical3A_284 = arith.constant 16 : i32
        %shift_right_logical3A_285 = vector.broadcast %shift_right_logical3A_284 : i32 to vector<16xi32>
        %shift_right_logical3A_286 = arith.shrui %get3A_276, %shift_right_logical3A_285 : vector<16xi32>
        %swap3A_287 = arith.constant 64 : index
        %swap3A_288 = tpu.vector_load %arg11[%swap3A_287] {strides = array<i32>} : memref<80xi32, #tpu.memory_space<vmem>>, vector<16xi32>,
        %swap3A_289 = vector.shape_cast %swap3A_288 : vector<16xi32> to vector<16xi32>
        %swap3A_290 = vector.shape_cast %shift_right_logical3A_286 : vector<16xi32> to vector<16xi32>
        tpu.vector_store %arg11[%swap3A_287], %swap3A_290 {strides = array<i32>} : memref<80xi32, #tpu.memory_space<vmem>>, vector<16xi32>,
        %dma_start3A_291 = arith.constant 0 : i32
        %dma_start3A_292 = arith.constant 0 : i32
        %dma_start3A_293 = tpu.memref_slice %arg2[%dma_start3A_291, %dma_start3A_292] : memref<30720x128xf32, #tpu.memory_space<hbm>> -> memref<30720x128xf32, #tpu.memory_space<hbm>>
        tpu.enqueue_indirect_dma source(%dma_start3A_293 : memref<30720x128xf32, #tpu.memory_space<hbm>>) target(%arg7 : memref<80x128xf32, #tpu.memory_space<vmem>>) offsets(%arg9 : memref<80xi32, #tpu.memory_space<vmem>>) semaphore(%arg14 : memref<!tpu.dma_semaphore, #tpu.memory_space<semaphore_mem>>)
      } else {
      }
      %dma_wait3A_166 = arith.constant 0 : i32
      %dma_wait3A_167 = arith.constant 0 : i32
      %dma_wait3A_168 = tpu.memref_slice %arg2[%dma_wait3A_166, %dma_wait3A_167] : memref<30720x128xf32, #tpu.memory_space<hbm>> -> memref<30720x128xf32, #tpu.memory_space<hbm>>
      tpu.wait_indirect_dma semaphore(%arg13 : memref<!tpu.dma_semaphore, #tpu.memory_space<semaphore_mem>>) src(%dma_wait3A_168 : memref<30720x128xf32, #tpu.memory_space<hbm>>) dst(%arg6 : memref<80x128xf32, #tpu.memory_space<vmem>>)
      %dma_start3A_169 = arith.constant 0 : i32
      %dma_start3A_170 = arith.constant 0 : i32
      %dma_start3A_171 = tpu.memref_slice %arg12[%dma_start3A_169, %dma_start3A_170] : memref<10240x128xf32, #tpu.memory_space<vmem_shared>> -> memref<10240x128xf32, #tpu.memory_space<vmem_shared>>
      tpu.enqueue_indirect_dma source(%arg6 : memref<80x128xf32, #tpu.memory_space<vmem>>) target(%dma_start3A_171 : memref<10240x128xf32, #tpu.memory_space<vmem_shared>>) offsets(%arg10 : memref<80xi32, #tpu.memory_space<vmem>>) semaphore(%arg15 : memref<!tpu.dma_semaphore, #tpu.memory_space<semaphore_mem>>) {add = true}
      %mul3A_172 = arith.constant 2 : i32
      %mul3A_173 = arith.muli %scan3A_146, %mul3A_172 : i32
      %add3A_174 = arith.constant 1 : i32
      %add3A_175 = arith.addi %mul3A_173, %add3A_174 : i32
      %add3A_176 = arith.constant 1 : i32
      %add3A_177 = arith.addi %add3A_175, %add3A_176 : i32
      %lt3A_178 = arith.constant 125 : i32
      %lt3A_179 = arith.cmpi slt, %add3A_177, %lt3A_178 : i32
      %ge3A_180 = arith.constant 1 : i32
      %ge3A_181 = arith.cmpi sge, %add3A_175, %ge3A_180 : i32
      %and3A_182 = arith.andi %lt3A_179, %ge3A_181 : i1
      %convert_element_type3A_183 = arith.extui %and3A_182 : i1 to i32
      %cond3A_184 = arith.constant 0 : i32
      %cond3A_185 = arith.cmpi ne, %convert_element_type3A_183, %cond3A_184 : i32
      scf.if %cond3A_185 {
        %dma_wait3A_199 = arith.constant 0 : i32
        %dma_wait3A_200 = arith.constant 0 : i32
        %dma_wait3A_201 = tpu.memref_slice %arg12[%dma_wait3A_199, %dma_wait3A_200] : memref<10240x128xf32, #tpu.memory_space<vmem_shared>> -> memref<10240x128xf32, #tpu.memory_space<vmem_shared>>
        tpu.wait_indirect_dma semaphore(%arg15 : memref<!tpu.dma_semaphore, #tpu.memory_space<semaphore_mem>>) src(%arg6 : memref<80x128xf32, #tpu.memory_space<vmem>>) dst(%dma_wait3A_201 : memref<10240x128xf32, #tpu.memory_space<vmem_shared>>)
      } else {
      }
      %add3A_186 = arith.constant 1 : i32
      %add3A_187 = arith.addi %add3A_175, %add3A_186 : i32
      %lt3A_188 = arith.constant 125 : i32
      %lt3A_189 = arith.cmpi slt, %add3A_187, %lt3A_188 : i32
      %convert_element_type3A_190 = arith.extui %lt3A_189 : i1 to i32
      %cond3A_191 = arith.constant 0 : i32
      %cond3A_192 = arith.cmpi ne, %convert_element_type3A_190, %cond3A_191 : i32
      scf.if %cond3A_192 {
        %add3A_199 = arith.constant 1 : i32
        %add3A_200 = arith.addi %add3A_175, %add3A_199 : i32
        %get3A_201 = arith.index_cast %add3A_200 : i32 to index
        %get3A_202 = arith.constant 0 : index
        %get3A_203 = tpu.vector_load %arg5[%get3A_201, %get3A_202] {strides = array<i32>} : memref<125x80xi32, #tpu.memory_space<vmem>>, vector<1x16xi32>,
        %get3A_204 = vector.shape_cast %get3A_203 : vector<1x16xi32> to vector<16xi32>
        %and3A_205 = arith.constant 65535 : i32
        %and3A_206 = vector.broadcast %and3A_205 : i32 to vector<16xi32>
        %and3A_207 = arith.andi %get3A_204, %and3A_206 : vector<16xi32>
        %swap3A_208 = arith.constant 0 : index
        %swap3A_209 = tpu.vector_load %arg8[%swap3A_208] {strides = array<i32>} : memref<80xi32, #tpu.memory_space<vmem>>, vector<16xi32>,
        %swap3A_210 = vector.shape_cast %swap3A_209 : vector<16xi32> to vector<16xi32>
        %swap3A_211 = vector.shape_cast %and3A_207 : vector<16xi32> to vector<16xi32>
        tpu.vector_store %arg8[%swap3A_208], %swap3A_211 {strides = array<i32>} : memref<80xi32, #tpu.memory_space<vmem>>, vector<16xi32>,
        %shift_right_logical3A_212 = arith.constant 16 : i32
        %shift_right_logical3A_213 = vector.broadcast %shift_right_logical3A_212 : i32 to vector<16xi32>
        %shift_right_logical3A_214 = arith.shrui %get3A_204, %shift_right_logical3A_213 : vector<16xi32>
        %swap3A_215 = arith.constant 0 : index
        %swap3A_216 = tpu.vector_load %arg10[%swap3A_215] {strides = array<i32>} : memref<80xi32, #tpu.memory_space<vmem>>, vector<16xi32>,
        %swap3A_217 = vector.shape_cast %swap3A_216 : vector<16xi32> to vector<16xi32>
        %swap3A_218 = vector.shape_cast %shift_right_logical3A_214 : vector<16xi32> to vector<16xi32>
        tpu.vector_store %arg10[%swap3A_215], %swap3A_218 {strides = array<i32>} : memref<80xi32, #tpu.memory_space<vmem>>, vector<16xi32>,
        %get3A_219 = arith.index_cast %add3A_200 : i32 to index
        %get3A_220 = arith.constant 16 : index
        %get3A_221 = tpu.vector_load %arg5[%get3A_219, %get3A_220] {strides = array<i32>} : memref<125x80xi32, #tpu.memory_space<vmem>>, vector<1x16xi32>,
        %get3A_222 = vector.shape_cast %get3A_221 : vector<1x16xi32> to vector<16xi32>
        %and3A_223 = arith.constant 65535 : i32
        %and3A_224 = vector.broadcast %and3A_223 : i32 to vector<16xi32>
        %and3A_225 = arith.andi %get3A_222, %and3A_224 : vector<16xi32>
        %swap3A_226 = arith.constant 16 : index
        %swap3A_227 = tpu.vector_load %arg8[%swap3A_226] {strides = array<i32>} : memref<80xi32, #tpu.memory_space<vmem>>, vector<16xi32>,
        %swap3A_228 = vector.shape_cast %swap3A_227 : vector<16xi32> to vector<16xi32>
        %swap3A_229 = vector.shape_cast %and3A_225 : vector<16xi32> to vector<16xi32>
        tpu.vector_store %arg8[%swap3A_226], %swap3A_229 {strides = array<i32>} : memref<80xi32, #tpu.memory_space<vmem>>, vector<16xi32>,
        %shift_right_logical3A_230 = arith.constant 16 : i32
        %shift_right_logical3A_231 = vector.broadcast %shift_right_logical3A_230 : i32 to vector<16xi32>
        %shift_right_logical3A_232 = arith.shrui %get3A_222, %shift_right_logical3A_231 : vector<16xi32>
        %swap3A_233 = arith.constant 16 : index
        %swap3A_234 = tpu.vector_load %arg10[%swap3A_233] {strides = array<i32>} : memref<80xi32, #tpu.memory_space<vmem>>, vector<16xi32>,
        %swap3A_235 = vector.shape_cast %swap3A_234 : vector<16xi32> to vector<16xi32>
        %swap3A_236 = vector.shape_cast %shift_right_logical3A_232 : vector<16xi32> to vector<16xi32>
        tpu.vector_store %arg10[%swap3A_233], %swap3A_236 {strides = array<i32>} : memref<80xi32, #tpu.memory_space<vmem>>, vector<16xi32>,
        %get3A_237 = arith.index_cast %add3A_200 : i32 to index
        %get3A_238 = arith.constant 32 : index
        %get3A_239 = tpu.vector_load %arg5[%get3A_237, %get3A_238] {strides = array<i32>} : memref<125x80xi32, #tpu.memory_space<vmem>>, vector<1x16xi32>,
        %get3A_240 = vector.shape_cast %get3A_239 : vector<1x16xi32> to vector<16xi32>
        %and3A_241 = arith.constant 65535 : i32
        %and3A_242 = vector.broadcast %and3A_241 : i32 to vector<16xi32>
        %and3A_243 = arith.andi %get3A_240, %and3A_242 : vector<16xi32>
        %swap3A_244 = arith.constant 32 : index
        %swap3A_245 = tpu.vector_load %arg8[%swap3A_244] {strides = array<i32>} : memref<80xi32, #tpu.memory_space<vmem>>, vector<16xi32>,
        %swap3A_246 = vector.shape_cast %swap3A_245 : vector<16xi32> to vector<16xi32>
        %swap3A_247 = vector.shape_cast %and3A_243 : vector<16xi32> to vector<16xi32>
        tpu.vector_store %arg8[%swap3A_244], %swap3A_247 {strides = array<i32>} : memref<80xi32, #tpu.memory_space<vmem>>, vector<16xi32>,
        %shift_right_logical3A_248 = arith.constant 16 : i32
        %shift_right_logical3A_249 = vector.broadcast %shift_right_logical3A_248 : i32 to vector<16xi32>
        %shift_right_logical3A_250 = arith.shrui %get3A_240, %shift_right_logical3A_249 : vector<16xi32>
        %swap3A_251 = arith.constant 32 : index
        %swap3A_252 = tpu.vector_load %arg10[%swap3A_251] {strides = array<i32>} : memref<80xi32, #tpu.memory_space<vmem>>, vector<16xi32>,
        %swap3A_253 = vector.shape_cast %swap3A_252 : vector<16xi32> to vector<16xi32>
        %swap3A_254 = vector.shape_cast %shift_right_logical3A_250 : vector<16xi32> to vector<16xi32>
        tpu.vector_store %arg10[%swap3A_251], %swap3A_254 {strides = array<i32>} : memref<80xi32, #tpu.memory_space<vmem>>, vector<16xi32>,
        %get3A_255 = arith.index_cast %add3A_200 : i32 to index
        %get3A_256 = arith.constant 48 : index
        %get3A_257 = tpu.vector_load %arg5[%get3A_255, %get3A_256] {strides = array<i32>} : memref<125x80xi32, #tpu.memory_space<vmem>>, vector<1x16xi32>,
        %get3A_258 = vector.shape_cast %get3A_257 : vector<1x16xi32> to vector<16xi32>
        %and3A_259 = arith.constant 65535 : i32
        %and3A_260 = vector.broadcast %and3A_259 : i32 to vector<16xi32>
        %and3A_261 = arith.andi %get3A_258, %and3A_260 : vector<16xi32>
        %swap3A_262 = arith.constant 48 : index
        %swap3A_263 = tpu.vector_load %arg8[%swap3A_262] {strides = array<i32>} : memref<80xi32, #tpu.memory_space<vmem>>, vector<16xi32>,
        %swap3A_264 = vector.shape_cast %swap3A_263 : vector<16xi32> to vector<16xi32>
        %swap3A_265 = vector.shape_cast %and3A_261 : vector<16xi32> to vector<16xi32>
        tpu.vector_store %arg8[%swap3A_262], %swap3A_265 {strides = array<i32>} : memref<80xi32, #tpu.memory_space<vmem>>, vector<16xi32>,
        %shift_right_logical3A_266 = arith.constant 16 : i32
        %shift_right_logical3A_267 = vector.broadcast %shift_right_logical3A_266 : i32 to vector<16xi32>
        %shift_right_logical3A_268 = arith.shrui %get3A_258, %shift_right_logical3A_267 : vector<16xi32>
        %swap3A_269 = arith.constant 48 : index
        %swap3A_270 = tpu.vector_load %arg10[%swap3A_269] {strides = array<i32>} : memref<80xi32, #tpu.memory_space<vmem>>, vector<16xi32>,
        %swap3A_271 = vector.shape_cast %swap3A_270 : vector<16xi32> to vector<16xi32>
        %swap3A_272 = vector.shape_cast %shift_right_logical3A_268 : vector<16xi32> to vector<16xi32>
        tpu.vector_store %arg10[%swap3A_269], %swap3A_272 {strides = array<i32>} : memref<80xi32, #tpu.memory_space<vmem>>, vector<16xi32>,
        %get3A_273 = arith.index_cast %add3A_200 : i32 to index
        %get3A_274 = arith.constant 64 : index
        %get3A_275 = tpu.vector_load %arg5[%get3A_273, %get3A_274] {strides = array<i32>} : memref<125x80xi32, #tpu.memory_space<vmem>>, vector<1x16xi32>,
        %get3A_276 = vector.shape_cast %get3A_275 : vector<1x16xi32> to vector<16xi32>
        %and3A_277 = arith.constant 65535 : i32
        %and3A_278 = vector.broadcast %and3A_277 : i32 to vector<16xi32>
        %and3A_279 = arith.andi %get3A_276, %and3A_278 : vector<16xi32>
        %swap3A_280 = arith.constant 64 : index
        %swap3A_281 = tpu.vector_load %arg8[%swap3A_280] {strides = array<i32>} : memref<80xi32, #tpu.memory_space<vmem>>, vector<16xi32>,
        %swap3A_282 = vector.shape_cast %swap3A_281 : vector<16xi32> to vector<16xi32>
        %swap3A_283 = vector.shape_cast %and3A_279 : vector<16xi32> to vector<16xi32>
        tpu.vector_store %arg8[%swap3A_280], %swap3A_283 {strides = array<i32>} : memref<80xi32, #tpu.memory_space<vmem>>, vector<16xi32>,
        %shift_right_logical3A_284 = arith.constant 16 : i32
        %shift_right_logical3A_285 = vector.broadcast %shift_right_logical3A_284 : i32 to vector<16xi32>
        %shift_right_logical3A_286 = arith.shrui %get3A_276, %shift_right_logical3A_285 : vector<16xi32>
        %swap3A_287 = arith.constant 64 : index
        %swap3A_288 = tpu.vector_load %arg10[%swap3A_287] {strides = array<i32>} : memref<80xi32, #tpu.memory_space<vmem>>, vector<16xi32>,
        %swap3A_289 = vector.shape_cast %swap3A_288 : vector<16xi32> to vector<16xi32>
        %swap3A_290 = vector.shape_cast %shift_right_logical3A_286 : vector<16xi32> to vector<16xi32>
        tpu.vector_store %arg10[%swap3A_287], %swap3A_290 {strides = array<i32>} : memref<80xi32, #tpu.memory_space<vmem>>, vector<16xi32>,
        %dma_start3A_291 = arith.constant 0 : i32
        %dma_start3A_292 = arith.constant 0 : i32
        %dma_start3A_293 = tpu.memref_slice %arg2[%dma_start3A_291, %dma_start3A_292] : memref<30720x128xf32, #tpu.memory_space<hbm>> -> memref<30720x128xf32, #tpu.memory_space<hbm>>
        tpu.enqueue_indirect_dma source(%dma_start3A_293 : memref<30720x128xf32, #tpu.memory_space<hbm>>) target(%arg6 : memref<80x128xf32, #tpu.memory_space<vmem>>) offsets(%arg8 : memref<80xi32, #tpu.memory_space<vmem>>) semaphore(%arg13 : memref<!tpu.dma_semaphore, #tpu.memory_space<semaphore_mem>>)
      } else {
      }
      %dma_wait3A_193 = arith.constant 0 : i32
      %dma_wait3A_194 = arith.constant 0 : i32
      %dma_wait3A_195 = tpu.memref_slice %arg2[%dma_wait3A_193, %dma_wait3A_194] : memref<30720x128xf32, #tpu.memory_space<hbm>> -> memref<30720x128xf32, #tpu.memory_space<hbm>>
      tpu.wait_indirect_dma semaphore(%arg14 : memref<!tpu.dma_semaphore, #tpu.memory_space<semaphore_mem>>) src(%dma_wait3A_195 : memref<30720x128xf32, #tpu.memory_space<hbm>>) dst(%arg7 : memref<80x128xf32, #tpu.memory_space<vmem>>)
      %dma_start3A_196 = arith.constant 0 : i32
      %dma_start3A_197 = arith.constant 0 : i32
      %dma_start3A_198 = tpu.memref_slice %arg12[%dma_start3A_196, %dma_start3A_197] : memref<10240x128xf32, #tpu.memory_space<vmem_shared>> -> memref<10240x128xf32, #tpu.memory_space<vmem_shared>>
      tpu.enqueue_indirect_dma source(%arg7 : memref<80x128xf32, #tpu.memory_space<vmem>>) target(%dma_start3A_198 : memref<10240x128xf32, #tpu.memory_space<vmem_shared>>) offsets(%arg11 : memref<80xi32, #tpu.memory_space<vmem>>) semaphore(%arg16 : memref<!tpu.dma_semaphore, #tpu.memory_space<semaphore_mem>>) {add = true}
    }
    %scan3A_126 = arith.constant 62 : i32
    %and3A_127 = arith.constant false
    %and3A_128 = arith.constant true
    %and3A_129 = arith.andi %and3A_127, %and3A_128 : i1
    %convert_element_type3A = arith.extui %and3A_129 : i1 to i32
    %cond3A = arith.constant 0 : i32
    %cond3A_130 = arith.cmpi ne, %convert_element_type3A, %cond3A : i32
    scf.if %cond3A_130 {
      %dma_wait3A_146 = arith.constant 0 : i32
      %dma_wait3A_147 = arith.constant 0 : i32
      %dma_wait3A_148 = tpu.memref_slice %arg12[%dma_wait3A_146, %dma_wait3A_147] : memref<10240x128xf32, #tpu.memory_space<vmem_shared>> -> memref<10240x128xf32, #tpu.memory_space<vmem_shared>>
      tpu.wait_indirect_dma semaphore(%arg16 : memref<!tpu.dma_semaphore, #tpu.memory_space<semaphore_mem>>) src(%arg7 : memref<80x128xf32, #tpu.memory_space<vmem>>) dst(%dma_wait3A_148 : memref<10240x128xf32, #tpu.memory_space<vmem_shared>>)
    } else {
    }
    %dma_wait3A_131 = arith.constant 0 : i32
    %dma_wait3A_132 = arith.constant 0 : i32
    %dma_wait3A_133 = tpu.memref_slice %arg2[%dma_wait3A_131, %dma_wait3A_132] : memref<30720x128xf32, #tpu.memory_space<hbm>> -> memref<30720x128xf32, #tpu.memory_space<hbm>>
    tpu.wait_indirect_dma semaphore(%arg13 : memref<!tpu.dma_semaphore, #tpu.memory_space<semaphore_mem>>) src(%dma_wait3A_133 : memref<30720x128xf32, #tpu.memory_space<hbm>>) dst(%arg6 : memref<80x128xf32, #tpu.memory_space<vmem>>)
    %dma_start3A_134 = arith.constant 0 : i32
    %dma_start3A_135 = arith.constant 0 : i32
    %dma_start3A_136 = tpu.memref_slice %arg12[%dma_start3A_134, %dma_start3A_135] : memref<10240x128xf32, #tpu.memory_space<vmem_shared>> -> memref<10240x128xf32, #tpu.memory_space<vmem_shared>>
    tpu.enqueue_indirect_dma source(%arg6 : memref<80x128xf32, #tpu.memory_space<vmem>>) target(%dma_start3A_136 : memref<10240x128xf32, #tpu.memory_space<vmem_shared>>) offsets(%arg10 : memref<80xi32, #tpu.memory_space<vmem>>) semaphore(%arg15 : memref<!tpu.dma_semaphore, #tpu.memory_space<semaphore_mem>>) {add = true}
    %dma_wait3A_137 = arith.constant 0 : i32
    %dma_wait3A_138 = arith.constant 0 : i32
    %dma_wait3A_139 = tpu.memref_slice %arg12[%dma_wait3A_137, %dma_wait3A_138] : memref<10240x128xf32, #tpu.memory_space<vmem_shared>> -> memref<10240x128xf32, #tpu.memory_space<vmem_shared>>
    tpu.wait_indirect_dma semaphore(%arg16 : memref<!tpu.dma_semaphore, #tpu.memory_space<semaphore_mem>>) src(%arg7 : memref<80x128xf32, #tpu.memory_space<vmem>>) dst(%dma_wait3A_139 : memref<10240x128xf32, #tpu.memory_space<vmem_shared>>)
    %dma_wait3A_140 = arith.constant 0 : i32
    %dma_wait3A_141 = arith.constant 0 : i32
    %dma_wait3A_142 = tpu.memref_slice %arg12[%dma_wait3A_140, %dma_wait3A_141] : memref<10240x128xf32, #tpu.memory_space<vmem_shared>> -> memref<10240x128xf32, #tpu.memory_space<vmem_shared>>
    tpu.wait_indirect_dma semaphore(%arg15 : memref<!tpu.dma_semaphore, #tpu.memory_space<semaphore_mem>>) src(%arg6 : memref<80x128xf32, #tpu.memory_space<vmem>>) dst(%dma_wait3A_142 : memref<10240x128xf32, #tpu.memory_space<vmem_shared>>)
    %barrier3A_143 = arith.constant 0 : index
    tpu.barrier barrier_id(%barrier3A_143)
    %mul3A_144 = arith.constant 640 : i32
    %mul3A_145 = arith.muli %arg1, %mul3A_144 : i32
    "tpu.region"() ({
      %run_scoped3A = tpu.sem_alloc : memref<!tpu.dma_semaphore, #tpu.memory_space<semaphore_mem>>
      %dma_start3A_146 = arith.constant 0 : i32
      %dma_start3A_147 = tpu.memref_slice %arg4[%arg0, %mul3A_145, %dma_start3A_146] : memref<2x10240x128xf32, #tpu.memory_space<hbm>> -> memref<1x640x128xf32, #tpu.memory_space<hbm>>
      %dma_start3A_148 = tpu.memref_squeeze %dma_start3A_147 : memref<1x640x128xf32, #tpu.memory_space<hbm>> -> memref<640x128xf32, #tpu.memory_space<hbm>>
      %dma_start3A_149 = arith.constant 0 : i32
      %dma_start3A_150 = tpu.memref_slice %arg12[%mul3A_145, %dma_start3A_149] : memref<10240x128xf32, #tpu.memory_space<vmem_shared>> -> memref<640x128xf32, #tpu.memory_space<vmem_shared>>
      tpu.enqueue_dma source(%dma_start3A_150 : memref<640x128xf32, #tpu.memory_space<vmem_shared>>) target(%dma_start3A_148 : memref<640x128xf32, #tpu.memory_space<hbm>>) target_semaphore(%run_scoped3A : memref<!tpu.dma_semaphore, #tpu.memory_space<semaphore_mem>>)
      %dma_wait3A_151 = arith.constant 0 : i32
      %dma_wait3A_152 = tpu.memref_slice %arg4[%arg0, %mul3A_145, %dma_wait3A_151] : memref<2x10240x128xf32, #tpu.memory_space<hbm>> -> memref<1x640x128xf32, #tpu.memory_space<hbm>>
      %dma_wait3A_153 = tpu.memref_squeeze %dma_wait3A_152 : memref<1x640x128xf32, #tpu.memory_space<hbm>> -> memref<640x128xf32, #tpu.memory_space<hbm>>
      %dma_wait3A_154 = arith.constant 0 : i32
      %dma_wait3A_155 = tpu.memref_slice %arg12[%mul3A_145, %dma_wait3A_154] : memref<10240x128xf32, #tpu.memory_space<vmem_shared>> -> memref<640x128xf32, #tpu.memory_space<vmem_shared>>
      tpu.wait_dma2 semaphore(%run_scoped3A : memref<!tpu.dma_semaphore, #tpu.memory_space<semaphore_mem>>) src(%dma_wait3A_155 : memref<640x128xf32, #tpu.memory_space<vmem_shared>>) dst(%dma_wait3A_153 : memref<640x128xf32, #tpu.memory_space<hbm>>)
      tpu.yield
    }) : () -> ()
    return
  }
}

module attributes {stable_mosaic.version = 14 : i64} {
  func.func @_pre_body(%arg0: i32, %arg1: memref<1024x128xf32, #tpu.memory_space<vmem>>, %arg2: memref<3x128x128xf32, #tpu.memory_space<vmem>>, %arg3: memref<3x1x128xf32, #tpu.memory_space<vmem>>, %arg4: memref<256x128xi32, #tpu.memory_space<vmem>>, %arg5: memref<256x128xi32, #tpu.memory_space<vmem>>, %arg6: memref<256x128xi32, #tpu.memory_space<vmem>>, %arg7: memref<3x1024x128xf32, #tpu.memory_space<vmem>>, %arg8: memref<256x128xi32, #tpu.memory_space<vmem>>) attributes {dimension_semantics = [#tpu.dimension_semantics<arbitrary>], iteration_bounds = array<i64: 10>, scalar_prefetch = 0 : i64, scratch_operands = 0 : i64, tpu.core_type = #tpu.core_type<tc>, window_params = [{transform_indices = @transform_0, window_bounds = array<i64: 1024, 128>}, {pipeline_mode = #tpu.pipeline_mode<synchronous>, transform_indices = @transform_1, window_bounds = array<i64: 3, 128, 128>}, {pipeline_mode = #tpu.pipeline_mode<synchronous>, transform_indices = @transform_2, window_bounds = array<i64: 3, 1, 128>}, {transform_indices = @transform_3, window_bounds = array<i64: 256, 128>}, {transform_indices = @transform_4, window_bounds = array<i64: 256, 128>}, {transform_indices = @transform_5, window_bounds = array<i64: 256, 128>}, {transform_indices = @transform_6, window_bounds = array<i64: 3, 1024, 128>}, {transform_indices = @transform_7, window_bounds = array<i64: 256, 128>}]} {
    %get3A = arith.constant 0 : index
    %get3A_0 = arith.constant 0 : index
    %get3A_1 = vector.load %arg1[%get3A, %get3A_0] : memref<1024x128xf32, #tpu.memory_space<vmem>>, vector<1024x128xf32>
    %get3A_2 = arith.constant 0 : index
    %get3A_3 = arith.constant 0 : index
    %get3A_4 = arith.constant 0 : index
    %get3A_5 = vector.load %arg2[%get3A_2, %get3A_3, %get3A_4] : memref<3x128x128xf32, #tpu.memory_space<vmem>>, vector<1x128x128xf32>
    %get3A_6 = vector.shape_cast %get3A_5 : vector<1x128x128xf32> to vector<128x128xf32>
    %dot_general3A = arith.constant dense<0.000000e+00> : vector<1024x128xf32>
    %dot_general3A_7 = tpu.matmul %get3A_1, %get3A_6, %dot_general3A {dimension_numbers = #tpu.dot_dimension_numbers<[1], [1], [0], [0], [0, 0, 1, 0], [], []>, transpose_lhs_hint = false} : vector<1024x128xf32>, vector<128x128xf32>, vector<1024x128xf32> -> vector<1024x128xf32>
    %get3A_8 = arith.constant 0 : index
    %get3A_9 = arith.constant 0 : index
    %get3A_10 = arith.constant 0 : index
    %get3A_11 = vector.load %arg3[%get3A_8, %get3A_9, %get3A_10] : memref<3x1x128xf32, #tpu.memory_space<vmem>>, vector<1x1x128xf32>
    %get3A_12 = vector.shape_cast %get3A_11 : vector<1x1x128xf32> to vector<1x128xf32>
    %add3A = vector.broadcast %get3A_12 : vector<1x128xf32> to vector<1024x128xf32>
    %add3A_13 = arith.addf %dot_general3A_7, %add3A : vector<1024x128xf32>
    %swap3A = arith.constant 0 : index
    %swap3A_14 = arith.constant 0 : index
    %swap3A_15 = arith.constant 0 : index
    %swap3A_16 = vector.load %arg7[%swap3A, %swap3A_14, %swap3A_15] : memref<3x1024x128xf32, #tpu.memory_space<vmem>>, vector<1x1024x128xf32>
    %swap3A_17 = vector.shape_cast %swap3A_16 : vector<1x1024x128xf32> to vector<1024x128xf32>
    %swap3A_18 = vector.shape_cast %add3A_13 : vector<1024x128xf32> to vector<1x1024x128xf32>
    tpu.vector_store %arg7[%swap3A, %swap3A_14, %swap3A_15], %swap3A_18 {strides = array<i32>} : memref<3x1024x128xf32, #tpu.memory_space<vmem>>, vector<1x1024x128xf32>,
    %get3A_19 = arith.constant 1 : index
    %get3A_20 = arith.constant 0 : index
    %get3A_21 = arith.constant 0 : index
    %get3A_22 = vector.load %arg2[%get3A_19, %get3A_20, %get3A_21] : memref<3x128x128xf32, #tpu.memory_space<vmem>>, vector<1x128x128xf32>
    %get3A_23 = vector.shape_cast %get3A_22 : vector<1x128x128xf32> to vector<128x128xf32>
    %dot_general3A_24 = arith.constant dense<0.000000e+00> : vector<1024x128xf32>
    %dot_general3A_25 = tpu.matmul %get3A_1, %get3A_23, %dot_general3A_24 {dimension_numbers = #tpu.dot_dimension_numbers<[1], [1], [0], [0], [0, 0, 1, 0], [], []>, transpose_lhs_hint = false} : vector<1024x128xf32>, vector<128x128xf32>, vector<1024x128xf32> -> vector<1024x128xf32>
    %get3A_26 = arith.constant 1 : index
    %get3A_27 = arith.constant 0 : index
    %get3A_28 = arith.constant 0 : index
    %get3A_29 = vector.load %arg3[%get3A_26, %get3A_27, %get3A_28] : memref<3x1x128xf32, #tpu.memory_space<vmem>>, vector<1x1x128xf32>
    %get3A_30 = vector.shape_cast %get3A_29 : vector<1x1x128xf32> to vector<1x128xf32>
    %add3A_31 = vector.broadcast %get3A_30 : vector<1x128xf32> to vector<1024x128xf32>
    %add3A_32 = arith.addf %dot_general3A_25, %add3A_31 : vector<1024x128xf32>
    %swap3A_33 = arith.constant 1 : index
    %swap3A_34 = arith.constant 0 : index
    %swap3A_35 = arith.constant 0 : index
    %swap3A_36 = vector.load %arg7[%swap3A_33, %swap3A_34, %swap3A_35] : memref<3x1024x128xf32, #tpu.memory_space<vmem>>, vector<1x1024x128xf32>
    %swap3A_37 = vector.shape_cast %swap3A_36 : vector<1x1024x128xf32> to vector<1024x128xf32>
    %swap3A_38 = vector.shape_cast %add3A_32 : vector<1024x128xf32> to vector<1x1024x128xf32>
    tpu.vector_store %arg7[%swap3A_33, %swap3A_34, %swap3A_35], %swap3A_38 {strides = array<i32>} : memref<3x1024x128xf32, #tpu.memory_space<vmem>>, vector<1x1024x128xf32>,
    %get3A_39 = arith.constant 2 : index
    %get3A_40 = arith.constant 0 : index
    %get3A_41 = arith.constant 0 : index
    %get3A_42 = vector.load %arg2[%get3A_39, %get3A_40, %get3A_41] : memref<3x128x128xf32, #tpu.memory_space<vmem>>, vector<1x128x128xf32>
    %get3A_43 = vector.shape_cast %get3A_42 : vector<1x128x128xf32> to vector<128x128xf32>
    %dot_general3A_44 = arith.constant dense<0.000000e+00> : vector<1024x128xf32>
    %dot_general3A_45 = tpu.matmul %get3A_1, %get3A_43, %dot_general3A_44 {dimension_numbers = #tpu.dot_dimension_numbers<[1], [1], [0], [0], [0, 0, 1, 0], [], []>, transpose_lhs_hint = false} : vector<1024x128xf32>, vector<128x128xf32>, vector<1024x128xf32> -> vector<1024x128xf32>
    %get3A_46 = arith.constant 2 : index
    %get3A_47 = arith.constant 0 : index
    %get3A_48 = arith.constant 0 : index
    %get3A_49 = vector.load %arg3[%get3A_46, %get3A_47, %get3A_48] : memref<3x1x128xf32, #tpu.memory_space<vmem>>, vector<1x1x128xf32>
    %get3A_50 = vector.shape_cast %get3A_49 : vector<1x1x128xf32> to vector<1x128xf32>
    %add3A_51 = vector.broadcast %get3A_50 : vector<1x128xf32> to vector<1024x128xf32>
    %add3A_52 = arith.addf %dot_general3A_45, %add3A_51 : vector<1024x128xf32>
    %swap3A_53 = arith.constant 2 : index
    %swap3A_54 = arith.constant 0 : index
    %swap3A_55 = arith.constant 0 : index
    %swap3A_56 = vector.load %arg7[%swap3A_53, %swap3A_54, %swap3A_55] : memref<3x1024x128xf32, #tpu.memory_space<vmem>>, vector<1x1024x128xf32>
    %swap3A_57 = vector.shape_cast %swap3A_56 : vector<1x1024x128xf32> to vector<1024x128xf32>
    %swap3A_58 = vector.shape_cast %add3A_52 : vector<1024x128xf32> to vector<1x1024x128xf32>
    tpu.vector_store %arg7[%swap3A_53, %swap3A_54, %swap3A_55], %swap3A_58 {strides = array<i32>} : memref<3x1024x128xf32, #tpu.memory_space<vmem>>, vector<1x1024x128xf32>,
    %get3A_59 = arith.constant 0 : index
    %get3A_60 = arith.constant 0 : index
    %get3A_61 = vector.load %arg4[%get3A_59, %get3A_60] : memref<256x128xi32, #tpu.memory_space<vmem>>, vector<256x128xi32>
    %get3A_62 = arith.constant 0 : index
    %get3A_63 = arith.constant 0 : index
    %get3A_64 = vector.load %arg5[%get3A_62, %get3A_63] : memref<256x128xi32, #tpu.memory_space<vmem>>, vector<256x128xi32>
    %mul3A = arith.constant 10240 : i32
    %mul3A_65 = vector.broadcast %mul3A : i32 to vector<256x128xi32>
    %mul3A_66 = arith.muli %get3A_64, %mul3A_65 : vector<256x128xi32>
    %add3A_67 = arith.addi %get3A_61, %mul3A_66 : vector<256x128xi32>
    %get3A_68 = arith.constant 0 : index
    %get3A_69 = arith.constant 0 : index
    %get3A_70 = vector.load %arg6[%get3A_68, %get3A_69] : memref<256x128xi32, #tpu.memory_space<vmem>>, vector<256x128xi32>
    %mul3A_71 = arith.constant 65536 : i32
    %mul3A_72 = vector.broadcast %mul3A_71 : i32 to vector<256x128xi32>
    %mul3A_73 = arith.muli %get3A_70, %mul3A_72 : vector<256x128xi32>
    %add3A_74 = arith.addi %add3A_67, %mul3A_73 : vector<256x128xi32>
    %swap3A_75 = arith.constant 0 : index
    %swap3A_76 = arith.constant 0 : index
    %swap3A_77 = vector.load %arg8[%swap3A_75, %swap3A_76] : memref<256x128xi32, #tpu.memory_space<vmem>>, vector<256x128xi32>
    tpu.vector_store %arg8[%swap3A_75, %swap3A_76], %add3A_74 {strides = array<i32>} : memref<256x128xi32, #tpu.memory_space<vmem>>, vector<256x128xi32>,
    return
  }
  func.func @transform_0(%arg0: i32) -> (i32, i32) {
    %c0_i32 = arith.constant 0 : i32
    %c0_i32_0 = arith.constant 0 : i32
    return %arg0, %c0_i32 : i32, i32
  }
  func.func @transform_1(%arg0: i32) -> (i32, i32, i32) {
    %c0_i32 = arith.constant 0 : i32
    %c0_i32_0 = arith.constant 0 : i32
    %c0_i32_1 = arith.constant 0 : i32
    %c0_i32_2 = arith.constant 0 : i32
    return %c0_i32, %c0_i32_0, %c0_i32_1 : i32, i32, i32
  }
  func.func @transform_2(%arg0: i32) -> (i32, i32, i32) {
    %c0_i32 = arith.constant 0 : i32
    %c0_i32_0 = arith.constant 0 : i32
    %c0_i32_1 = arith.constant 0 : i32
    %c0_i32_2 = arith.constant 0 : i32
    return %c0_i32, %c0_i32_0, %c0_i32_1 : i32, i32, i32
  }
  func.func @transform_3(%arg0: i32) -> (i32, i32) {
    %c0_i32 = arith.constant 0 : i32
    %c0_i32_0 = arith.constant 0 : i32
    return %arg0, %c0_i32 : i32, i32
  }
  func.func @transform_4(%arg0: i32) -> (i32, i32) {
    %c0_i32 = arith.constant 0 : i32
    %c0_i32_0 = arith.constant 0 : i32
    return %arg0, %c0_i32 : i32, i32
  }
  func.func @transform_5(%arg0: i32) -> (i32, i32) {
    %c0_i32 = arith.constant 0 : i32
    %c0_i32_0 = arith.constant 0 : i32
    return %arg0, %c0_i32 : i32, i32
  }
  func.func @transform_6(%arg0: i32) -> (i32, i32, i32) {
    %c0_i32 = arith.constant 0 : i32
    %c0_i32_0 = arith.constant 0 : i32
    %c0_i32_1 = arith.constant 0 : i32
    return %c0_i32, %arg0, %c0_i32_0 : i32, i32, i32
  }
  func.func @transform_7(%arg0: i32) -> (i32, i32) {
    %c0_i32 = arith.constant 0 : i32
    %c0_i32_0 = arith.constant 0 : i32
    return %arg0, %c0_i32 : i32, i32
  }
}

module attributes {stable_mosaic.version = 14 : i64} {
  func.func @_gru_pre_body(%arg0: i32, %arg1: memref<2x1024x128xf32, #tpu.memory_space<vmem>>, %arg2: memref<1024x128xf32, #tpu.memory_space<vmem>>, %arg3: memref<384x128xf32, #tpu.memory_space<vmem>>, %arg4: memref<1x384xf32, #tpu.memory_space<vmem>>, %arg5: memref<3x128x128xf32, #tpu.memory_space<vmem>>, %arg6: memref<3x1x128xf32, #tpu.memory_space<vmem>>, %arg7: memref<384x128xf32, #tpu.memory_space<vmem>>, %arg8: memref<1x384xf32, #tpu.memory_space<vmem>>, %arg9: memref<1024x128xf32, #tpu.memory_space<vmem>>, %arg10: memref<3x1024x128xf32, #tpu.memory_space<vmem>>) attributes {dimension_semantics = [#tpu.dimension_semantics<arbitrary>], iteration_bounds = array<i64: 10>, scalar_prefetch = 0 : i64, scratch_operands = 0 : i64, tpu.core_type = #tpu.core_type<tc>, window_params = [{transform_indices = @transform_0, window_bounds = array<i64: 2, 1024, 128>}, {transform_indices = @transform_1, window_bounds = array<i64: 1024, 128>}, {pipeline_mode = #tpu.pipeline_mode<synchronous>, transform_indices = @transform_2, window_bounds = array<i64: 384, 128>}, {pipeline_mode = #tpu.pipeline_mode<synchronous>, transform_indices = @transform_3, window_bounds = array<i64: 1, 384>}, {pipeline_mode = #tpu.pipeline_mode<synchronous>, transform_indices = @transform_4, window_bounds = array<i64: 3, 128, 128>}, {pipeline_mode = #tpu.pipeline_mode<synchronous>, transform_indices = @transform_5, window_bounds = array<i64: 3, 1, 128>}, {pipeline_mode = #tpu.pipeline_mode<synchronous>, transform_indices = @transform_6, window_bounds = array<i64: 384, 128>}, {pipeline_mode = #tpu.pipeline_mode<synchronous>, transform_indices = @transform_7, window_bounds = array<i64: 1, 384>}, {transform_indices = @transform_8, window_bounds = array<i64: 1024, 128>}, {transform_indices = @transform_9, window_bounds = array<i64: 3, 1024, 128>}]} {
    %get3A = arith.constant 0 : index
    %get3A_0 = arith.constant 0 : index
    %get3A_1 = arith.constant 0 : index
    %get3A_2 = vector.load %arg1[%get3A, %get3A_0, %get3A_1] : memref<2x1024x128xf32, #tpu.memory_space<vmem>>, vector<1x1024x128xf32>
    %get3A_3 = vector.shape_cast %get3A_2 : vector<1x1024x128xf32> to vector<1024x128xf32>
    %get3A_4 = arith.constant 1 : index
    %get3A_5 = arith.constant 0 : index
    %get3A_6 = arith.constant 0 : index
    %get3A_7 = vector.load %arg1[%get3A_4, %get3A_5, %get3A_6] : memref<2x1024x128xf32, #tpu.memory_space<vmem>>, vector<1x1024x128xf32>
    %get3A_8 = vector.shape_cast %get3A_7 : vector<1x1024x128xf32> to vector<1024x128xf32>
    %add3A = arith.addf %get3A_3, %get3A_8 : vector<1024x128xf32>
    %get3A_9 = arith.constant 0 : index
    %get3A_10 = arith.constant 0 : index
    %get3A_11 = vector.load %arg2[%get3A_9, %get3A_10] : memref<1024x128xf32, #tpu.memory_space<vmem>>, vector<1024x128xf32>
    %get3A_12 = arith.constant 0 : index
    %get3A_13 = arith.constant 0 : index
    %get3A_14 = vector.load %arg3[%get3A_12, %get3A_13] : memref<384x128xf32, #tpu.memory_space<vmem>>, vector<384x128xf32>
    %dot_general3A = arith.constant dense<0.000000e+00> : vector<1024x384xf32>
    %dot_general3A_15 = tpu.matmul %add3A, %get3A_14, %dot_general3A {dimension_numbers = #tpu.dot_dimension_numbers<[1], [1], [0], [0], [0, 0, 1, 0], [], []>, transpose_lhs_hint = false} : vector<1024x128xf32>, vector<384x128xf32>, vector<1024x384xf32> -> vector<1024x384xf32>
    %get3A_16 = arith.constant 0 : index
    %get3A_17 = arith.constant 0 : index
    %get3A_18 = vector.load %arg4[%get3A_16, %get3A_17] : memref<1x384xf32, #tpu.memory_space<vmem>>, vector<1x384xf32>
    %add3A_19 = vector.broadcast %get3A_18 : vector<1x384xf32> to vector<1024x384xf32>
    %add3A_20 = arith.addf %dot_general3A_15, %add3A_19 : vector<1024x384xf32>
    %get3A_21 = arith.constant 0 : index
    %get3A_22 = arith.constant 0 : index
    %get3A_23 = vector.load %arg7[%get3A_21, %get3A_22] : memref<384x128xf32, #tpu.memory_space<vmem>>, vector<384x128xf32>
    %dot_general3A_24 = arith.constant dense<0.000000e+00> : vector<1024x384xf32>
    %dot_general3A_25 = tpu.matmul %get3A_11, %get3A_23, %dot_general3A_24 {dimension_numbers = #tpu.dot_dimension_numbers<[1], [1], [0], [0], [0, 0, 1, 0], [], []>, transpose_lhs_hint = false} : vector<1024x128xf32>, vector<384x128xf32>, vector<1024x384xf32> -> vector<1024x384xf32>
    %get3A_26 = arith.constant 0 : index
    %get3A_27 = arith.constant 0 : index
    %get3A_28 = vector.load %arg8[%get3A_26, %get3A_27] : memref<1x384xf32, #tpu.memory_space<vmem>>, vector<1x384xf32>
    %add3A_29 = vector.broadcast %get3A_28 : vector<1x384xf32> to vector<1024x384xf32>
    %add3A_30 = arith.addf %dot_general3A_25, %add3A_29 : vector<1024x384xf32>
    %slice3A = vector.extract_strided_slice %add3A_20 {offsets = [0, 0], sizes = [1024, 128], strides = [1, 1]} : vector<1024x384xf32> to vector<1024x128xf32>
    %slice3A_31 = vector.extract_strided_slice %add3A_30 {offsets = [0, 0], sizes = [1024, 128], strides = [1, 1]} : vector<1024x384xf32> to vector<1024x128xf32>
    %add3A_32 = arith.addf %slice3A, %slice3A_31 : vector<1024x128xf32>
    %logistic3A = arith.negf %add3A_32 : vector<1024x128xf32>
    %logistic3A_33 = math.exp %logistic3A : vector<1024x128xf32>
    %logistic3A_34 = arith.constant 1.000000e+00 : f32
    %logistic3A_35 = vector.broadcast %logistic3A_34 : f32 to vector<1024x128xf32>
    %logistic3A_36 = arith.addf %logistic3A_35, %logistic3A_33 : vector<1024x128xf32>
    %logistic3A_37 = arith.divf %logistic3A_35, %logistic3A_36 : vector<1024x128xf32>
    %slice3A_38 = vector.extract_strided_slice %add3A_20 {offsets = [0, 128], sizes = [1024, 128], strides = [1, 1]} : vector<1024x384xf32> to vector<1024x128xf32>
    %slice3A_39 = vector.extract_strided_slice %add3A_30 {offsets = [0, 128], sizes = [1024, 128], strides = [1, 1]} : vector<1024x384xf32> to vector<1024x128xf32>
    %add3A_40 = arith.addf %slice3A_38, %slice3A_39 : vector<1024x128xf32>
    %logistic3A_41 = arith.negf %add3A_40 : vector<1024x128xf32>
    %logistic3A_42 = math.exp %logistic3A_41 : vector<1024x128xf32>
    %logistic3A_43 = arith.constant 1.000000e+00 : f32
    %logistic3A_44 = vector.broadcast %logistic3A_43 : f32 to vector<1024x128xf32>
    %logistic3A_45 = arith.addf %logistic3A_44, %logistic3A_42 : vector<1024x128xf32>
    %logistic3A_46 = arith.divf %logistic3A_44, %logistic3A_45 : vector<1024x128xf32>
    %slice3A_47 = vector.extract_strided_slice %add3A_20 {offsets = [0, 256], sizes = [1024, 128], strides = [1, 1]} : vector<1024x384xf32> to vector<1024x128xf32>
    %slice3A_48 = vector.extract_strided_slice %add3A_30 {offsets = [0, 256], sizes = [1024, 128], strides = [1, 1]} : vector<1024x384xf32> to vector<1024x128xf32>
    %mul3A = arith.mulf %logistic3A_37, %slice3A_48 : vector<1024x128xf32>
    %add3A_49 = arith.addf %slice3A_47, %mul3A : vector<1024x128xf32>
    %tanh3A = math.tanh %add3A_49 : vector<1024x128xf32>
    %sub3A = arith.constant 1.000000e+00 : f32
    %sub3A_50 = vector.broadcast %sub3A : f32 to vector<1024x128xf32>
    %sub3A_51 = arith.subf %sub3A_50, %logistic3A_46 : vector<1024x128xf32>
    %mul3A_52 = arith.mulf %sub3A_51, %tanh3A : vector<1024x128xf32>
    %mul3A_53 = arith.mulf %logistic3A_46, %get3A_11 : vector<1024x128xf32>
    %add3A_54 = arith.addf %mul3A_52, %mul3A_53 : vector<1024x128xf32>
    %swap3A = arith.constant 0 : index
    %swap3A_55 = arith.constant 0 : index
    %swap3A_56 = vector.load %arg9[%swap3A, %swap3A_55] : memref<1024x128xf32, #tpu.memory_space<vmem>>, vector<1024x128xf32>
    tpu.vector_store %arg9[%swap3A, %swap3A_55], %add3A_54 {strides = array<i32>} : memref<1024x128xf32, #tpu.memory_space<vmem>>, vector<1024x128xf32>,
    %get3A_57 = arith.constant 0 : index
    %get3A_58 = arith.constant 0 : index
    %get3A_59 = arith.constant 0 : index
    %get3A_60 = vector.load %arg5[%get3A_57, %get3A_58, %get3A_59] : memref<3x128x128xf32, #tpu.memory_space<vmem>>, vector<1x128x128xf32>
    %get3A_61 = vector.shape_cast %get3A_60 : vector<1x128x128xf32> to vector<128x128xf32>
    %dot_general3A_62 = arith.constant dense<0.000000e+00> : vector<1024x128xf32>
    %dot_general3A_63 = tpu.matmul %add3A_54, %get3A_61, %dot_general3A_62 {dimension_numbers = #tpu.dot_dimension_numbers<[1], [1], [0], [0], [0, 0, 1, 0], [], []>, transpose_lhs_hint = false} : vector<1024x128xf32>, vector<128x128xf32>, vector<1024x128xf32> -> vector<1024x128xf32>
    %get3A_64 = arith.constant 0 : index
    %get3A_65 = arith.constant 0 : index
    %get3A_66 = arith.constant 0 : index
    %get3A_67 = vector.load %arg6[%get3A_64, %get3A_65, %get3A_66] : memref<3x1x128xf32, #tpu.memory_space<vmem>>, vector<1x1x128xf32>
    %get3A_68 = vector.shape_cast %get3A_67 : vector<1x1x128xf32> to vector<1x128xf32>
    %add3A_69 = vector.broadcast %get3A_68 : vector<1x128xf32> to vector<1024x128xf32>
    %add3A_70 = arith.addf %dot_general3A_63, %add3A_69 : vector<1024x128xf32>
    %swap3A_71 = arith.constant 0 : index
    %swap3A_72 = arith.constant 0 : index
    %swap3A_73 = arith.constant 0 : index
    %swap3A_74 = vector.load %arg10[%swap3A_71, %swap3A_72, %swap3A_73] : memref<3x1024x128xf32, #tpu.memory_space<vmem>>, vector<1x1024x128xf32>
    %swap3A_75 = vector.shape_cast %swap3A_74 : vector<1x1024x128xf32> to vector<1024x128xf32>
    %swap3A_76 = vector.shape_cast %add3A_70 : vector<1024x128xf32> to vector<1x1024x128xf32>
    tpu.vector_store %arg10[%swap3A_71, %swap3A_72, %swap3A_73], %swap3A_76 {strides = array<i32>} : memref<3x1024x128xf32, #tpu.memory_space<vmem>>, vector<1x1024x128xf32>,
    %get3A_77 = arith.constant 1 : index
    %get3A_78 = arith.constant 0 : index
    %get3A_79 = arith.constant 0 : index
    %get3A_80 = vector.load %arg5[%get3A_77, %get3A_78, %get3A_79] : memref<3x128x128xf32, #tpu.memory_space<vmem>>, vector<1x128x128xf32>
    %get3A_81 = vector.shape_cast %get3A_80 : vector<1x128x128xf32> to vector<128x128xf32>
    %dot_general3A_82 = arith.constant dense<0.000000e+00> : vector<1024x128xf32>
    %dot_general3A_83 = tpu.matmul %add3A_54, %get3A_81, %dot_general3A_82 {dimension_numbers = #tpu.dot_dimension_numbers<[1], [1], [0], [0], [0, 0, 1, 0], [], []>, transpose_lhs_hint = false} : vector<1024x128xf32>, vector<128x128xf32>, vector<1024x128xf32> -> vector<1024x128xf32>
    %get3A_84 = arith.constant 1 : index
    %get3A_85 = arith.constant 0 : index
    %get3A_86 = arith.constant 0 : index
    %get3A_87 = vector.load %arg6[%get3A_84, %get3A_85, %get3A_86] : memref<3x1x128xf32, #tpu.memory_space<vmem>>, vector<1x1x128xf32>
    %get3A_88 = vector.shape_cast %get3A_87 : vector<1x1x128xf32> to vector<1x128xf32>
    %add3A_89 = vector.broadcast %get3A_88 : vector<1x128xf32> to vector<1024x128xf32>
    %add3A_90 = arith.addf %dot_general3A_83, %add3A_89 : vector<1024x128xf32>
    %swap3A_91 = arith.constant 1 : index
    %swap3A_92 = arith.constant 0 : index
    %swap3A_93 = arith.constant 0 : index
    %swap3A_94 = vector.load %arg10[%swap3A_91, %swap3A_92, %swap3A_93] : memref<3x1024x128xf32, #tpu.memory_space<vmem>>, vector<1x1024x128xf32>
    %swap3A_95 = vector.shape_cast %swap3A_94 : vector<1x1024x128xf32> to vector<1024x128xf32>
    %swap3A_96 = vector.shape_cast %add3A_90 : vector<1024x128xf32> to vector<1x1024x128xf32>
    tpu.vector_store %arg10[%swap3A_91, %swap3A_92, %swap3A_93], %swap3A_96 {strides = array<i32>} : memref<3x1024x128xf32, #tpu.memory_space<vmem>>, vector<1x1024x128xf32>,
    %get3A_97 = arith.constant 2 : index
    %get3A_98 = arith.constant 0 : index
    %get3A_99 = arith.constant 0 : index
    %get3A_100 = vector.load %arg5[%get3A_97, %get3A_98, %get3A_99] : memref<3x128x128xf32, #tpu.memory_space<vmem>>, vector<1x128x128xf32>
    %get3A_101 = vector.shape_cast %get3A_100 : vector<1x128x128xf32> to vector<128x128xf32>
    %dot_general3A_102 = arith.constant dense<0.000000e+00> : vector<1024x128xf32>
    %dot_general3A_103 = tpu.matmul %add3A_54, %get3A_101, %dot_general3A_102 {dimension_numbers = #tpu.dot_dimension_numbers<[1], [1], [0], [0], [0, 0, 1, 0], [], []>, transpose_lhs_hint = false} : vector<1024x128xf32>, vector<128x128xf32>, vector<1024x128xf32> -> vector<1024x128xf32>
    %get3A_104 = arith.constant 2 : index
    %get3A_105 = arith.constant 0 : index
    %get3A_106 = arith.constant 0 : index
    %get3A_107 = vector.load %arg6[%get3A_104, %get3A_105, %get3A_106] : memref<3x1x128xf32, #tpu.memory_space<vmem>>, vector<1x1x128xf32>
    %get3A_108 = vector.shape_cast %get3A_107 : vector<1x1x128xf32> to vector<1x128xf32>
    %add3A_109 = vector.broadcast %get3A_108 : vector<1x128xf32> to vector<1024x128xf32>
    %add3A_110 = arith.addf %dot_general3A_103, %add3A_109 : vector<1024x128xf32>
    %swap3A_111 = arith.constant 2 : index
    %swap3A_112 = arith.constant 0 : index
    %swap3A_113 = arith.constant 0 : index
    %swap3A_114 = vector.load %arg10[%swap3A_111, %swap3A_112, %swap3A_113] : memref<3x1024x128xf32, #tpu.memory_space<vmem>>, vector<1x1024x128xf32>
    %swap3A_115 = vector.shape_cast %swap3A_114 : vector<1x1024x128xf32> to vector<1024x128xf32>
    %swap3A_116 = vector.shape_cast %add3A_110 : vector<1024x128xf32> to vector<1x1024x128xf32>
    tpu.vector_store %arg10[%swap3A_111, %swap3A_112, %swap3A_113], %swap3A_116 {strides = array<i32>} : memref<3x1024x128xf32, #tpu.memory_space<vmem>>, vector<1x1024x128xf32>,
    return
  }
  func.func @transform_0(%arg0: i32) -> (i32, i32, i32) {
    %c0_i32 = arith.constant 0 : i32
    %c0_i32_0 = arith.constant 0 : i32
    %c0_i32_1 = arith.constant 0 : i32
    return %c0_i32, %arg0, %c0_i32_0 : i32, i32, i32
  }
  func.func @transform_1(%arg0: i32) -> (i32, i32) {
    %c0_i32 = arith.constant 0 : i32
    %c0_i32_0 = arith.constant 0 : i32
    return %arg0, %c0_i32 : i32, i32
  }
  func.func @transform_2(%arg0: i32) -> (i32, i32) {
    %c0_i32 = arith.constant 0 : i32
    %c0_i32_0 = arith.constant 0 : i32
    %c0_i32_1 = arith.constant 0 : i32
    return %c0_i32, %c0_i32_0 : i32, i32
  }
  func.func @transform_3(%arg0: i32) -> (i32, i32) {
    %c0_i32 = arith.constant 0 : i32
    %c0_i32_0 = arith.constant 0 : i32
    %c0_i32_1 = arith.constant 0 : i32
    return %c0_i32, %c0_i32_0 : i32, i32
  }
  func.func @transform_4(%arg0: i32) -> (i32, i32, i32) {
    %c0_i32 = arith.constant 0 : i32
    %c0_i32_0 = arith.constant 0 : i32
    %c0_i32_1 = arith.constant 0 : i32
    %c0_i32_2 = arith.constant 0 : i32
    return %c0_i32, %c0_i32_0, %c0_i32_1 : i32, i32, i32
  }
  func.func @transform_5(%arg0: i32) -> (i32, i32, i32) {
    %c0_i32 = arith.constant 0 : i32
    %c0_i32_0 = arith.constant 0 : i32
    %c0_i32_1 = arith.constant 0 : i32
    %c0_i32_2 = arith.constant 0 : i32
    return %c0_i32, %c0_i32_0, %c0_i32_1 : i32, i32, i32
  }
  func.func @transform_6(%arg0: i32) -> (i32, i32) {
    %c0_i32 = arith.constant 0 : i32
    %c0_i32_0 = arith.constant 0 : i32
    %c0_i32_1 = arith.constant 0 : i32
    return %c0_i32, %c0_i32_0 : i32, i32
  }
  func.func @transform_7(%arg0: i32) -> (i32, i32) {
    %c0_i32 = arith.constant 0 : i32
    %c0_i32_0 = arith.constant 0 : i32
    %c0_i32_1 = arith.constant 0 : i32
    return %c0_i32, %c0_i32_0 : i32, i32
  }
  func.func @transform_8(%arg0: i32) -> (i32, i32) {
    %c0_i32 = arith.constant 0 : i32
    %c0_i32_0 = arith.constant 0 : i32
    return %arg0, %c0_i32 : i32, i32
  }
  func.func @transform_9(%arg0: i32) -> (i32, i32, i32) {
    %c0_i32 = arith.constant 0 : i32
    %c0_i32_0 = arith.constant 0 : i32
    %c0_i32_1 = arith.constant 0 : i32
    return %c0_i32, %arg0, %c0_i32_0 : i32, i32, i32
  }
}

module attributes {stable_mosaic.version = 14 : i64} {
  func.func @_gru_head_body(%arg0: i32, %arg1: memref<2x1024x128xf32, #tpu.memory_space<vmem>>, %arg2: memref<1024x128xf32, #tpu.memory_space<vmem>>, %arg3: memref<384x128xf32, #tpu.memory_space<vmem>>, %arg4: memref<1x384xf32, #tpu.memory_space<vmem>>, %arg5: memref<384x128xf32, #tpu.memory_space<vmem>>, %arg6: memref<1x384xf32, #tpu.memory_space<vmem>>, %arg7: memref<1024x128xf32, #tpu.memory_space<vmem>>, %arg8: memref<8x256xf32, #tpu.memory_space<vmem>>, %arg9: memref<1x1xf32, #tpu.memory_space<vmem>>, %arg10: memref<1024x8xf32, #tpu.memory_space<vmem>>) attributes {dimension_semantics = [#tpu.dimension_semantics<arbitrary>], iteration_bounds = array<i64: 10>, scalar_prefetch = 0 : i64, scratch_operands = 0 : i64, tpu.core_type = #tpu.core_type<tc>, window_params = [{transform_indices = @transform_0, window_bounds = array<i64: 2, 1024, 128>}, {transform_indices = @transform_1, window_bounds = array<i64: 1024, 128>}, {pipeline_mode = #tpu.pipeline_mode<synchronous>, transform_indices = @transform_2, window_bounds = array<i64: 384, 128>}, {pipeline_mode = #tpu.pipeline_mode<synchronous>, transform_indices = @transform_3, window_bounds = array<i64: 1, 384>}, {pipeline_mode = #tpu.pipeline_mode<synchronous>, transform_indices = @transform_4, window_bounds = array<i64: 384, 128>}, {pipeline_mode = #tpu.pipeline_mode<synchronous>, transform_indices = @transform_5, window_bounds = array<i64: 1, 384>}, {transform_indices = @transform_6, window_bounds = array<i64: 1024, 128>}, {pipeline_mode = #tpu.pipeline_mode<synchronous>, transform_indices = @transform_7, window_bounds = array<i64: 8, 256>}, {pipeline_mode = #tpu.pipeline_mode<synchronous>, transform_indices = @transform_8, window_bounds = array<i64: 1, 1>}, {transform_indices = @transform_9, window_bounds = array<i64: 1024, 8>}]} {
    %get3A = arith.constant 0 : index
    %get3A_0 = arith.constant 0 : index
    %get3A_1 = arith.constant 0 : index
    %get3A_2 = vector.load %arg1[%get3A, %get3A_0, %get3A_1] : memref<2x1024x128xf32, #tpu.memory_space<vmem>>, vector<1x1024x128xf32>
    %get3A_3 = vector.shape_cast %get3A_2 : vector<1x1024x128xf32> to vector<1024x128xf32>
    %get3A_4 = arith.constant 1 : index
    %get3A_5 = arith.constant 0 : index
    %get3A_6 = arith.constant 0 : index
    %get3A_7 = vector.load %arg1[%get3A_4, %get3A_5, %get3A_6] : memref<2x1024x128xf32, #tpu.memory_space<vmem>>, vector<1x1024x128xf32>
    %get3A_8 = vector.shape_cast %get3A_7 : vector<1x1024x128xf32> to vector<1024x128xf32>
    %add3A = arith.addf %get3A_3, %get3A_8 : vector<1024x128xf32>
    %get3A_9 = arith.constant 0 : index
    %get3A_10 = arith.constant 0 : index
    %get3A_11 = vector.load %arg2[%get3A_9, %get3A_10] : memref<1024x128xf32, #tpu.memory_space<vmem>>, vector<1024x128xf32>
    %get3A_12 = arith.constant 0 : index
    %get3A_13 = arith.constant 0 : index
    %get3A_14 = vector.load %arg3[%get3A_12, %get3A_13] : memref<384x128xf32, #tpu.memory_space<vmem>>, vector<384x128xf32>
    %dot_general3A = arith.constant dense<0.000000e+00> : vector<1024x384xf32>
    %dot_general3A_15 = tpu.matmul %add3A, %get3A_14, %dot_general3A {dimension_numbers = #tpu.dot_dimension_numbers<[1], [1], [0], [0], [0, 0, 1, 0], [], []>, transpose_lhs_hint = false} : vector<1024x128xf32>, vector<384x128xf32>, vector<1024x384xf32> -> vector<1024x384xf32>
    %get3A_16 = arith.constant 0 : index
    %get3A_17 = arith.constant 0 : index
    %get3A_18 = vector.load %arg4[%get3A_16, %get3A_17] : memref<1x384xf32, #tpu.memory_space<vmem>>, vector<1x384xf32>
    %add3A_19 = vector.broadcast %get3A_18 : vector<1x384xf32> to vector<1024x384xf32>
    %add3A_20 = arith.addf %dot_general3A_15, %add3A_19 : vector<1024x384xf32>
    %get3A_21 = arith.constant 0 : index
    %get3A_22 = arith.constant 0 : index
    %get3A_23 = vector.load %arg5[%get3A_21, %get3A_22] : memref<384x128xf32, #tpu.memory_space<vmem>>, vector<384x128xf32>
    %dot_general3A_24 = arith.constant dense<0.000000e+00> : vector<1024x384xf32>
    %dot_general3A_25 = tpu.matmul %get3A_11, %get3A_23, %dot_general3A_24 {dimension_numbers = #tpu.dot_dimension_numbers<[1], [1], [0], [0], [0, 0, 1, 0], [], []>, transpose_lhs_hint = false} : vector<1024x128xf32>, vector<384x128xf32>, vector<1024x384xf32> -> vector<1024x384xf32>
    %get3A_26 = arith.constant 0 : index
    %get3A_27 = arith.constant 0 : index
    %get3A_28 = vector.load %arg6[%get3A_26, %get3A_27] : memref<1x384xf32, #tpu.memory_space<vmem>>, vector<1x384xf32>
    %add3A_29 = vector.broadcast %get3A_28 : vector<1x384xf32> to vector<1024x384xf32>
    %add3A_30 = arith.addf %dot_general3A_25, %add3A_29 : vector<1024x384xf32>
    %slice3A = vector.extract_strided_slice %add3A_20 {offsets = [0, 0], sizes = [1024, 128], strides = [1, 1]} : vector<1024x384xf32> to vector<1024x128xf32>
    %slice3A_31 = vector.extract_strided_slice %add3A_30 {offsets = [0, 0], sizes = [1024, 128], strides = [1, 1]} : vector<1024x384xf32> to vector<1024x128xf32>
    %add3A_32 = arith.addf %slice3A, %slice3A_31 : vector<1024x128xf32>
    %logistic3A = arith.negf %add3A_32 : vector<1024x128xf32>
    %logistic3A_33 = math.exp %logistic3A : vector<1024x128xf32>
    %logistic3A_34 = arith.constant 1.000000e+00 : f32
    %logistic3A_35 = vector.broadcast %logistic3A_34 : f32 to vector<1024x128xf32>
    %logistic3A_36 = arith.addf %logistic3A_35, %logistic3A_33 : vector<1024x128xf32>
    %logistic3A_37 = arith.divf %logistic3A_35, %logistic3A_36 : vector<1024x128xf32>
    %slice3A_38 = vector.extract_strided_slice %add3A_20 {offsets = [0, 128], sizes = [1024, 128], strides = [1, 1]} : vector<1024x384xf32> to vector<1024x128xf32>
    %slice3A_39 = vector.extract_strided_slice %add3A_30 {offsets = [0, 128], sizes = [1024, 128], strides = [1, 1]} : vector<1024x384xf32> to vector<1024x128xf32>
    %add3A_40 = arith.addf %slice3A_38, %slice3A_39 : vector<1024x128xf32>
    %logistic3A_41 = arith.negf %add3A_40 : vector<1024x128xf32>
    %logistic3A_42 = math.exp %logistic3A_41 : vector<1024x128xf32>
    %logistic3A_43 = arith.constant 1.000000e+00 : f32
    %logistic3A_44 = vector.broadcast %logistic3A_43 : f32 to vector<1024x128xf32>
    %logistic3A_45 = arith.addf %logistic3A_44, %logistic3A_42 : vector<1024x128xf32>
    %logistic3A_46 = arith.divf %logistic3A_44, %logistic3A_45 : vector<1024x128xf32>
    %slice3A_47 = vector.extract_strided_slice %add3A_20 {offsets = [0, 256], sizes = [1024, 128], strides = [1, 1]} : vector<1024x384xf32> to vector<1024x128xf32>
    %slice3A_48 = vector.extract_strided_slice %add3A_30 {offsets = [0, 256], sizes = [1024, 128], strides = [1, 1]} : vector<1024x384xf32> to vector<1024x128xf32>
    %mul3A = arith.mulf %logistic3A_37, %slice3A_48 : vector<1024x128xf32>
    %add3A_49 = arith.addf %slice3A_47, %mul3A : vector<1024x128xf32>
    %tanh3A = math.tanh %add3A_49 : vector<1024x128xf32>
    %sub3A = arith.constant 1.000000e+00 : f32
    %sub3A_50 = vector.broadcast %sub3A : f32 to vector<1024x128xf32>
    %sub3A_51 = arith.subf %sub3A_50, %logistic3A_46 : vector<1024x128xf32>
    %mul3A_52 = arith.mulf %sub3A_51, %tanh3A : vector<1024x128xf32>
    %mul3A_53 = arith.mulf %logistic3A_46, %get3A_11 : vector<1024x128xf32>
    %add3A_54 = arith.addf %mul3A_52, %mul3A_53 : vector<1024x128xf32>
    %get3A_55 = arith.constant 0 : index
    %get3A_56 = arith.constant 0 : index
    %get3A_57 = vector.load %arg7[%get3A_55, %get3A_56] : memref<1024x128xf32, #tpu.memory_space<vmem>>, vector<1024x128xf32>
    %concatenate3A = tpu.concatenate %add3A_54, %get3A_57 in 1 : vector<1024x128xf32>, vector<1024x128xf32> -> vector<1024x256xf32>
    %get3A_58 = arith.constant 0 : index
    %get3A_59 = arith.constant 0 : index
    %get3A_60 = vector.load %arg8[%get3A_58, %get3A_59] : memref<8x256xf32, #tpu.memory_space<vmem>>, vector<8x256xf32>
    %dot_general3A_61 = arith.constant dense<0.000000e+00> : vector<1024x8xf32>
    %dot_general3A_62 = tpu.matmul %concatenate3A, %get3A_60, %dot_general3A_61 {dimension_numbers = #tpu.dot_dimension_numbers<[1], [1], [0], [0], [0, 0, 1, 0], [], []>, transpose_lhs_hint = false} : vector<1024x256xf32>, vector<8x256xf32>, vector<1024x8xf32> -> vector<1024x8xf32>
    %get3A_63 = arith.constant 0 : index
    %get3A_64 = arith.constant 0 : index
    %get3A_65 = vector.load %arg9[%get3A_63, %get3A_64] : memref<1x1xf32, #tpu.memory_space<vmem>>, vector<1x1xf32>
    %get3A_66 = vector.extract %get3A_65[0, 0] : f32 from vector<1x1xf32>
    %add3A_67 = vector.broadcast %get3A_66 : f32 to vector<1024x8xf32>
    %add3A_68 = arith.addf %dot_general3A_62, %add3A_67 : vector<1024x8xf32>
    %logistic3A_69 = arith.negf %add3A_68 : vector<1024x8xf32>
    %logistic3A_70 = math.exp %logistic3A_69 : vector<1024x8xf32>
    %logistic3A_71 = arith.constant 1.000000e+00 : f32
    %logistic3A_72 = vector.broadcast %logistic3A_71 : f32 to vector<1024x8xf32>
    %logistic3A_73 = arith.addf %logistic3A_72, %logistic3A_70 : vector<1024x8xf32>
    %logistic3A_74 = arith.divf %logistic3A_72, %logistic3A_73 : vector<1024x8xf32>
    %swap3A = arith.constant 0 : index
    %swap3A_75 = arith.constant 0 : index
    %swap3A_76 = vector.load %arg10[%swap3A, %swap3A_75] : memref<1024x8xf32, #tpu.memory_space<vmem>>, vector<1024x8xf32>
    tpu.vector_store %arg10[%swap3A, %swap3A_75], %logistic3A_74 {strides = array<i32>} : memref<1024x8xf32, #tpu.memory_space<vmem>>, vector<1024x8xf32>,
    return
  }
  func.func @transform_0(%arg0: i32) -> (i32, i32, i32) {
    %c0_i32 = arith.constant 0 : i32
    %c0_i32_0 = arith.constant 0 : i32
    %c0_i32_1 = arith.constant 0 : i32
    return %c0_i32, %arg0, %c0_i32_0 : i32, i32, i32
  }
  func.func @transform_1(%arg0: i32) -> (i32, i32) {
    %c0_i32 = arith.constant 0 : i32
    %c0_i32_0 = arith.constant 0 : i32
    return %arg0, %c0_i32 : i32, i32
  }
  func.func @transform_2(%arg0: i32) -> (i32, i32) {
    %c0_i32 = arith.constant 0 : i32
    %c0_i32_0 = arith.constant 0 : i32
    %c0_i32_1 = arith.constant 0 : i32
    return %c0_i32, %c0_i32_0 : i32, i32
  }
  func.func @transform_3(%arg0: i32) -> (i32, i32) {
    %c0_i32 = arith.constant 0 : i32
    %c0_i32_0 = arith.constant 0 : i32
    %c0_i32_1 = arith.constant 0 : i32
    return %c0_i32, %c0_i32_0 : i32, i32
  }
  func.func @transform_4(%arg0: i32) -> (i32, i32) {
    %c0_i32 = arith.constant 0 : i32
    %c0_i32_0 = arith.constant 0 : i32
    %c0_i32_1 = arith.constant 0 : i32
    return %c0_i32, %c0_i32_0 : i32, i32
  }
  func.func @transform_5(%arg0: i32) -> (i32, i32) {
    %c0_i32 = arith.constant 0 : i32
    %c0_i32_0 = arith.constant 0 : i32
    %c0_i32_1 = arith.constant 0 : i32
    return %c0_i32, %c0_i32_0 : i32, i32
  }
  func.func @transform_6(%arg0: i32) -> (i32, i32) {
    %c0_i32 = arith.constant 0 : i32
    %c0_i32_0 = arith.constant 0 : i32
    return %arg0, %c0_i32 : i32, i32
  }
  func.func @transform_7(%arg0: i32) -> (i32, i32) {
    %c0_i32 = arith.constant 0 : i32
    %c0_i32_0 = arith.constant 0 : i32
    %c0_i32_1 = arith.constant 0 : i32
    return %c0_i32, %c0_i32_0 : i32, i32
  }
  func.func @transform_8(%arg0: i32) -> (i32, i32) {
    %c0_i32 = arith.constant 0 : i32
    %c0_i32_0 = arith.constant 0 : i32
    %c0_i32_1 = arith.constant 0 : i32
    return %c0_i32, %c0_i32_0 : i32, i32
  }
  func.func @transform_9(%arg0: i32) -> (i32, i32) {
    %c0_i32 = arith.constant 0 : i32
    %c0_i32_0 = arith.constant 0 : i32
    return %arg0, %c0_i32 : i32, i32
  }
}

</mosaic_0001>

<sc_bundles>
// kernel: kernel.12.cloned.1.call-start
scs
__scs_entry_jumppad:
0x0: {  	(pc) =	sbr.rel $0x88, $3  }
0x1: {  	(tag) =	ssettag $0x0;
	lr =	simm.s32 $0x1  }
0x2: {  	[smem:$0x3F96] =	sst lr;
	_ =	strace $0xD0000000  }
0x3: {  	_ = 	snop  }
0x4: {  	_ = 	snop  }
0x5: {  	_ = 	snop  }
0x6: {  	_ = 	snop  }
0x7: {  	_ = 	snop  }
__scs_overlays_trampoline_lowered:
0x8: {  	[smem:$0x3FA5] =	sst s0  }
0x9: {  	[smem:$0x3FA6] =	sst s1  }
0xa: {  	[smem:$0x3FA7] =	sst s2  }
0xb: {  	[smem:$0x3FA8] =	sst s3  }
0xc: {  	[smem:$0x3FA9] =	sst s4  }
0xd: {  	[smem:$0x3FAA] =	sst s5  }
0xe: {  	[smem:$0x3FAB] =	sst s6  }
0xf: {  	[smem:$0x3FAC] =	sst s7  }
0x10: {  	[smem:$0x3FAD] =	sst s8  }
0x11: {  	[smem:$0x3FAE] =	sst s9;
	s0 =	simm.s32 @!p0 $0x0  }
0x12: {  	s1 =	sld [smem:$0x3F94];
	s0 =	simm.s32 @p0 $0x1  }
0x13: {  	[smem:$0x3FAF] =	sst s0;
	s0 =	simm.s32 @!p1 $0x0  }
0x14: {  	s2 =	sld [smem:$0x3F93];
	s0 =	simm.s32 @p1 $0x1  }
0x15: {  	[smem:$0x3FB0] =	sst s0;
	s0 =	simm.s32 @!p2 $0x0  }
0x16: {  	s3 =	sld [smem:$0x3FDB];
	s0 =	simm.s32 @p2 $0x1  }
0x17: {  	s4 =	simm.s32 $0x1BF5;
	[smem:$0x3FB2] =	sst s0  }
0x18: {  	s0 =	sld [smem:$0x3F95];
	_ =	swait.ge [sflag:s4], $0x0  }
0x19: {  	s7 =	sld [smem:$0x3F96]  }
0x1a: {  	s8 =	sadd.s32 $0xFFFFE003, lr  }
0x1b: {  	s9 =	sadd.s32 $0xFFFFFEF7, lr;
	s5 =	simm.s32 $0xFFFFFFFF;
	p2 =	slt.u32 s8, $0xFFFFF086  }
0x1c: {  	p1 =	slt.u32 s9, $0xF7A;
	s5 =	simm.s32 @!p2 $0x0  }
0x1d: {  	s5 =	simm.s32 @p1 $0x1;
	p0 =	seq.s32 s7, s2  }
0x1e: {  	s7 =	smul.u32 @!p0 $0xF7A, s2;
	p2 =	seq.s32 @!p0 s5, $0x0  }
0x1f: {  	s9 =	smul.u32 $0xF7A, s1;
	s8 =	simm.s32 @!p0 $0x1BF5;
	p2 =	por !p2, p0  }
0x20: {  	[sflag:s8] =	ssyncset.s32 @!p0 $0xFFFFF086;
	s6 =	sadd.s32 @!p0 s3, s7;
	s7 =	simm.s32 @!p0 $0x108  }
0x21: {  	s3 =	sadd.s32 s3, s9;
	s6 =	sadd.s32 @!p0 $0x88, s6;
	s7 =	simm.s32 @p2 $0x1082  }
0x22: {  	[simem:s7], [sflag:s8] =	dma.local @!p0 [hbm:s6], $0xF7A  }
0x23: {  	s9 =	sor.u32 $0xD0000000, s2;
	s6 =	simm.s32 $0x108;
	_ =	swait.ge @!p0 [sflag:s8], $0x0  }
0x24: {  	s3 =	sadd.s32 $0x88, s3;
	s6 =	simm.s32 @!p1 $0x1082;
	[sflag:s4] =	ssyncset.s32 $0xFFFFF086  }
0x25: {  	[simem:s6], [sflag:s4] =	dma.local [hbm:s3], $0xF7A  }
0x26: {  	[smem:$0x3F96] =	sst s1;
	(tag) =	ssettag s2;
	_ =	strace s9  }
0x27: {  	s1 =	sld [smem:$0x3FA6]  }
0x28: {  	s2 =	sld [smem:$0x3FA7]  }
0x29: {  	s4 =	sld [smem:$0x3FA9]  }
0x2a: {  	p0 =	seq.s32 s5, $0x0;
	s5 =	sld [smem:$0x3FAA]  }
0x2b: {  	s6 =	sld [smem:$0x3FAB]  }
0x2c: {  	s7 =	sld [smem:$0x3FAC]  }
0x2d: {  	s3 =	simm.s32 $0x108;
	s8 =	sld [smem:$0x3FAD]  }
0x2e: {  	s3 =	simm.s32 @!p0 $0x1082;
	s9 =	sld [smem:$0x3FAE]  }
0x2f: {  	lr =	sadd.s32 s0, s3;
	s0 =	sld [smem:$0x3FA5]  }
0x30: {  	s3 =	sld [smem:$0x3FA8]  }
0x31: {  	[smem:$0x3FB1] =	sst s10  }
0x32: {  	s10 =	sld [smem:$0x3FAF];
	_ =	sdelay $0x3  }
0x33: {  	p0 =	seq.s32 s10, $0x1;
	s10 =	sld [smem:$0x3FB1];
	_ =	sdelay $0x3  }
0x34: {  	[smem:$0x3FB1] =	sst s10  }
0x35: {  	s10 =	sld [smem:$0x3FB0];
	_ =	sdelay $0x3  }
0x36: {  	p1 =	seq.s32 s10, $0x1;
	s10 =	sld [smem:$0x3FB1];
	_ =	sdelay $0x3  }
0x37: {  	[smem:$0x3FB1] =	sst s10  }
0x38: {  	s10 =	sld [smem:$0x3FB2]  }
0x39: {  	_ = 	snop;
	(pc) =	sbr.ind lr, $3  }
0x3a: {  	_ = 	snop  }
0x3b: {  	_ = 	snop  }
0x3c: {  	p2 =	seq.s32 s10, $0x1;
	s10 =	sld [smem:$0x3FB1]  }
0x3d: {  	_ =	shalt  }
0x3e: {  	_ =	shalt  }
0x3f: {  	_ =	shalt  }
0x40: {  	_ =	shalt  }
0x41: {  	_ =	shalt  }
0x42: {  	_ =	shalt  }
0x43: {  	_ =	shalt  }
0x44: {  	_ =	shalt  }
0x45: {  	_ =	shalt  }
0x46: {  	_ =	shalt  }
0x47: {  	_ =	shalt  }
0x48: {  	_ =	shalt  }
0x49: {  	_ =	shalt  }
0x4a: {  	_ =	shalt  }
0x4b: {  	_ =	shalt  }
0x4c: {  	_ =	shalt  }
0x4d: {  	_ =	shalt  }
0x4e: {  	_ =	shalt  }
0x4f: {  	_ =	shalt  }
0x50: {  	_ =	shalt  }
0x51: {  	_ =	shalt  }
0x52: {  	_ =	shalt  }
0x53: {  	_ =	shalt  }
0x54: {  	_ =	shalt  }
0x55: {  	_ =	shalt  }
0x56: {  	_ =	shalt  }
0x57: {  	_ =	shalt  }
0x58: {  	_ =	shalt  }
0x59: {  	_ =	shalt  }
0x5a: {  	_ =	shalt  }
0x5b: {  	_ =	shalt  }
0x5c: {  	_ =	shalt  }
0x5d: {  	_ =	shalt  }
0x5e: {  	_ =	shalt  }
0x5f: {  	_ =	shalt  }
0x60: {  	_ =	shalt  }
0x61: {  	_ =	shalt  }
0x62: {  	_ =	shalt  }
0x63: {  	_ =	shalt  }
0x64: {  	_ =	shalt  }
0x65: {  	_ =	shalt  }
0x66: {  	_ =	shalt  }
0x67: {  	_ =	shalt  }
0x68: {  	_ =	shalt  }
0x69: {  	_ =	shalt  }
0x6a: {  	_ =	shalt  }
0x6b: {  	_ =	shalt  }
0x6c: {  	_ =	shalt  }
0x6d: {  	_ =	shalt  }
0x6e: {  	_ =	shalt  }
0x6f: {  	_ =	shalt  }
0x70: {  	_ =	shalt  }
0x71: {  	_ =	shalt  }
0x72: {  	_ =	shalt  }
0x73: {  	_ =	shalt  }
0x74: {  	_ =	shalt  }
0x75: {  	_ =	shalt  }
0x76: {  	_ =	shalt  }
0x77: {  	_ =	shalt  }
0x78: {  	_ =	shalt  }
0x79: {  	_ =	shalt  }
0x7a: {  	_ =	shalt  }
0x7b: {  	_ =	shalt  }
0x7c: {  	_ =	shalt  }
0x7d: {  	_ =	shalt  }
0x7e: {  	_ =	shalt  }
0x7f: {  	_ =	shalt  }
0x80: {  	_ =	shalt  }
0x81: {  	_ =	shalt  }
0x82: {  	_ =	shalt  }
0x83: {  	_ =	shalt  }
0x84: {  	_ =	shalt  }
0x85: {  	_ =	shalt  }
0x86: {  	_ =	shalt  }
0x87: {  	_ =	shalt  }
.Lfunc_end0:
.L_simem_size_0:
called_computation.1_lowered:
.L_overlay_start_0:
0x88: {  	s2 =	sld [smem:$0x3FD9]  }
0x89: {  	s3 =	sld [smem:$0x3FFE];
	_ =	sdelay $0x1  }
0x8a: {  	s1 =	srdreg.scid  }
0x8b: {  	s0 =	sand.u32 $0x1, s1  }
0x8c: {  	s16 =	sshll.u32 s0, $0xA;
	s2 =	sadd.s32 s3, s2  }
0x8d: {  	s2 =	sadd.s32 s2, s16  }
0x8e: {  	[smem:$0x3FBD] =	sst s2  }
0x8f: {  	_ = 	snop  }
0x90: {  	(tm) =	ssettm $0x1  }
0x91: {  	s17 =	sld [smem:$0x3FFB];
	_ =	sdelay $0x3  }
0x92: {  	_ =	strace s17  }
0x93: {  	s2 =	sld [smem:$0x3FFC];
	_ =	sdelay $0x3  }
0x94: {  	_ =	strace s2  }
0x95: {  	s2 =	sld [smem:$0x3FFD];
	_ =	sdelay $0x3  }
0x96: {  	_ =	strace s2  }
0x97: {  	_ =	strace $0x8FFFFFFF  }
0x98: {  	s18 =	sld [smem:$0x3FDB];
	_ =	sdelay $0x1  }
0x99: {  	s19 =	simm.s32 $_scs_section_size  }
0x9a: {  	s4 =	simm.s32 $_size__tile_overlayer_lowered;
	s5 =	simm.s32 $_tile_overlayer_lowered  }
0x9b: {  	s22 =	simm.s32 $0x1BFF;
	s21 =	sshll.u32 s5, $0x1;
	s2 =	sadd.s32 s19, s18  }
0x9c: {  	s6 =	simm.s32 $0x0;
	s20 =	sshll.u32 s4, $0x1;
	s4 =	sadd.s32 s21, s2  }
0x9d: {  	[timem:s6], [sflag:s22] =	dma.local [hbm:s4], s20  }
0x9e: {  	_ =	swait.ge [sflag:s22], s20  }
0x9f: {  	s3 =	ssub.s32 $0x0, s20;
	[sflag:s22] =	ssyncset.done $0x0  }
0xa0: {  	[sflag:s22] =	ssyncadd.s32 s3;
	_ =	sdelay $0x1  }
0xa1: {  	s23 =	simm.s32 $0x1B8B  }
0xa2: {  	_ =	swait.ge [sflag:s23], $0x1  }
0xa3: {  	[sflag:s23] =	ssyncset.done $0x0  }
0xa4: {  	s25 =	simm.s32 $0x1B8E;
	s24 =	sld [smem:$0x3FFE];
	[sflag:s23] =	ssyncadd.s32 $0xFFFFFFFF  }
0xa5: {  	s26 =	simm.s32 $execute0_lowered;
	[smem:$0x3FD2] =	sst s25  }
0xa6: {  	s4 =	sshll.u32 s26, $0x1;
	_ =	strace $0x80000049;
	[dreg:$0x1] =	wrdreg $0xFFFFFFFF  }
0xa7: {  	s28 =	simm.s32 $_size_execute0_lowered;
	s2 =	sadd.s32 s2, s4;
	[dreg:$0x0] =	wrdreg $0x0  }
0xa8: {  	s4 =	sshll.u32 s28, $0x1;
	[dreg:$0x2] =	wrdreg s2  }
0xa9: {  	[dreg:$0x3] =	wrdreg s4  }
0xaa: {  	[dreg:$0x4] =	wrdreg $0xC0  }
0xab: {  	_ =	task [dreg:s6], $0x5FFFF  }
0xac: {  	[dreg:$0x1] =	wrdreg $0xFFFFFFFF  }
0xad: {  	[dreg:$0x0] =	wrdreg $0x60  }
0xae: {  	[dreg:$0x2] =	wrdreg s24  }
0xaf: {  	[dreg:$0x3] =	wrdreg $0x92000  }
0xb0: {  	[dreg:$0x4] =	wrdreg $0x9  }
0xb1: {  	_ =	task.clear_ibuf [dreg:s6], $0x5FFFF;
	_ =	strace $0x90000049  }
0xb2: {  	s29 =	simm.s32 $0x9;
	_ =	strace $0x8000004B  }
0xb3: {  	_ =	swait.ge [sflag:s29], $0x1  }
0xb4: {  	[sflag:s29] =	ssyncadd.s32 $0xFFFFFFFF  }
0xb5: {  	_ =	strace $0x9000004B  }
0xb6: {  	_ =	sfence  }
0xb7: {  	s30 =	sld [smem:$0x0];
	_ =	sdelay $0x2  }
0xb8: {  	s31 =	sshll.u32 s1, $0xD;
	s1 =	sshrl.u32 s1, $0x2  }
0xb9: {  	s3 =	sand.u32 $0x4000, s31;
	s1 =	sadd.s32 s1, s30  }
0xba: {  	s0 =	sor.u32 s3, s0;
	s1 =	sshll.u32 s1, $0x11  }
0xbb: {  	s0 =	sor.u32 s1, s0  }
0xbc: {  	s0 =	sadd.s32 $0x8F2B, s0  }
0xbd: {  	[sflag:s0] =	ssyncadd.remote.s32 $0x1  }
0xbe: {  	_ =	sfence.sel $0xFFFF  }
0xbf: {  	[dreg:$0x0] =	wrdreg $0xFFFFFFFF;
	(pc) =	sbr.abs _section_cstart, $3  }
0xc0: {  	[dreg:$0x1] =	wrdreg $0xFFFFFFFF  }
0xc1: {  	_ =	task.clear_ibuf [dreg:s6], $0x2FFFF;
	_ =	strace $0x9FFFFFFF  }
0xc2: {  	(tm) =	ssettm $0x7FFFFFFF  }
0xc3: {  	_ =	shalt  }
tec
execute0_lowered:
.L_overlay_start_1:
0x0: {  	(tag) =	ssettag $0x1  }
0x1: {  	s0 =	rddreg [dreg:$0x0]  }
0x2: {  	s1 =	rddreg [dreg:$0x1]  }
0x3: {  	s2 =	srdreg.scid;
	s3 =	simm.s32 $0x0;
	s25 =	stileid.u32  }
0x4: {  	s16 =	simm.s32 $0x4000;
	s17 =	simm.s32 $0x5;
	s18 =	simm.s32 $0x1  }
0x5: {  	s19 =	simm.s32 $0x50;
	s20 =	simm.s32 $0x9000;
	s21 =	simm.s32 $0x9080  }
0x6: {  	s22 =	simm.s32 $0x6800;
	s23 =	simm.s32 $0x9100;
	s24 =	simm.s32 $0x3  }
0x7: {  	s28 =	simm.s32 $0x4;
	s29 =	simm.s32 $0x0;
	s5 =	sand.u32 $0x1, s2  }
0x8: {  	[smem:$0x7FF] =	sst s3;
	s7 =	smul.u32 $0x14000, s25;
	s8 =	sshll.u32 s25, $0xB  }
0x9: {  	s4 =	sadd.s32 $0x2200, s0;
	s9 =	smul.u32 $0x50000, s25;
	s25 =	simm.s32 $0x2  }
0xa: {  	s6 =	smul.u32 $0x140000, s5;
	_ =	strace $0x8000004A;
	s26 =	ssub.s32 $0x2, s5  }
0xb: {  	s8 =	sadd.s32 s8, s0;
	s5 =	sshll.u32 s5, $0xF;
	s30 =	sshrl.u32 s26, $0x1  }
0xc: {  	s5 =	sadd.s32 s5, s8;
	s31 =	sshrl.u32 s9, $0x2;
	s6 =	sadd.s32 s7, s6  }
0xd: {  	s10 =	ssub.s32 s26, s30;
	s5 =	sadd.s32 $0x7A200, s5;
	s7 =	sadd.s32 s31, s1  }
0xe: {  	s26 =	simm.s32 $0x9180;
	s6 =	sshrl.u32 s6, $0x3;
	s8 =	smax.u32 s10, $0x1  }
0xf: {  	s9 =	sadd.s32 $0x2800, s7;
	s10 =	sadd.s32 $0x5000, s7;
	s11 =	sadd.s32 $0x7800, s7  }
0x10: {  	s12 =	sadd.s32 $0xA000, s7;
	s13 =	sadd.s32 $0xC800, s7;
	s0 =	sadd.s32 s6, s0  }
0x11: {  	v0 =	vimm.f32 $0.0e+00;
	s14 =	sadd.s32 $0xF000, s7;
	s15 =	sadd.s32 $0x11800, s7;
	s6 =	sadd.s32 $0x8A200, s0  }
.LBB2_1:
0x12: {  	[tilespmem:s3], [sflag:$0x1] =	stream.linear.gather [hbm4b:s5+s3], $0x3E80, $0x38;
	[tilespmem:$0x1D200] =	vst v63  }
0x13: {  	s0 =	sand.u32 $0xFE00, s3  }
0x14: {  	s31 =	sand.u32 $0x70, s3;
	s0 =	sshrl.u32 s0, $0x2  }
0x15: {  	s30 =	simm.s32 $0x40;
	s0 =	sor.u32 s31, s0;
	s31 =	simm.s32 $0x0  }
.LBB2_2:
0x16: {  	p0 =	sne.s32 s30, $0x9FC0  }
0x17: {  	[tilespmem:s0+$0x4000] =	vst v0;
	s31 =	sadd.s32 $0x10, s31;
	s0 =	smov.u32 s30;
	s30 =	sadd.s32 $0x40, s30  }
.Ltmp0:
0x18: {  	(pc) =	sbr.rel @p0 .LBB2_2-.Ltmp0, $4  }
0x19: {  	_ = 	snop  }
0x1a: {  	s0 =	sand.u32 $0xFE00, s0  }
0x1b: {  	s2 =	sand.u32 $0x70, s31;
	s0 =	sshrl.u32 s0, $0x2  }
0x1c: {  	s0 =	sor.u32 s2, s0  }
0x1d: {  	[tilespmem:s0+$0x4000] =	vst v0  }
0x1e: {  	[spmem:s7] =	stream.linear.scatter [tilespmem:s16], [sflag:$0x5], $0x2800, $0x38;
	[tilespmem:$0x1D200] =	vst v63  }
0x1f: {  	_ =	swait.ge [sflag:s17], $0x2800  }
0x20: {  	[sflag:s17] =	ssyncset.done $0x0  }
0x21: {  	[sflag:s17] =	ssyncadd.s32 $0xFFFFD800  }
0x22: {  	[spmem:s9] =	stream.linear.scatter [tilespmem:s16], [sflag:$0x5], $0x2800, $0x38;
	[tilespmem:$0x1D200] =	vst v63  }
0x23: {  	_ =	swait.ge [sflag:s17], $0x2800  }
0x24: {  	[sflag:s17] =	ssyncset.done $0x0  }
0x25: {  	[sflag:s17] =	ssyncadd.s32 $0xFFFFD800  }
0x26: {  	[spmem:s10] =	stream.linear.scatter [tilespmem:s16], [sflag:$0x5], $0x2800, $0x38;
	[tilespmem:$0x1D200] =	vst v63  }
0x27: {  	_ =	swait.ge [sflag:s17], $0x2800  }
0x28: {  	[sflag:s17] =	ssyncset.done $0x0  }
0x29: {  	[sflag:s17] =	ssyncadd.s32 $0xFFFFD800  }
0x2a: {  	[spmem:s11] =	stream.linear.scatter [tilespmem:s16], [sflag:$0x5], $0x2800, $0x38;
	[tilespmem:$0x1D200] =	vst v63  }
0x2b: {  	_ =	swait.ge [sflag:s17], $0x2800  }
0x2c: {  	[sflag:s17] =	ssyncset.done $0x0  }
0x2d: {  	[sflag:s17] =	ssyncadd.s32 $0xFFFFD800  }
0x2e: {  	[spmem:s12] =	stream.linear.scatter [tilespmem:s16], [sflag:$0x5], $0x2800, $0x38;
	[tilespmem:$0x1D200] =	vst v63  }
0x2f: {  	_ =	swait.ge [sflag:s17], $0x2800  }
0x30: {  	[sflag:s17] =	ssyncset.done $0x0  }
0x31: {  	[sflag:s17] =	ssyncadd.s32 $0xFFFFD800  }
0x32: {  	[spmem:s13] =	stream.linear.scatter [tilespmem:s16], [sflag:$0x5], $0x2800, $0x38;
	[tilespmem:$0x1D200] =	vst v63  }
0x33: {  	_ =	swait.ge [sflag:s17], $0x2800  }
0x34: {  	[sflag:s17] =	ssyncset.done $0x0  }
0x35: {  	[sflag:s17] =	ssyncadd.s32 $0xFFFFD800  }
0x36: {  	[spmem:s14] =	stream.linear.scatter [tilespmem:s16], [sflag:$0x5], $0x2800, $0x38;
	[tilespmem:$0x1D200] =	vst v63  }
0x37: {  	_ =	swait.ge [sflag:s17], $0x2800  }
0x38: {  	[sflag:s17] =	ssyncset.done $0x0  }
0x39: {  	[sflag:s17] =	ssyncadd.s32 $0xFFFFD800  }
0x3a: {  	[spmem:s15] =	stream.linear.scatter [tilespmem:s16], [sflag:$0x5], $0x2800, $0x38;
	[tilespmem:$0x1D200] =	vst v63  }
0x3b: {  	_ =	swait.ge [sflag:s17], $0x2800  }
0x3c: {  	[sflag:s17] =	ssyncset.done $0x0  }
0x3d: {  	[sflag:s17] =	ssyncadd.s32 $0xFFFFD800  }
0x3e: {  	_ =	swait.ge [sflag:s18], $0x3E80  }
0x3f: {  	[sflag:s18] =	ssyncset.done $0x0  }
0x40: {  	[sflag:s18] =	ssyncadd.s32 $0xFFFFC180  }
0x41: {  	v1 =	vld [tilespmem:$0x0];
	_ =	sdelay $0x1  }
0x42: {  	v2 =	vld [tilespmem:$0x10];
	_ =	sdelay $0x1  }
0x43: {  	v3 =	vld [tilespmem:$0x20]  }
0x44: {  	v4 =	vand.u32 $0xFFFF, v1  }
0x45: {  	v59 =	vld [tilespmem:$0x30];
	v1 =	vshrl.u32 v1, $0x10;
	[tilespmem:$0x9000] =	vst v4  }
0x46: {  	[tilespmem:$0x9100] =	vst v1;
	v1 =	vand.u32 $0xFFFF, v2  }
0x47: {  	[tilespmem:$0x9010] =	vst v1;
	v1 =	vshrl.u32 v2, $0x10;
	v2 =	vld [tilespmem:$0x40]  }
0x48: {  	[tilespmem:$0x9110] =	vst v1;
	v1 =	vand.u32 $0xFFFF, v3  }
0x49: {  	[tilespmem:$0x9020] =	vst v1;
	v1 =	vshrl.u32 v3, $0x10  }
0x4a: {  	[tilespmem:$0x9120] =	vst v1;
	v1 =	vand.u32 $0xFFFF, v59  }
0x4b: {  	[tilespmem:$0x9030] =	vst v1;
	v1 =	vshrl.u32 v59, $0x10  }
0x4c: {  	[tilespmem:$0x9130] =	vst v1;
	v1 =	vand.u32 $0xFFFF, v2  }
0x4d: {  	[tilespmem:$0x9040] =	vst v1;
	v1 =	vshrl.u32 v2, $0x10  }
0x4e: {  	[tilespmem:$0x9140] =	vst v1  }
0x4f: {  	[tilespmem:s16], [sflag:$0x1] =	stream.indirect.gather [hbm4b:s4+s19], $0x80, s20, s19, $0xb8;
	[tilespmem:$0x1D200] =	vst v63  }
0x50: {  	[bflag:$0x0] =	sbarrier.arrive $0xFFFF  }
0x51: {  	v1 =	vld [tilespmem:$0x80];
	_ =	sdelay $0x1  }
0x52: {  	v2 =	vld [tilespmem:$0x90];
	_ =	sdelay $0x1  }
0x53: {  	v3 =	vld [tilespmem:$0xA0]  }
0x54: {  	v60 =	vand.u32 $0xFFFF, v1  }
0x55: {  	v61 =	vld [tilespmem:$0xB0];
	v1 =	vshrl.u32 v1, $0x10;
	[tilespmem:$0x9080] =	vst v60  }
0x56: {  	[tilespmem:$0x9180] =	vst v1;
	v1 =	vand.u32 $0xFFFF, v2  }
0x57: {  	[tilespmem:$0x9090] =	vst v1;
	v1 =	vshrl.u32 v2, $0x10;
	v2 =	vld [tilespmem:$0xC0]  }
0x58: {  	[tilespmem:$0x9190] =	vst v1;
	v1 =	vand.u32 $0xFFFF, v3  }
0x59: {  	[tilespmem:$0x90A0] =	vst v1;
	v1 =	vshrl.u32 v3, $0x10  }
0x5a: {  	[tilespmem:$0x91A0] =	vst v1;
	v1 =	vand.u32 $0xFFFF, v61  }
0x5b: {  	[tilespmem:$0x90B0] =	vst v1;
	v1 =	vshrl.u32 v61, $0x10  }
0x5c: {  	[tilespmem:$0x91B0] =	vst v1;
	v1 =	vand.u32 $0xFFFF, v2  }
0x5d: {  	[tilespmem:$0x90C0] =	vst v1;
	v1 =	vshrl.u32 v2, $0x10  }
0x5e: {  	[tilespmem:$0x91C0] =	vst v1  }
0x5f: {  	[tilespmem:s22], [sflag:$0x2] =	stream.indirect.gather [hbm4b:s4+s19], $0x80, s21, s19, $0xb8;
	[tilespmem:$0x1D200] =	vst v63  }
0x60: {  	_ =	swait.ge [sflag:s18], $0x2800  }
0x61: {  	[sflag:s18] =	ssyncset.done $0x0  }
0x62: {  	[sflag:s18] =	ssyncadd.s32 $0xFFFFD800  }
0x63: {  	[spmem:s1] =	stream.indirect.scatter.add.f32 [tilespmem:s16], [sflag:$0x3], $0x80, s23, s19, $0xb8;
	[tilespmem:$0x1D200] =	vst v63  }
0x64: {  	_ =	swait.ge [sflag:s24], $0x2800  }
0x65: {  	[sflag:s24] =	ssyncset.done $0x0  }
0x66: {  	[sflag:s24] =	ssyncadd.s32 $0xFFFFD800  }
0x67: {  	v1 =	vld [tilespmem:$0x100];
	_ =	sdelay $0x1  }
0x68: {  	v2 =	vld [tilespmem:$0x110];
	_ =	sdelay $0x1  }
0x69: {  	v3 =	vld [tilespmem:$0x120]  }
0x6a: {  	v62 =	vand.u32 $0xFFFF, v1  }
0x6b: {  	v63 =	vld [tilespmem:$0x130];
	v1 =	vshrl.u32 v1, $0x10;
	[tilespmem:$0x9000] =	vst v62  }
0x6c: {  	[tilespmem:$0x9100] =	vst v1;
	v1 =	vand.u32 $0xFFFF, v2  }
0x6d: {  	[tilespmem:$0x9010] =	vst v1;
	v1 =	vshrl.u32 v2, $0x10;
	v2 =	vld [tilespmem:$0x140]  }
0x6e: {  	[tilespmem:$0x9110] =	vst v1;
	v1 =	vand.u32 $0xFFFF, v3  }
0x6f: {  	[tilespmem:$0x9020] =	vst v1;
	v1 =	vshrl.u32 v3, $0x10  }
0x70: {  	[tilespmem:$0x9120] =	vst v1;
	v1 =	vand.u32 $0xFFFF, v63  }
0x71: {  	[tilespmem:$0x9030] =	vst v1;
	v1 =	vshrl.u32 v63, $0x10  }
0x72: {  	[tilespmem:$0x9130] =	vst v1;
	v1 =	vand.u32 $0xFFFF, v2  }
0x73: {  	[tilespmem:$0x9040] =	vst v1;
	v1 =	vshrl.u32 v2, $0x10  }
0x74: {  	[tilespmem:$0x9140] =	vst v1  }
0x75: {  	[tilespmem:s16], [sflag:$0x1] =	stream.indirect.gather [hbm4b:s4+s19], $0x80, s20, s19, $0xb8;
	[tilespmem:$0x1D200] =	vst v63  }
0x76: {  	_ =	swait.ge [sflag:s25], $0x2800  }
0x77: {  	[sflag:s25] =	ssyncset.done $0x0  }
0x78: {  	[sflag:s25] =	ssyncadd.s32 $0xFFFFD800  }
0x79: {  	[spmem:s1] =	stream.indirect.scatter.add.f32 [tilespmem:s22], [sflag:$0x4], $0x80, s26, s19, $0xb8;
	[tilespmem:$0x1D200] =	vst v63  }
0x7a: {  	_ =	swait.ge [sflag:s28], $0x2800  }
0x7b: {  	[sflag:s28] =	ssyncset.done $0x0  }
0x7c: {  	s31 =	simm.s32 $0x240;
	[sflag:s28] =	ssyncadd.s32 $0xFFFFD800  }
0x7d: {  	v1 =	vld [tilespmem:s31+$0xFFFFFF40];
	_ =	sdelay $0x4  }
0x7e: {  	v2 =	vand.u32 $0xFFFF, v1  }
0x7f: {  	v1 =	vshrl.u32 v1, $0x10;
	[tilespmem:$0x9080] =	vst v2  }
0x80: {  	[tilespmem:$0x9180] =	vst v1  }
0x81: {  	v1 =	vld [tilespmem:s31+$0xFFFFFF50];
	_ =	sdelay $0x4  }
0x82: {  	v2 =	vand.u32 $0xFFFF, v1  }
0x83: {  	v1 =	vshrl.u32 v1, $0x10;
	[tilespmem:$0x9090] =	vst v2  }
0x84: {  	[tilespmem:$0x9190] =	vst v1  }
0x85: {  	v1 =	vld [tilespmem:s31+$0xFFFFFF60];
	_ =	sdelay $0x4  }
0x86: {  	v2 =	vand.u32 $0xFFFF, v1  }
0x87: {  	v1 =	vshrl.u32 v1, $0x10;
	[tilespmem:$0x90A0] =	vst v2  }
0x88: {  	[tilespmem:$0x91A0] =	vst v1  }
0x89: {  	v1 =	vld [tilespmem:s31+$0xFFFFFF70];
	_ =	sdelay $0x4  }
0x8a: {  	v2 =	vand.u32 $0xFFFF, v1  }
0x8b: {  	v1 =	vshrl.u32 v1, $0x10;
	[tilespmem:$0x90B0] =	vst v2  }
0x8c: {  	[tilespmem:$0x91B0] =	vst v1  }
0x8d: {  	v1 =	vld [tilespmem:s31+$0xFFFFFF80];
	_ =	sdelay $0x4  }
0x8e: {  	v2 =	vand.u32 $0xFFFF, v1  }
0x8f: {  	v1 =	vshrl.u32 v1, $0x10;
	[tilespmem:$0x90C0] =	vst v2  }
0x90: {  	[tilespmem:$0x91C0] =	vst v1  }
0x91: {  	[tilespmem:s22], [sflag:$0x2] =	stream.indirect.gather [hbm4b:s4+s19], $0x80, s21, s19, $0xb8;
	[tilespmem:$0x1D200] =	vst v63  }
0x92: {  	_ =	swait.ge [sflag:s18], $0x2800  }
0x93: {  	[sflag:s18] =	ssyncset.done $0x0  }
0x94: {  	[sflag:s18] =	ssyncadd.s32 $0xFFFFD800  }
0x95: {  	[spmem:s1] =	stream.indirect.scatter.add.f32 [tilespmem:s16], [sflag:$0x3], $0x80, s23, s19, $0xb8;
	[tilespmem:$0x1D200] =	vst v63  }
0x96: {  	_ =	swait.ge [sflag:s24], $0x2800  }
0x97: {  	[sflag:s24] =	ssyncset.done $0x0  }
0x98: {  	[sflag:s24] =	ssyncadd.s32 $0xFFFFD800  }
0x99: {  	v1 =	vld [tilespmem:s31+$0xFFFFFFC0];
	_ =	sdelay $0x4  }
0x9a: {  	v2 =	vand.u32 $0xFFFF, v1  }
0x9b: {  	v1 =	vshrl.u32 v1, $0x10;
	[tilespmem:$0x9000] =	vst v2  }
0x9c: {  	[tilespmem:$0x9100] =	vst v1  }
0x9d: {  	v1 =	vld [tilespmem:s31+$0xFFFFFFD0];
	_ =	sdelay $0x4  }
0x9e: {  	v2 =	vand.u32 $0xFFFF, v1  }
0x9f: {  	v1 =	vshrl.u32 v1, $0x10;
	[tilespmem:$0x9010] =	vst v2  }
0xa0: {  	[tilespmem:$0x9110] =	vst v1  }
0xa1: {  	v1 =	vld [tilespmem:s31+$0xFFFFFFE0];
	_ =	sdelay $0x4  }
0xa2: {  	v2 =	vand.u32 $0xFFFF, v1  }
0xa3: {  	v1 =	vshrl.u32 v1, $0x10;
	[tilespmem:$0x9020] =	vst v2  }
0xa4: {  	[tilespmem:$0x9120] =	vst v1  }
0xa5: {  	v1 =	vld [tilespmem:s31+$0xFFFFFFF0];
	_ =	sdelay $0x4  }
0xa6: {  	v2 =	vand.u32 $0xFFFF, v1  }
0xa7: {  	v1 =	vshrl.u32 v1, $0x10;
	[tilespmem:$0x9030] =	vst v2  }
0xa8: {  	[tilespmem:$0x9130] =	vst v1  }
0xa9: {  	s30 =	simm.s32 $0xD00;
	v1 =	vld [tilespmem:s31+$0x0]  }
.LBB2_4:
0xaa: {  	_ = 	snop  }
0xab: {  	p0 =	sne.s32 s30, $0xF900;
	s0 =	smov.u32 s30;
	s30 =	sadd.s32 $0x400, s30  }
0xac: {  	_ =	sdelay $0x1  }
0xad: {  	v2 =	vand.u32 $0xFFFF, v1;
	v1 =	vshrl.u32 v1, $0x10  }
0xae: {  	[tilespmem:$0x9040] =	vst v2  }
0xaf: {  	[tilespmem:$0x9140] =	vst v1  }
0xb0: {  	[tilespmem:s16], [sflag:$0x1] =	stream.indirect.gather [hbm4b:s4+s19], $0x80, s20, s19, $0xb8;
	[tilespmem:$0x1D200] =	vst v63  }
0xb1: {  	_ =	swait.ge [sflag:s25], $0x2800  }
0xb2: {  	[sflag:s25] =	ssyncset.done $0x0  }
0xb3: {  	[sflag:s25] =	ssyncadd.s32 $0xFFFFD800  }
0xb4: {  	[spmem:s1] =	stream.indirect.scatter.add.f32 [tilespmem:s22], [sflag:$0x4], $0x80, s26, s19, $0xb8;
	[tilespmem:$0x1D200] =	vst v63  }
0xb5: {  	_ =	swait.ge [sflag:s28], $0x2800  }
0xb6: {  	[sflag:s28] =	ssyncset.done $0x0  }
0xb7: {  	s31 =	sshra.s32 s0, $0x2;
	[sflag:s28] =	ssyncadd.s32 $0xFFFFD800  }
0xb8: {  	v1 =	vld [tilespmem:s31+$0xFFFFFF40];
	_ =	sdelay $0x4  }
0xb9: {  	v2 =	vand.u32 $0xFFFF, v1;
	v1 =	vshrl.u32 v1, $0x10  }
0xba: {  	[tilespmem:$0x9080] =	vst v2  }
0xbb: {  	[tilespmem:$0x9180] =	vst v1  }
0xbc: {  	v1 =	vld [tilespmem:s31+$0xFFFFFF50];
	_ =	sdelay $0x4  }
0xbd: {  	v2 =	vand.u32 $0xFFFF, v1;
	v1 =	vshrl.u32 v1, $0x10  }
0xbe: {  	[tilespmem:$0x9090] =	vst v2  }
0xbf: {  	[tilespmem:$0x9190] =	vst v1  }
0xc0: {  	v1 =	vld [tilespmem:s31+$0xFFFFFF60];
	_ =	sdelay $0x4  }
0xc1: {  	v2 =	vand.u32 $0xFFFF, v1;
	v1 =	vshrl.u32 v1, $0x10  }
0xc2: {  	[tilespmem:$0x90A0] =	vst v2  }
0xc3: {  	[tilespmem:$0x91A0] =	vst v1  }
0xc4: {  	v1 =	vld [tilespmem:s31+$0xFFFFFF70];
	_ =	sdelay $0x4  }
0xc5: {  	v2 =	vand.u32 $0xFFFF, v1;
	v1 =	vshrl.u32 v1, $0x10  }
0xc6: {  	[tilespmem:$0x90B0] =	vst v2  }
0xc7: {  	[tilespmem:$0x91B0] =	vst v1  }
0xc8: {  	v1 =	vld [tilespmem:s31+$0xFFFFFF80];
	_ =	sdelay $0x4  }
0xc9: {  	v2 =	vand.u32 $0xFFFF, v1;
	v1 =	vshrl.u32 v1, $0x10  }
0xca: {  	[tilespmem:$0x90C0] =	vst v2  }
0xcb: {  	[tilespmem:$0x91C0] =	vst v1  }
0xcc: {  	[tilespmem:s22], [sflag:$0x2] =	stream.indirect.gather [hbm4b:s4+s19], $0x80, s21, s19, $0xb8;
	[tilespmem:$0x1D200] =	vst v63  }
0xcd: {  	_ =	swait.ge [sflag:s18], $0x2800  }
0xce: {  	[sflag:s18] =	ssyncset.done $0x0  }
0xcf: {  	[sflag:s18] =	ssyncadd.s32 $0xFFFFD800  }
0xd0: {  	[spmem:s1] =	stream.indirect.scatter.add.f32 [tilespmem:s16], [sflag:$0x3], $0x80, s23, s19, $0xb8;
	[tilespmem:$0x1D200] =	vst v63  }
0xd1: {  	_ =	swait.ge [sflag:s24], $0x2800  }
0xd2: {  	[sflag:s24] =	ssyncset.done $0x0  }
0xd3: {  	[sflag:s24] =	ssyncadd.s32 $0xFFFFD800  }
0xd4: {  	v1 =	vld [tilespmem:s31+$0xFFFFFFC0];
	_ =	sdelay $0x4  }
0xd5: {  	v2 =	vand.u32 $0xFFFF, v1;
	v1 =	vshrl.u32 v1, $0x10  }
0xd6: {  	[tilespmem:$0x9000] =	vst v2  }
0xd7: {  	[tilespmem:$0x9100] =	vst v1  }
0xd8: {  	v1 =	vld [tilespmem:s31+$0xFFFFFFD0];
	_ =	sdelay $0x4  }
0xd9: {  	v2 =	vand.u32 $0xFFFF, v1;
	v1 =	vshrl.u32 v1, $0x10  }
0xda: {  	[tilespmem:$0x9010] =	vst v2  }
0xdb: {  	[tilespmem:$0x9110] =	vst v1  }
0xdc: {  	v1 =	vld [tilespmem:s31+$0xFFFFFFE0];
	_ =	sdelay $0x4  }
0xdd: {  	v2 =	vand.u32 $0xFFFF, v1;
	v1 =	vshrl.u32 v1, $0x10  }
0xde: {  	[tilespmem:$0x9020] =	vst v2  }
0xdf: {  	[tilespmem:$0x9120] =	vst v1  }
0xe0: {  	v1 =	vld [tilespmem:s31+$0xFFFFFFF0];
	_ =	sdelay $0x3  }
.Ltmp1:
0xe1: {  	(pc) =	sbr.rel @p0 .LBB2_4-.Ltmp1, $4  }
0xe2: {  	v2 =	vand.u32 $0xFFFF, v1;
	v1 =	vshrl.u32 v1, $0x10  }
0xe3: {  	[tilespmem:$0x9030] =	vst v2  }
0xe4: {  	[tilespmem:$0x9130] =	vst v1  }
0xe5: {  	v1 =	vld [tilespmem:s31+$0x0]  }
0xe6: {  	_ =	sdelay $0x3  }
0xe7: {  	v2 =	vand.u32 $0xFFFF, v1  }
0xe8: {  	v1 =	vshrl.u32 v1, $0x10;
	[tilespmem:$0x9040] =	vst v2  }
0xe9: {  	[tilespmem:$0x9140] =	vst v1  }
0xea: {  	[tilespmem:s16], [sflag:$0x1] =	stream.indirect.gather [hbm4b:s4+s19], $0x80, s20, s19, $0xb8;
	[tilespmem:$0x1D200] =	vst v63  }
0xeb: {  	_ =	swait.ge [sflag:s25], $0x2800  }
0xec: {  	[sflag:s25] =	ssyncset.done $0x0  }
0xed: {  	[sflag:s25] =	ssyncadd.s32 $0xFFFFD800  }
0xee: {  	[spmem:s1] =	stream.indirect.scatter.add.f32 [tilespmem:s22], [sflag:$0x4], $0x80, s26, s19, $0xb8;
	[tilespmem:$0x1D200] =	vst v63  }
0xef: {  	_ =	swait.ge [sflag:s18], $0x2800  }
0xf0: {  	[sflag:s18] =	ssyncset.done $0x0  }
0xf1: {  	[sflag:s18] =	ssyncadd.s32 $0xFFFFD800  }
0xf2: {  	[spmem:s1] =	stream.indirect.scatter.add.f32 [tilespmem:s16], [sflag:$0x3], $0x80, s23, s19, $0xb8;
	[tilespmem:$0x1D200] =	vst v63  }
0xf3: {  	_ =	swait.ge [sflag:s28], $0x2800  }
0xf4: {  	[sflag:s28] =	ssyncset.done $0x0  }
0xf5: {  	[sflag:s28] =	ssyncadd.s32 $0xFFFFD800  }
0xf6: {  	s0 =	stileid.u32;
	_ =	swait.ge [sflag:s24], $0x2800  }
0xf7: {  	s2 =	sshrl.u32 s7, $0x3;
	s29 =	sadd.s32 $0x1, s29;
	[sflag:s24] =	ssyncset.done $0x0  }
0xf8: {  	s0 =	sshll.u32 s0, $0x6;
	p0 =	sne.s32 s29, s8;
	[sflag:s24] =	ssyncadd.s32 $0xFFFFD800  }
.Ltmp2:
0xf9: {  	s0 =	sor.u32 $0x1C05, s0;
	[bflag:$0x0] =	sbarrier.arrive $0xFFFF;
	(pc) =	sbr.rel @p0 .LBB2_1-.Ltmp2, $4  }
0xfa: {  	[hbm:s6], [sflag:s0] =	dma.local [spmem:s2], $0x2800  }
0xfb: {  	_ =	swait.ge [sflag:s17], $0x2800  }
0xfc: {  	[sflag:s17] =	ssyncset.done $0x0  }
0xfd: {  	[sflag:s17] =	ssyncadd.s32 $0xFFFFD800  }
0xfe: {  	_ =	sfence.sel $0x180000  }
0xff: {  	[bflag:$0x0] =	sbarrier.arrive $0xFFFF  }
0x100: {  	_ =	strace $0x9000004A  }
0x101: {  	s0 =	stileid.u32;
	[bflag:$0x2] =	sbarrier.arrive $0xFFFF  }
0x102: {  	p0 =	sne.s32 s0, $0x0;
	s0 =	rddreg [dreg:$0x2]  }
0x103: {  	s0 =	sadd.s32 @!p0 $0x100000, s0  }
0x104: {  	[sflag:s0] =	ssyncadd.tile.s32 @!p0 $0x1;
	_ =	shalt  }
.Lfunc_end2:
_tile_overlayer_lowered:
.L_overlay_start_2:
0x105: {  	(tag) =	ssettag $0x2  }
0x106: {  	s0 =	rddreg [dreg:$0x0];
	s2 =	stileid.u32  }
0x107: {  	s1 =	rddreg [dreg:$0x1];
	p0 =	sne.s32 s2, $0x0  }
0x108: {  	s3 =	rddreg [dreg:$0x2];
	[bflag:$0x3] =	sbarrier.arrive $0xFFFF;
	s2 =	simm.s32 @!p0 $0x1C05  }
0x109: {  	[timem:s3], [sflag:s2] =	dma.local @!p0 [hbm:s0], s1  }
0x10a: {  	s0 =	simm.s32 @!p0 $0x5  }
0x10b: {  	_ =	swait.ge @!p0 [sflag:s0], s1  }
0x10c: {  	s1 =	ssub.s32 @!p0 $0x0, s1;
	[sflag:s0] =	ssyncset.done @!p0 $0x0  }
0x10d: {  	[sflag:s0] =	ssyncadd.s32 @!p0 s1  }
0x10e: {  	[bflag:$0x3] =	sbarrier.arrive $0xFFFF  }
0x10f: {  	_ =	shalt  }

// kernel: kernel.15.cloned.1.call-start
scs
__scs_entry_jumppad:
0x0: {  	(pc) =	sbr.rel $0x88, $3  }
0x1: {  	(tag) =	ssettag $0x0;
	lr =	simm.s32 $0x1  }
0x2: {  	[smem:$0x3F96] =	sst lr;
	_ =	strace $0xD0000000  }
0x3: {  	_ = 	snop  }
0x4: {  	_ = 	snop  }
0x5: {  	_ = 	snop  }
0x6: {  	_ = 	snop  }
0x7: {  	_ = 	snop  }
__scs_overlays_trampoline_lowered:
0x8: {  	[smem:$0x3FA5] =	sst s0  }
0x9: {  	[smem:$0x3FA6] =	sst s1  }
0xa: {  	[smem:$0x3FA7] =	sst s2  }
0xb: {  	[smem:$0x3FA8] =	sst s3  }
0xc: {  	[smem:$0x3FA9] =	sst s4  }
0xd: {  	[smem:$0x3FAA] =	sst s5  }
0xe: {  	[smem:$0x3FAB] =	sst s6  }
0xf: {  	[smem:$0x3FAC] =	sst s7  }
0x10: {  	[smem:$0x3FAD] =	sst s8  }
0x11: {  	[smem:$0x3FAE] =	sst s9;
	s0 =	simm.s32 @!p0 $0x0  }
0x12: {  	s1 =	sld [smem:$0x3F94];
	s0 =	simm.s32 @p0 $0x1  }
0x13: {  	[smem:$0x3FAF] =	sst s0;
	s0 =	simm.s32 @!p1 $0x0  }
0x14: {  	s2 =	sld [smem:$0x3F93];
	s0 =	simm.s32 @p1 $0x1  }
0x15: {  	[smem:$0x3FB0] =	sst s0;
	s0 =	simm.s32 @!p2 $0x0  }
0x16: {  	s3 =	sld [smem:$0x3FDB];
	s0 =	simm.s32 @p2 $0x1  }
0x17: {  	s4 =	simm.s32 $0x1BF5;
	[smem:$0x3FB2] =	sst s0  }
0x18: {  	s0 =	sld [smem:$0x3F95];
	_ =	swait.ge [sflag:s4], $0x0  }
0x19: {  	s7 =	sld [smem:$0x3F96]  }
0x1a: {  	s8 =	sadd.s32 $0xFFFFE003, lr  }
0x1b: {  	s9 =	sadd.s32 $0xFFFFFEF7, lr;
	s5 =	simm.s32 $0xFFFFFFFF;
	p2 =	slt.u32 s8, $0xFFFFF086  }
0x1c: {  	p1 =	slt.u32 s9, $0xF7A;
	s5 =	simm.s32 @!p2 $0x0  }
0x1d: {  	s5 =	simm.s32 @p1 $0x1;
	p0 =	seq.s32 s7, s2  }
0x1e: {  	s7 =	smul.u32 @!p0 $0xF7A, s2;
	p2 =	seq.s32 @!p0 s5, $0x0  }
0x1f: {  	s9 =	smul.u32 $0xF7A, s1;
	s8 =	simm.s32 @!p0 $0x1BF5;
	p2 =	por !p2, p0  }
0x20: {  	[sflag:s8] =	ssyncset.s32 @!p0 $0xFFFFF086;
	s6 =	sadd.s32 @!p0 s3, s7;
	s7 =	simm.s32 @!p0 $0x108  }
0x21: {  	s3 =	sadd.s32 s3, s9;
	s6 =	sadd.s32 @!p0 $0x88, s6;
	s7 =	simm.s32 @p2 $0x1082  }
0x22: {  	[simem:s7], [sflag:s8] =	dma.local @!p0 [hbm:s6], $0xF7A  }
0x23: {  	s9 =	sor.u32 $0xD0000000, s2;
	s6 =	simm.s32 $0x108;
	_ =	swait.ge @!p0 [sflag:s8], $0x0  }
0x24: {  	s3 =	sadd.s32 $0x88, s3;
	s6 =	simm.s32 @!p1 $0x1082;
	[sflag:s4] =	ssyncset.s32 $0xFFFFF086  }
0x25: {  	[simem:s6], [sflag:s4] =	dma.local [hbm:s3], $0xF7A  }
0x26: {  	[smem:$0x3F96] =	sst s1;
	(tag) =	ssettag s2;
	_ =	strace s9  }
0x27: {  	s1 =	sld [smem:$0x3FA6]  }
0x28: {  	s2 =	sld [smem:$0x3FA7]  }
0x29: {  	s4 =	sld [smem:$0x3FA9]  }
0x2a: {  	p0 =	seq.s32 s5, $0x0;
	s5 =	sld [smem:$0x3FAA]  }
0x2b: {  	s6 =	sld [smem:$0x3FAB]  }
0x2c: {  	s7 =	sld [smem:$0x3FAC]  }
0x2d: {  	s3 =	simm.s32 $0x108;
	s8 =	sld [smem:$0x3FAD]  }
0x2e: {  	s3 =	simm.s32 @!p0 $0x1082;
	s9 =	sld [smem:$0x3FAE]  }
0x2f: {  	lr =	sadd.s32 s0, s3;
	s0 =	sld [smem:$0x3FA5]  }
0x30: {  	s3 =	sld [smem:$0x3FA8]  }
0x31: {  	[smem:$0x3FB1] =	sst s10  }
0x32: {  	s10 =	sld [smem:$0x3FAF];
	_ =	sdelay $0x3  }
0x33: {  	p0 =	seq.s32 s10, $0x1;
	s10 =	sld [smem:$0x3FB1];
	_ =	sdelay $0x3  }
0x34: {  	[smem:$0x3FB1] =	sst s10  }
0x35: {  	s10 =	sld [smem:$0x3FB0];
	_ =	sdelay $0x3  }
0x36: {  	p1 =	seq.s32 s10, $0x1;
	s10 =	sld [smem:$0x3FB1];
	_ =	sdelay $0x3  }
0x37: {  	[smem:$0x3FB1] =	sst s10  }
0x38: {  	s10 =	sld [smem:$0x3FB2]  }
0x39: {  	_ = 	snop;
	(pc) =	sbr.ind lr, $3  }
0x3a: {  	_ = 	snop  }
0x3b: {  	_ = 	snop  }
0x3c: {  	p2 =	seq.s32 s10, $0x1;
	s10 =	sld [smem:$0x3FB1]  }
0x3d: {  	_ =	shalt  }
0x3e: {  	_ =	shalt  }
0x3f: {  	_ =	shalt  }
0x40: {  	_ =	shalt  }
0x41: {  	_ =	shalt  }
0x42: {  	_ =	shalt  }
0x43: {  	_ =	shalt  }
0x44: {  	_ =	shalt  }
0x45: {  	_ =	shalt  }
0x46: {  	_ =	shalt  }
0x47: {  	_ =	shalt  }
0x48: {  	_ =	shalt  }
0x49: {  	_ =	shalt  }
0x4a: {  	_ =	shalt  }
0x4b: {  	_ =	shalt  }
0x4c: {  	_ =	shalt  }
0x4d: {  	_ =	shalt  }
0x4e: {  	_ =	shalt  }
0x4f: {  	_ =	shalt  }
0x50: {  	_ =	shalt  }
0x51: {  	_ =	shalt  }
0x52: {  	_ =	shalt  }
0x53: {  	_ =	shalt  }
0x54: {  	_ =	shalt  }
0x55: {  	_ =	shalt  }
0x56: {  	_ =	shalt  }
0x57: {  	_ =	shalt  }
0x58: {  	_ =	shalt  }
0x59: {  	_ =	shalt  }
0x5a: {  	_ =	shalt  }
0x5b: {  	_ =	shalt  }
0x5c: {  	_ =	shalt  }
0x5d: {  	_ =	shalt  }
0x5e: {  	_ =	shalt  }
0x5f: {  	_ =	shalt  }
0x60: {  	_ =	shalt  }
0x61: {  	_ =	shalt  }
0x62: {  	_ =	shalt  }
0x63: {  	_ =	shalt  }
0x64: {  	_ =	shalt  }
0x65: {  	_ =	shalt  }
0x66: {  	_ =	shalt  }
0x67: {  	_ =	shalt  }
0x68: {  	_ =	shalt  }
0x69: {  	_ =	shalt  }
0x6a: {  	_ =	shalt  }
0x6b: {  	_ =	shalt  }
0x6c: {  	_ =	shalt  }
0x6d: {  	_ =	shalt  }
0x6e: {  	_ =	shalt  }
0x6f: {  	_ =	shalt  }
0x70: {  	_ =	shalt  }
0x71: {  	_ =	shalt  }
0x72: {  	_ =	shalt  }
0x73: {  	_ =	shalt  }
0x74: {  	_ =	shalt  }
0x75: {  	_ =	shalt  }
0x76: {  	_ =	shalt  }
0x77: {  	_ =	shalt  }
0x78: {  	_ =	shalt  }
0x79: {  	_ =	shalt  }
0x7a: {  	_ =	shalt  }
0x7b: {  	_ =	shalt  }
0x7c: {  	_ =	shalt  }
0x7d: {  	_ =	shalt  }
0x7e: {  	_ =	shalt  }
0x7f: {  	_ =	shalt  }
0x80: {  	_ =	shalt  }
0x81: {  	_ =	shalt  }
0x82: {  	_ =	shalt  }
0x83: {  	_ =	shalt  }
0x84: {  	_ =	shalt  }
0x85: {  	_ =	shalt  }
0x86: {  	_ =	shalt  }
0x87: {  	_ =	shalt  }
.Lfunc_end0:
.L_simem_size_0:
called_computation.2_lowered:
.L_overlay_start_0:
0x88: {  	s2 =	sld [smem:$0x3FD9]  }
0x89: {  	s3 =	sld [smem:$0x3FFE];
	_ =	sdelay $0x1  }
0x8a: {  	s1 =	srdreg.scid  }
0x8b: {  	s0 =	sand.u32 $0x1, s1  }
0x8c: {  	s16 =	sshll.u32 s0, $0xA;
	s2 =	sadd.s32 s3, s2  }
0x8d: {  	s2 =	sadd.s32 s2, s16  }
0x8e: {  	[smem:$0x3FBD] =	sst s2  }
0x8f: {  	_ = 	snop  }
0x90: {  	(tm) =	ssettm $0x1  }
0x91: {  	s17 =	sld [smem:$0x3FFB];
	_ =	sdelay $0x3  }
0x92: {  	_ =	strace s17  }
0x93: {  	s2 =	sld [smem:$0x3FFC];
	_ =	sdelay $0x3  }
0x94: {  	_ =	strace s2  }
0x95: {  	s2 =	sld [smem:$0x3FFD];
	_ =	sdelay $0x3  }
0x96: {  	_ =	strace s2  }
0x97: {  	_ =	strace $0x8FFFFFFF  }
0x98: {  	s18 =	sld [smem:$0x3FDB];
	_ =	sdelay $0x1  }
0x99: {  	s19 =	simm.s32 $_scs_section_size  }
0x9a: {  	s4 =	simm.s32 $_size__tile_overlayer_lowered;
	s5 =	simm.s32 $_tile_overlayer_lowered  }
0x9b: {  	s22 =	simm.s32 $0x1BFF;
	s21 =	sshll.u32 s5, $0x1;
	s2 =	sadd.s32 s19, s18  }
0x9c: {  	s6 =	simm.s32 $0x0;
	s20 =	sshll.u32 s4, $0x1;
	s4 =	sadd.s32 s21, s2  }
0x9d: {  	[timem:s6], [sflag:s22] =	dma.local [hbm:s4], s20  }
0x9e: {  	_ =	swait.ge [sflag:s22], s20  }
0x9f: {  	s3 =	ssub.s32 $0x0, s20;
	[sflag:s22] =	ssyncset.done $0x0  }
0xa0: {  	[sflag:s22] =	ssyncadd.s32 s3;
	_ =	sdelay $0x1  }
0xa1: {  	s23 =	simm.s32 $0x1B8B  }
0xa2: {  	_ =	swait.ge [sflag:s23], $0x1  }
0xa3: {  	[sflag:s23] =	ssyncset.done $0x0  }
0xa4: {  	s25 =	simm.s32 $0x1B8E;
	s24 =	sld [smem:$0x3FFE];
	[sflag:s23] =	ssyncadd.s32 $0xFFFFFFFF  }
0xa5: {  	s26 =	simm.s32 $execute0_lowered;
	[smem:$0x3FD2] =	sst s25  }
0xa6: {  	s4 =	sshll.u32 s26, $0x1;
	_ =	strace $0x8000004C;
	[dreg:$0x1] =	wrdreg $0xFFFFFFFF  }
0xa7: {  	s28 =	simm.s32 $_size_execute0_lowered;
	s2 =	sadd.s32 s2, s4;
	[dreg:$0x0] =	wrdreg $0x0  }
0xa8: {  	s4 =	sshll.u32 s28, $0x1;
	[dreg:$0x2] =	wrdreg s2  }
0xa9: {  	[dreg:$0x3] =	wrdreg s4  }
0xaa: {  	[dreg:$0x4] =	wrdreg $0xC0  }
0xab: {  	_ =	task [dreg:s6], $0x5FFFF  }
0xac: {  	[dreg:$0x1] =	wrdreg $0xFFFFFFFF  }
0xad: {  	[dreg:$0x0] =	wrdreg $0x60  }
0xae: {  	[dreg:$0x2] =	wrdreg s24  }
0xaf: {  	[dreg:$0x3] =	wrdreg $0x92000  }
0xb0: {  	[dreg:$0x4] =	wrdreg $0x9  }
0xb1: {  	_ =	task.clear_ibuf [dreg:s6], $0x5FFFF;
	_ =	strace $0x9000004C  }
0xb2: {  	s29 =	simm.s32 $0x9;
	_ =	strace $0x8000004E  }
0xb3: {  	_ =	swait.ge [sflag:s29], $0x1  }
0xb4: {  	[sflag:s29] =	ssyncadd.s32 $0xFFFFFFFF  }
0xb5: {  	_ =	strace $0x9000004E  }
0xb6: {  	_ =	sfence  }
0xb7: {  	s30 =	sld [smem:$0x0];
	_ =	sdelay $0x2  }
0xb8: {  	s31 =	sshll.u32 s1, $0xD;
	s1 =	sshrl.u32 s1, $0x2  }
0xb9: {  	s3 =	sand.u32 $0x4000, s31;
	s1 =	sadd.s32 s1, s30  }
0xba: {  	s0 =	sor.u32 s3, s0;
	s1 =	sshll.u32 s1, $0x11  }
0xbb: {  	s0 =	sor.u32 s1, s0  }
0xbc: {  	s0 =	sadd.s32 $0x8F2B, s0  }
0xbd: {  	[sflag:s0] =	ssyncadd.remote.s32 $0x1  }
0xbe: {  	_ =	sfence.sel $0xFFFF  }
0xbf: {  	[dreg:$0x0] =	wrdreg $0xFFFFFFFF;
	(pc) =	sbr.abs _section_cstart, $3  }
0xc0: {  	[dreg:$0x1] =	wrdreg $0xFFFFFFFF  }
0xc1: {  	_ =	task.clear_ibuf [dreg:s6], $0x2FFFF;
	_ =	strace $0x9FFFFFFF  }
0xc2: {  	(tm) =	ssettm $0x7FFFFFFF  }
0xc3: {  	_ =	shalt  }
tec
execute0_lowered:
.L_overlay_start_1:
0x0: {  	(tag) =	ssettag $0x1  }
0x1: {  	s0 =	rddreg [dreg:$0x0]  }
0x2: {  	s1 =	rddreg [dreg:$0x1]  }
0x3: {  	s2 =	srdreg.scid;
	s3 =	simm.s32 $0x0;
	s25 =	stileid.u32  }
0x4: {  	s16 =	simm.s32 $0x4000;
	s17 =	simm.s32 $0x5;
	s18 =	simm.s32 $0x1  }
0x5: {  	s19 =	simm.s32 $0x50;
	s20 =	simm.s32 $0x9000;
	s21 =	simm.s32 $0x9080  }
0x6: {  	s22 =	simm.s32 $0x6800;
	s23 =	simm.s32 $0x9100;
	s24 =	simm.s32 $0x3  }
0x7: {  	s28 =	simm.s32 $0x4;
	s29 =	simm.s32 $0x0;
	s5 =	sand.u32 $0x1, s2  }
0x8: {  	[smem:$0x7FF] =	sst s3;
	s7 =	smul.u32 $0x14000, s25;
	s8 =	sshll.u32 s25, $0xB  }
0x9: {  	s4 =	sadd.s32 $0x2200, s0;
	s9 =	smul.u32 $0x50000, s25;
	s25 =	simm.s32 $0x2  }
0xa: {  	s6 =	smul.u32 $0x140000, s5;
	_ =	strace $0x8000004D;
	s26 =	ssub.s32 $0x2, s5  }
0xb: {  	s8 =	sadd.s32 s8, s0;
	s5 =	sshll.u32 s5, $0xF;
	s30 =	sshrl.u32 s26, $0x1  }
0xc: {  	s5 =	sadd.s32 s5, s8;
	s31 =	sshrl.u32 s9, $0x2;
	s6 =	sadd.s32 s7, s6  }
0xd: {  	s10 =	ssub.s32 s26, s30;
	s5 =	sadd.s32 $0x7A200, s5;
	s7 =	sadd.s32 s31, s1  }
0xe: {  	s26 =	simm.s32 $0x9180;
	s6 =	sshrl.u32 s6, $0x3;
	s8 =	smax.u32 s10, $0x1  }
0xf: {  	s9 =	sadd.s32 $0x2800, s7;
	s10 =	sadd.s32 $0x5000, s7;
	s11 =	sadd.s32 $0x7800, s7  }
0x10: {  	s12 =	sadd.s32 $0xA000, s7;
	s13 =	sadd.s32 $0xC800, s7;
	s0 =	sadd.s32 s6, s0  }
0x11: {  	v0 =	vimm.f32 $0.0e+00;
	s14 =	sadd.s32 $0xF000, s7;
	s15 =	sadd.s32 $0x11800, s7;
	s6 =	sadd.s32 $0x8A200, s0  }
.LBB2_1:
0x12: {  	[tilespmem:s3], [sflag:$0x1] =	stream.linear.gather [hbm4b:s5+s3], $0x3E80, $0x38;
	[tilespmem:$0x1D200] =	vst v63  }
0x13: {  	s0 =	sand.u32 $0xFE00, s3  }
0x14: {  	s31 =	sand.u32 $0x70, s3;
	s0 =	sshrl.u32 s0, $0x2  }
0x15: {  	s30 =	simm.s32 $0x40;
	s0 =	sor.u32 s31, s0;
	s31 =	simm.s32 $0x0  }
.LBB2_2:
0x16: {  	p0 =	sne.s32 s30, $0x9FC0  }
0x17: {  	[tilespmem:s0+$0x4000] =	vst v0;
	s31 =	sadd.s32 $0x10, s31;
	s0 =	smov.u32 s30;
	s30 =	sadd.s32 $0x40, s30  }
.Ltmp0:
0x18: {  	(pc) =	sbr.rel @p0 .LBB2_2-.Ltmp0, $4  }
0x19: {  	_ = 	snop  }
0x1a: {  	s0 =	sand.u32 $0xFE00, s0  }
0x1b: {  	s2 =	sand.u32 $0x70, s31;
	s0 =	sshrl.u32 s0, $0x2  }
0x1c: {  	s0 =	sor.u32 s2, s0  }
0x1d: {  	[tilespmem:s0+$0x4000] =	vst v0  }
0x1e: {  	[spmem:s7] =	stream.linear.scatter [tilespmem:s16], [sflag:$0x5], $0x2800, $0x38;
	[tilespmem:$0x1D200] =	vst v63  }
0x1f: {  	_ =	swait.ge [sflag:s17], $0x2800  }
0x20: {  	[sflag:s17] =	ssyncset.done $0x0  }
0x21: {  	[sflag:s17] =	ssyncadd.s32 $0xFFFFD800  }
0x22: {  	[spmem:s9] =	stream.linear.scatter [tilespmem:s16], [sflag:$0x5], $0x2800, $0x38;
	[tilespmem:$0x1D200] =	vst v63  }
0x23: {  	_ =	swait.ge [sflag:s17], $0x2800  }
0x24: {  	[sflag:s17] =	ssyncset.done $0x0  }
0x25: {  	[sflag:s17] =	ssyncadd.s32 $0xFFFFD800  }
0x26: {  	[spmem:s10] =	stream.linear.scatter [tilespmem:s16], [sflag:$0x5], $0x2800, $0x38;
	[tilespmem:$0x1D200] =	vst v63  }
0x27: {  	_ =	swait.ge [sflag:s17], $0x2800  }
0x28: {  	[sflag:s17] =	ssyncset.done $0x0  }
0x29: {  	[sflag:s17] =	ssyncadd.s32 $0xFFFFD800  }
0x2a: {  	[spmem:s11] =	stream.linear.scatter [tilespmem:s16], [sflag:$0x5], $0x2800, $0x38;
	[tilespmem:$0x1D200] =	vst v63  }
0x2b: {  	_ =	swait.ge [sflag:s17], $0x2800  }
0x2c: {  	[sflag:s17] =	ssyncset.done $0x0  }
0x2d: {  	[sflag:s17] =	ssyncadd.s32 $0xFFFFD800  }
0x2e: {  	[spmem:s12] =	stream.linear.scatter [tilespmem:s16], [sflag:$0x5], $0x2800, $0x38;
	[tilespmem:$0x1D200] =	vst v63  }
0x2f: {  	_ =	swait.ge [sflag:s17], $0x2800  }
0x30: {  	[sflag:s17] =	ssyncset.done $0x0  }
0x31: {  	[sflag:s17] =	ssyncadd.s32 $0xFFFFD800  }
0x32: {  	[spmem:s13] =	stream.linear.scatter [tilespmem:s16], [sflag:$0x5], $0x2800, $0x38;
	[tilespmem:$0x1D200] =	vst v63  }
0x33: {  	_ =	swait.ge [sflag:s17], $0x2800  }
0x34: {  	[sflag:s17] =	ssyncset.done $0x0  }
0x35: {  	[sflag:s17] =	ssyncadd.s32 $0xFFFFD800  }
0x36: {  	[spmem:s14] =	stream.linear.scatter [tilespmem:s16], [sflag:$0x5], $0x2800, $0x38;
	[tilespmem:$0x1D200] =	vst v63  }
0x37: {  	_ =	swait.ge [sflag:s17], $0x2800  }
0x38: {  	[sflag:s17] =	ssyncset.done $0x0  }
0x39: {  	[sflag:s17] =	ssyncadd.s32 $0xFFFFD800  }
0x3a: {  	[spmem:s15] =	stream.linear.scatter [tilespmem:s16], [sflag:$0x5], $0x2800, $0x38;
	[tilespmem:$0x1D200] =	vst v63  }
0x3b: {  	_ =	swait.ge [sflag:s17], $0x2800  }
0x3c: {  	[sflag:s17] =	ssyncset.done $0x0  }
0x3d: {  	[sflag:s17] =	ssyncadd.s32 $0xFFFFD800  }
0x3e: {  	_ =	swait.ge [sflag:s18], $0x3E80  }
0x3f: {  	[sflag:s18] =	ssyncset.done $0x0  }
0x40: {  	[sflag:s18] =	ssyncadd.s32 $0xFFFFC180  }
0x41: {  	v1 =	vld [tilespmem:$0x0];
	_ =	sdelay $0x1  }
0x42: {  	v2 =	vld [tilespmem:$0x10];
	_ =	sdelay $0x1  }
0x43: {  	v3 =	vld [tilespmem:$0x20]  }
0x44: {  	v4 =	vand.u32 $0xFFFF, v1  }
0x45: {  	v59 =	vld [tilespmem:$0x30];
	v1 =	vshrl.u32 v1, $0x10;
	[tilespmem:$0x9000] =	vst v4  }
0x46: {  	[tilespmem:$0x9100] =	vst v1;
	v1 =	vand.u32 $0xFFFF, v2  }
0x47: {  	[tilespmem:$0x9010] =	vst v1;
	v1 =	vshrl.u32 v2, $0x10;
	v2 =	vld [tilespmem:$0x40]  }
0x48: {  	[tilespmem:$0x9110] =	vst v1;
	v1 =	vand.u32 $0xFFFF, v3  }
0x49: {  	[tilespmem:$0x9020] =	vst v1;
	v1 =	vshrl.u32 v3, $0x10  }
0x4a: {  	[tilespmem:$0x9120] =	vst v1;
	v1 =	vand.u32 $0xFFFF, v59  }
0x4b: {  	[tilespmem:$0x9030] =	vst v1;
	v1 =	vshrl.u32 v59, $0x10  }
0x4c: {  	[tilespmem:$0x9130] =	vst v1;
	v1 =	vand.u32 $0xFFFF, v2  }
0x4d: {  	[tilespmem:$0x9040] =	vst v1;
	v1 =	vshrl.u32 v2, $0x10  }
0x4e: {  	[tilespmem:$0x9140] =	vst v1  }
0x4f: {  	[tilespmem:s16], [sflag:$0x1] =	stream.indirect.gather [hbm4b:s4+s19], $0x80, s20, s19, $0xb8;
	[tilespmem:$0x1D200] =	vst v63  }
0x50: {  	[bflag:$0x0] =	sbarrier.arrive $0xFFFF  }
0x51: {  	v1 =	vld [tilespmem:$0x80];
	_ =	sdelay $0x1  }
0x52: {  	v2 =	vld [tilespmem:$0x90];
	_ =	sdelay $0x1  }
0x53: {  	v3 =	vld [tilespmem:$0xA0]  }
0x54: {  	v60 =	vand.u32 $0xFFFF, v1  }
0x55: {  	v61 =	vld [tilespmem:$0xB0];
	v1 =	vshrl.u32 v1, $0x10;
	[tilespmem:$0x9080] =	vst v60  }
0x56: {  	[tilespmem:$0x9180] =	vst v1;
	v1 =	vand.u32 $0xFFFF, v2  }
0x57: {  	[tilespmem:$0x9090] =	vst v1;
	v1 =	vshrl.u32 v2, $0x10;
	v2 =	vld [tilespmem:$0xC0]  }
0x58: {  	[tilespmem:$0x9190] =	vst v1;
	v1 =	vand.u32 $0xFFFF, v3  }
0x59: {  	[tilespmem:$0x90A0] =	vst v1;
	v1 =	vshrl.u32 v3, $0x10  }
0x5a: {  	[tilespmem:$0x91A0] =	vst v1;
	v1 =	vand.u32 $0xFFFF, v61  }
0x5b: {  	[tilespmem:$0x90B0] =	vst v1;
	v1 =	vshrl.u32 v61, $0x10  }
0x5c: {  	[tilespmem:$0x91B0] =	vst v1;
	v1 =	vand.u32 $0xFFFF, v2  }
0x5d: {  	[tilespmem:$0x90C0] =	vst v1;
	v1 =	vshrl.u32 v2, $0x10  }
0x5e: {  	[tilespmem:$0x91C0] =	vst v1  }
0x5f: {  	[tilespmem:s22], [sflag:$0x2] =	stream.indirect.gather [hbm4b:s4+s19], $0x80, s21, s19, $0xb8;
	[tilespmem:$0x1D200] =	vst v63  }
0x60: {  	_ =	swait.ge [sflag:s18], $0x2800  }
0x61: {  	[sflag:s18] =	ssyncset.done $0x0  }
0x62: {  	[sflag:s18] =	ssyncadd.s32 $0xFFFFD800  }
0x63: {  	[spmem:s1] =	stream.indirect.scatter.add.f32 [tilespmem:s16], [sflag:$0x3], $0x80, s23, s19, $0xb8;
	[tilespmem:$0x1D200] =	vst v63  }
0x64: {  	_ =	swait.ge [sflag:s24], $0x2800  }
0x65: {  	[sflag:s24] =	ssyncset.done $0x0  }
0x66: {  	[sflag:s24] =	ssyncadd.s32 $0xFFFFD800  }
0x67: {  	v1 =	vld [tilespmem:$0x100];
	_ =	sdelay $0x1  }
0x68: {  	v2 =	vld [tilespmem:$0x110];
	_ =	sdelay $0x1  }
0x69: {  	v3 =	vld [tilespmem:$0x120]  }
0x6a: {  	v62 =	vand.u32 $0xFFFF, v1  }
0x6b: {  	v63 =	vld [tilespmem:$0x130];
	v1 =	vshrl.u32 v1, $0x10;
	[tilespmem:$0x9000] =	vst v62  }
0x6c: {  	[tilespmem:$0x9100] =	vst v1;
	v1 =	vand.u32 $0xFFFF, v2  }
0x6d: {  	[tilespmem:$0x9010] =	vst v1;
	v1 =	vshrl.u32 v2, $0x10;
	v2 =	vld [tilespmem:$0x140]  }
0x6e: {  	[tilespmem:$0x9110] =	vst v1;
	v1 =	vand.u32 $0xFFFF, v3  }
0x6f: {  	[tilespmem:$0x9020] =	vst v1;
	v1 =	vshrl.u32 v3, $0x10  }
0x70: {  	[tilespmem:$0x9120] =	vst v1;
	v1 =	vand.u32 $0xFFFF, v63  }
0x71: {  	[tilespmem:$0x9030] =	vst v1;
	v1 =	vshrl.u32 v63, $0x10  }
0x72: {  	[tilespmem:$0x9130] =	vst v1;
	v1 =	vand.u32 $0xFFFF, v2  }
0x73: {  	[tilespmem:$0x9040] =	vst v1;
	v1 =	vshrl.u32 v2, $0x10  }
0x74: {  	[tilespmem:$0x9140] =	vst v1  }
0x75: {  	[tilespmem:s16], [sflag:$0x1] =	stream.indirect.gather [hbm4b:s4+s19], $0x80, s20, s19, $0xb8;
	[tilespmem:$0x1D200] =	vst v63  }
0x76: {  	_ =	swait.ge [sflag:s25], $0x2800  }
0x77: {  	[sflag:s25] =	ssyncset.done $0x0  }
0x78: {  	[sflag:s25] =	ssyncadd.s32 $0xFFFFD800  }
0x79: {  	[spmem:s1] =	stream.indirect.scatter.add.f32 [tilespmem:s22], [sflag:$0x4], $0x80, s26, s19, $0xb8;
	[tilespmem:$0x1D200] =	vst v63  }
0x7a: {  	_ =	swait.ge [sflag:s28], $0x2800  }
0x7b: {  	[sflag:s28] =	ssyncset.done $0x0  }
0x7c: {  	s31 =	simm.s32 $0x240;
	[sflag:s28] =	ssyncadd.s32 $0xFFFFD800  }
0x7d: {  	v1 =	vld [tilespmem:s31+$0xFFFFFF40];
	_ =	sdelay $0x4  }
0x7e: {  	v2 =	vand.u32 $0xFFFF, v1  }
0x7f: {  	v1 =	vshrl.u32 v1, $0x10;
	[tilespmem:$0x9080] =	vst v2  }
0x80: {  	[tilespmem:$0x9180] =	vst v1  }
0x81: {  	v1 =	vld [tilespmem:s31+$0xFFFFFF50];
	_ =	sdelay $0x4  }
0x82: {  	v2 =	vand.u32 $0xFFFF, v1  }
0x83: {  	v1 =	vshrl.u32 v1, $0x10;
	[tilespmem:$0x9090] =	vst v2  }
0x84: {  	[tilespmem:$0x9190] =	vst v1  }
0x85: {  	v1 =	vld [tilespmem:s31+$0xFFFFFF60];
	_ =	sdelay $0x4  }
0x86: {  	v2 =	vand.u32 $0xFFFF, v1  }
0x87: {  	v1 =	vshrl.u32 v1, $0x10;
	[tilespmem:$0x90A0] =	vst v2  }
0x88: {  	[tilespmem:$0x91A0] =	vst v1  }
0x89: {  	v1 =	vld [tilespmem:s31+$0xFFFFFF70];
	_ =	sdelay $0x4  }
0x8a: {  	v2 =	vand.u32 $0xFFFF, v1  }
0x8b: {  	v1 =	vshrl.u32 v1, $0x10;
	[tilespmem:$0x90B0] =	vst v2  }
0x8c: {  	[tilespmem:$0x91B0] =	vst v1  }
0x8d: {  	v1 =	vld [tilespmem:s31+$0xFFFFFF80];
	_ =	sdelay $0x4  }
0x8e: {  	v2 =	vand.u32 $0xFFFF, v1  }
0x8f: {  	v1 =	vshrl.u32 v1, $0x10;
	[tilespmem:$0x90C0] =	vst v2  }
0x90: {  	[tilespmem:$0x91C0] =	vst v1  }
0x91: {  	[tilespmem:s22], [sflag:$0x2] =	stream.indirect.gather [hbm4b:s4+s19], $0x80, s21, s19, $0xb8;
	[tilespmem:$0x1D200] =	vst v63  }
0x92: {  	_ =	swait.ge [sflag:s18], $0x2800  }
0x93: {  	[sflag:s18] =	ssyncset.done $0x0  }
0x94: {  	[sflag:s18] =	ssyncadd.s32 $0xFFFFD800  }
0x95: {  	[spmem:s1] =	stream.indirect.scatter.add.f32 [tilespmem:s16], [sflag:$0x3], $0x80, s23, s19, $0xb8;
	[tilespmem:$0x1D200] =	vst v63  }
0x96: {  	_ =	swait.ge [sflag:s24], $0x2800  }
0x97: {  	[sflag:s24] =	ssyncset.done $0x0  }
0x98: {  	[sflag:s24] =	ssyncadd.s32 $0xFFFFD800  }
0x99: {  	v1 =	vld [tilespmem:s31+$0xFFFFFFC0];
	_ =	sdelay $0x4  }
0x9a: {  	v2 =	vand.u32 $0xFFFF, v1  }
0x9b: {  	v1 =	vshrl.u32 v1, $0x10;
	[tilespmem:$0x9000] =	vst v2  }
0x9c: {  	[tilespmem:$0x9100] =	vst v1  }
0x9d: {  	v1 =	vld [tilespmem:s31+$0xFFFFFFD0];
	_ =	sdelay $0x4  }
0x9e: {  	v2 =	vand.u32 $0xFFFF, v1  }
0x9f: {  	v1 =	vshrl.u32 v1, $0x10;
	[tilespmem:$0x9010] =	vst v2  }
0xa0: {  	[tilespmem:$0x9110] =	vst v1  }
0xa1: {  	v1 =	vld [tilespmem:s31+$0xFFFFFFE0];
	_ =	sdelay $0x4  }
0xa2: {  	v2 =	vand.u32 $0xFFFF, v1  }
0xa3: {  	v1 =	vshrl.u32 v1, $0x10;
	[tilespmem:$0x9020] =	vst v2  }
0xa4: {  	[tilespmem:$0x9120] =	vst v1  }
0xa5: {  	v1 =	vld [tilespmem:s31+$0xFFFFFFF0];
	_ =	sdelay $0x4  }
0xa6: {  	v2 =	vand.u32 $0xFFFF, v1  }
0xa7: {  	v1 =	vshrl.u32 v1, $0x10;
	[tilespmem:$0x9030] =	vst v2  }
0xa8: {  	[tilespmem:$0x9130] =	vst v1  }
0xa9: {  	s30 =	simm.s32 $0xD00;
	v1 =	vld [tilespmem:s31+$0x0]  }
.LBB2_4:
0xaa: {  	_ = 	snop  }
0xab: {  	p0 =	sne.s32 s30, $0xF900;
	s0 =	smov.u32 s30;
	s30 =	sadd.s32 $0x400, s30  }
0xac: {  	_ =	sdelay $0x1  }
0xad: {  	v2 =	vand.u32 $0xFFFF, v1;
	v1 =	vshrl.u32 v1, $0x10  }
0xae: {  	[tilespmem:$0x9040] =	vst v2  }
0xaf: {  	[tilespmem:$0x9140] =	vst v1  }
0xb0: {  	[tilespmem:s16], [sflag:$0x1] =	stream.indirect.gather [hbm4b:s4+s19], $0x80, s20, s19, $0xb8;
	[tilespmem:$0x1D200] =	vst v63  }
0xb1: {  	_ =	swait.ge [sflag:s25], $0x2800  }
0xb2: {  	[sflag:s25] =	ssyncset.done $0x0  }
0xb3: {  	[sflag:s25] =	ssyncadd.s32 $0xFFFFD800  }
0xb4: {  	[spmem:s1] =	stream.indirect.scatter.add.f32 [tilespmem:s22], [sflag:$0x4], $0x80, s26, s19, $0xb8;
	[tilespmem:$0x1D200] =	vst v63  }
0xb5: {  	_ =	swait.ge [sflag:s28], $0x2800  }
0xb6: {  	[sflag:s28] =	ssyncset.done $0x0  }
0xb7: {  	s31 =	sshra.s32 s0, $0x2;
	[sflag:s28] =	ssyncadd.s32 $0xFFFFD800  }
0xb8: {  	v1 =	vld [tilespmem:s31+$0xFFFFFF40];
	_ =	sdelay $0x4  }
0xb9: {  	v2 =	vand.u32 $0xFFFF, v1;
	v1 =	vshrl.u32 v1, $0x10  }
0xba: {  	[tilespmem:$0x9080] =	vst v2  }
0xbb: {  	[tilespmem:$0x9180] =	vst v1  }
0xbc: {  	v1 =	vld [tilespmem:s31+$0xFFFFFF50];
	_ =	sdelay $0x4  }
0xbd: {  	v2 =	vand.u32 $0xFFFF, v1;
	v1 =	vshrl.u32 v1, $0x10  }
0xbe: {  	[tilespmem:$0x9090] =	vst v2  }
0xbf: {  	[tilespmem:$0x9190] =	vst v1  }
0xc0: {  	v1 =	vld [tilespmem:s31+$0xFFFFFF60];
	_ =	sdelay $0x4  }
0xc1: {  	v2 =	vand.u32 $0xFFFF, v1;
	v1 =	vshrl.u32 v1, $0x10  }
0xc2: {  	[tilespmem:$0x90A0] =	vst v2  }
0xc3: {  	[tilespmem:$0x91A0] =	vst v1  }
0xc4: {  	v1 =	vld [tilespmem:s31+$0xFFFFFF70];
	_ =	sdelay $0x4  }
0xc5: {  	v2 =	vand.u32 $0xFFFF, v1;
	v1 =	vshrl.u32 v1, $0x10  }
0xc6: {  	[tilespmem:$0x90B0] =	vst v2  }
0xc7: {  	[tilespmem:$0x91B0] =	vst v1  }
0xc8: {  	v1 =	vld [tilespmem:s31+$0xFFFFFF80];
	_ =	sdelay $0x4  }
0xc9: {  	v2 =	vand.u32 $0xFFFF, v1;
	v1 =	vshrl.u32 v1, $0x10  }
0xca: {  	[tilespmem:$0x90C0] =	vst v2  }
0xcb: {  	[tilespmem:$0x91C0] =	vst v1  }
0xcc: {  	[tilespmem:s22], [sflag:$0x2] =	stream.indirect.gather [hbm4b:s4+s19], $0x80, s21, s19, $0xb8;
	[tilespmem:$0x1D200] =	vst v63  }
0xcd: {  	_ =	swait.ge [sflag:s18], $0x2800  }
0xce: {  	[sflag:s18] =	ssyncset.done $0x0  }
0xcf: {  	[sflag:s18] =	ssyncadd.s32 $0xFFFFD800  }
0xd0: {  	[spmem:s1] =	stream.indirect.scatter.add.f32 [tilespmem:s16], [sflag:$0x3], $0x80, s23, s19, $0xb8;
	[tilespmem:$0x1D200] =	vst v63  }
0xd1: {  	_ =	swait.ge [sflag:s24], $0x2800  }
0xd2: {  	[sflag:s24] =	ssyncset.done $0x0  }
0xd3: {  	[sflag:s24] =	ssyncadd.s32 $0xFFFFD800  }
0xd4: {  	v1 =	vld [tilespmem:s31+$0xFFFFFFC0];
	_ =	sdelay $0x4  }
0xd5: {  	v2 =	vand.u32 $0xFFFF, v1;
	v1 =	vshrl.u32 v1, $0x10  }
0xd6: {  	[tilespmem:$0x9000] =	vst v2  }
0xd7: {  	[tilespmem:$0x9100] =	vst v1  }
0xd8: {  	v1 =	vld [tilespmem:s31+$0xFFFFFFD0];
	_ =	sdelay $0x4  }
0xd9: {  	v2 =	vand.u32 $0xFFFF, v1;
	v1 =	vshrl.u32 v1, $0x10  }
0xda: {  	[tilespmem:$0x9010] =	vst v2  }
0xdb: {  	[tilespmem:$0x9110] =	vst v1  }
0xdc: {  	v1 =	vld [tilespmem:s31+$0xFFFFFFE0];
	_ =	sdelay $0x4  }
0xdd: {  	v2 =	vand.u32 $0xFFFF, v1;
	v1 =	vshrl.u32 v1, $0x10  }
0xde: {  	[tilespmem:$0x9020] =	vst v2  }
0xdf: {  	[tilespmem:$0x9120] =	vst v1  }
0xe0: {  	v1 =	vld [tilespmem:s31+$0xFFFFFFF0];
	_ =	sdelay $0x3  }
.Ltmp1:
0xe1: {  	(pc) =	sbr.rel @p0 .LBB2_4-.Ltmp1, $4  }
0xe2: {  	v2 =	vand.u32 $0xFFFF, v1;
	v1 =	vshrl.u32 v1, $0x10  }
0xe3: {  	[tilespmem:$0x9030] =	vst v2  }
0xe4: {  	[tilespmem:$0x9130] =	vst v1  }
0xe5: {  	v1 =	vld [tilespmem:s31+$0x0]  }
0xe6: {  	_ =	sdelay $0x3  }
0xe7: {  	v2 =	vand.u32 $0xFFFF, v1  }
0xe8: {  	v1 =	vshrl.u32 v1, $0x10;
	[tilespmem:$0x9040] =	vst v2  }
0xe9: {  	[tilespmem:$0x9140] =	vst v1  }
0xea: {  	[tilespmem:s16], [sflag:$0x1] =	stream.indirect.gather [hbm4b:s4+s19], $0x80, s20, s19, $0xb8;
	[tilespmem:$0x1D200] =	vst v63  }
0xeb: {  	_ =	swait.ge [sflag:s25], $0x2800  }
0xec: {  	[sflag:s25] =	ssyncset.done $0x0  }
0xed: {  	[sflag:s25] =	ssyncadd.s32 $0xFFFFD800  }
0xee: {  	[spmem:s1] =	stream.indirect.scatter.add.f32 [tilespmem:s22], [sflag:$0x4], $0x80, s26, s19, $0xb8;
	[tilespmem:$0x1D200] =	vst v63  }
0xef: {  	_ =	swait.ge [sflag:s18], $0x2800  }
0xf0: {  	[sflag:s18] =	ssyncset.done $0x0  }
0xf1: {  	[sflag:s18] =	ssyncadd.s32 $0xFFFFD800  }
0xf2: {  	[spmem:s1] =	stream.indirect.scatter.add.f32 [tilespmem:s16], [sflag:$0x3], $0x80, s23, s19, $0xb8;
	[tilespmem:$0x1D200] =	vst v63  }
0xf3: {  	_ =	swait.ge [sflag:s28], $0x2800  }
0xf4: {  	[sflag:s28] =	ssyncset.done $0x0  }
0xf5: {  	[sflag:s28] =	ssyncadd.s32 $0xFFFFD800  }
0xf6: {  	s0 =	stileid.u32;
	_ =	swait.ge [sflag:s24], $0x2800  }
0xf7: {  	s2 =	sshrl.u32 s7, $0x3;
	s29 =	sadd.s32 $0x1, s29;
	[sflag:s24] =	ssyncset.done $0x0  }
0xf8: {  	s0 =	sshll.u32 s0, $0x6;
	p0 =	sne.s32 s29, s8;
	[sflag:s24] =	ssyncadd.s32 $0xFFFFD800  }
.Ltmp2:
0xf9: {  	s0 =	sor.u32 $0x1C05, s0;
	[bflag:$0x0] =	sbarrier.arrive $0xFFFF;
	(pc) =	sbr.rel @p0 .LBB2_1-.Ltmp2, $4  }
0xfa: {  	[hbm:s6], [sflag:s0] =	dma.local [spmem:s2], $0x2800  }
0xfb: {  	_ =	swait.ge [sflag:s17], $0x2800  }
0xfc: {  	[sflag:s17] =	ssyncset.done $0x0  }
0xfd: {  	[sflag:s17] =	ssyncadd.s32 $0xFFFFD800  }
0xfe: {  	_ =	sfence.sel $0x180000  }
0xff: {  	[bflag:$0x0] =	sbarrier.arrive $0xFFFF  }
0x100: {  	_ =	strace $0x9000004D  }
0x101: {  	s0 =	stileid.u32;
	[bflag:$0x2] =	sbarrier.arrive $0xFFFF  }
0x102: {  	p0 =	sne.s32 s0, $0x0;
	s0 =	rddreg [dreg:$0x2]  }
0x103: {  	s0 =	sadd.s32 @!p0 $0x100000, s0  }
0x104: {  	[sflag:s0] =	ssyncadd.tile.s32 @!p0 $0x1;
	_ =	shalt  }
.Lfunc_end2:
_tile_overlayer_lowered:
.L_overlay_start_2:
0x105: {  	(tag) =	ssettag $0x2  }
0x106: {  	s0 =	rddreg [dreg:$0x0];
	s2 =	stileid.u32  }
0x107: {  	s1 =	rddreg [dreg:$0x1];
	p0 =	sne.s32 s2, $0x0  }
0x108: {  	s3 =	rddreg [dreg:$0x2];
	[bflag:$0x3] =	sbarrier.arrive $0xFFFF;
	s2 =	simm.s32 @!p0 $0x1C05  }
0x109: {  	[timem:s3], [sflag:s2] =	dma.local @!p0 [hbm:s0], s1  }
0x10a: {  	s0 =	simm.s32 @!p0 $0x5  }
0x10b: {  	_ =	swait.ge @!p0 [sflag:s0], s1  }
0x10c: {  	s1 =	ssub.s32 @!p0 $0x0, s1;
	[sflag:s0] =	ssyncset.done @!p0 $0x0  }
0x10d: {  	[sflag:s0] =	ssyncadd.s32 @!p0 s1  }
0x10e: {  	[bflag:$0x3] =	sbarrier.arrive $0xFFFF  }
0x10f: {  	_ =	shalt  }

// kernel: kernel.9.cloned.1.call-start
scs
__scs_entry_jumppad:
0x0: {  	(pc) =	sbr.rel $0x88, $3  }
0x1: {  	(tag) =	ssettag $0x0;
	lr =	simm.s32 $0x1  }
0x2: {  	[smem:$0x3F96] =	sst lr;
	_ =	strace $0xD0000000  }
0x3: {  	_ = 	snop  }
0x4: {  	_ = 	snop  }
0x5: {  	_ = 	snop  }
0x6: {  	_ = 	snop  }
0x7: {  	_ = 	snop  }
__scs_overlays_trampoline_lowered:
0x8: {  	[smem:$0x3FA5] =	sst s0  }
0x9: {  	[smem:$0x3FA6] =	sst s1  }
0xa: {  	[smem:$0x3FA7] =	sst s2  }
0xb: {  	[smem:$0x3FA8] =	sst s3  }
0xc: {  	[smem:$0x3FA9] =	sst s4  }
0xd: {  	[smem:$0x3FAA] =	sst s5  }
0xe: {  	[smem:$0x3FAB] =	sst s6  }
0xf: {  	[smem:$0x3FAC] =	sst s7  }
0x10: {  	[smem:$0x3FAD] =	sst s8  }
0x11: {  	[smem:$0x3FAE] =	sst s9;
	s0 =	simm.s32 @!p0 $0x0  }
0x12: {  	s1 =	sld [smem:$0x3F94];
	s0 =	simm.s32 @p0 $0x1  }
0x13: {  	[smem:$0x3FAF] =	sst s0;
	s0 =	simm.s32 @!p1 $0x0  }
0x14: {  	s2 =	sld [smem:$0x3F93];
	s0 =	simm.s32 @p1 $0x1  }
0x15: {  	[smem:$0x3FB0] =	sst s0;
	s0 =	simm.s32 @!p2 $0x0  }
0x16: {  	s3 =	sld [smem:$0x3FDB];
	s0 =	simm.s32 @p2 $0x1  }
0x17: {  	s4 =	simm.s32 $0x1BF5;
	[smem:$0x3FB2] =	sst s0  }
0x18: {  	s0 =	sld [smem:$0x3F95];
	_ =	swait.ge [sflag:s4], $0x0  }
0x19: {  	s7 =	sld [smem:$0x3F96]  }
0x1a: {  	s8 =	sadd.s32 $0xFFFFE003, lr  }
0x1b: {  	s9 =	sadd.s32 $0xFFFFFEF7, lr;
	s5 =	simm.s32 $0xFFFFFFFF;
	p2 =	slt.u32 s8, $0xFFFFF086  }
0x1c: {  	p1 =	slt.u32 s9, $0xF7A;
	s5 =	simm.s32 @!p2 $0x0  }
0x1d: {  	s5 =	simm.s32 @p1 $0x1;
	p0 =	seq.s32 s7, s2  }
0x1e: {  	s7 =	smul.u32 @!p0 $0xF7A, s2;
	p2 =	seq.s32 @!p0 s5, $0x0  }
0x1f: {  	s9 =	smul.u32 $0xF7A, s1;
	s8 =	simm.s32 @!p0 $0x1BF5;
	p2 =	por !p2, p0  }
0x20: {  	[sflag:s8] =	ssyncset.s32 @!p0 $0xFFFFF086;
	s6 =	sadd.s32 @!p0 s3, s7;
	s7 =	simm.s32 @!p0 $0x108  }
0x21: {  	s3 =	sadd.s32 s3, s9;
	s6 =	sadd.s32 @!p0 $0x88, s6;
	s7 =	simm.s32 @p2 $0x1082  }
0x22: {  	[simem:s7], [sflag:s8] =	dma.local @!p0 [hbm:s6], $0xF7A  }
0x23: {  	s9 =	sor.u32 $0xD0000000, s2;
	s6 =	simm.s32 $0x108;
	_ =	swait.ge @!p0 [sflag:s8], $0x0  }
0x24: {  	s3 =	sadd.s32 $0x88, s3;
	s6 =	simm.s32 @!p1 $0x1082;
	[sflag:s4] =	ssyncset.s32 $0xFFFFF086  }
0x25: {  	[simem:s6], [sflag:s4] =	dma.local [hbm:s3], $0xF7A  }
0x26: {  	[smem:$0x3F96] =	sst s1;
	(tag) =	ssettag s2;
	_ =	strace s9  }
0x27: {  	s1 =	sld [smem:$0x3FA6]  }
0x28: {  	s2 =	sld [smem:$0x3FA7]  }
0x29: {  	s4 =	sld [smem:$0x3FA9]  }
0x2a: {  	p0 =	seq.s32 s5, $0x0;
	s5 =	sld [smem:$0x3FAA]  }
0x2b: {  	s6 =	sld [smem:$0x3FAB]  }
0x2c: {  	s7 =	sld [smem:$0x3FAC]  }
0x2d: {  	s3 =	simm.s32 $0x108;
	s8 =	sld [smem:$0x3FAD]  }
0x2e: {  	s3 =	simm.s32 @!p0 $0x1082;
	s9 =	sld [smem:$0x3FAE]  }
0x2f: {  	lr =	sadd.s32 s0, s3;
	s0 =	sld [smem:$0x3FA5]  }
0x30: {  	s3 =	sld [smem:$0x3FA8]  }
0x31: {  	[smem:$0x3FB1] =	sst s10  }
0x32: {  	s10 =	sld [smem:$0x3FAF];
	_ =	sdelay $0x3  }
0x33: {  	p0 =	seq.s32 s10, $0x1;
	s10 =	sld [smem:$0x3FB1];
	_ =	sdelay $0x3  }
0x34: {  	[smem:$0x3FB1] =	sst s10  }
0x35: {  	s10 =	sld [smem:$0x3FB0];
	_ =	sdelay $0x3  }
0x36: {  	p1 =	seq.s32 s10, $0x1;
	s10 =	sld [smem:$0x3FB1];
	_ =	sdelay $0x3  }
0x37: {  	[smem:$0x3FB1] =	sst s10  }
0x38: {  	s10 =	sld [smem:$0x3FB2]  }
0x39: {  	_ = 	snop;
	(pc) =	sbr.ind lr, $3  }
0x3a: {  	_ = 	snop  }
0x3b: {  	_ = 	snop  }
0x3c: {  	p2 =	seq.s32 s10, $0x1;
	s10 =	sld [smem:$0x3FB1]  }
0x3d: {  	_ =	shalt  }
0x3e: {  	_ =	shalt  }
0x3f: {  	_ =	shalt  }
0x40: {  	_ =	shalt  }
0x41: {  	_ =	shalt  }
0x42: {  	_ =	shalt  }
0x43: {  	_ =	shalt  }
0x44: {  	_ =	shalt  }
0x45: {  	_ =	shalt  }
0x46: {  	_ =	shalt  }
0x47: {  	_ =	shalt  }
0x48: {  	_ =	shalt  }
0x49: {  	_ =	shalt  }
0x4a: {  	_ =	shalt  }
0x4b: {  	_ =	shalt  }
0x4c: {  	_ =	shalt  }
0x4d: {  	_ =	shalt  }
0x4e: {  	_ =	shalt  }
0x4f: {  	_ =	shalt  }
0x50: {  	_ =	shalt  }
0x51: {  	_ =	shalt  }
0x52: {  	_ =	shalt  }
0x53: {  	_ =	shalt  }
0x54: {  	_ =	shalt  }
0x55: {  	_ =	shalt  }
0x56: {  	_ =	shalt  }
0x57: {  	_ =	shalt  }
0x58: {  	_ =	shalt  }
0x59: {  	_ =	shalt  }
0x5a: {  	_ =	shalt  }
0x5b: {  	_ =	shalt  }
0x5c: {  	_ =	shalt  }
0x5d: {  	_ =	shalt  }
0x5e: {  	_ =	shalt  }
0x5f: {  	_ =	shalt  }
0x60: {  	_ =	shalt  }
0x61: {  	_ =	shalt  }
0x62: {  	_ =	shalt  }
0x63: {  	_ =	shalt  }
0x64: {  	_ =	shalt  }
0x65: {  	_ =	shalt  }
0x66: {  	_ =	shalt  }
0x67: {  	_ =	shalt  }
0x68: {  	_ =	shalt  }
0x69: {  	_ =	shalt  }
0x6a: {  	_ =	shalt  }
0x6b: {  	_ =	shalt  }
0x6c: {  	_ =	shalt  }
0x6d: {  	_ =	shalt  }
0x6e: {  	_ =	shalt  }
0x6f: {  	_ =	shalt  }
0x70: {  	_ =	shalt  }
0x71: {  	_ =	shalt  }
0x72: {  	_ =	shalt  }
0x73: {  	_ =	shalt  }
0x74: {  	_ =	shalt  }
0x75: {  	_ =	shalt  }
0x76: {  	_ =	shalt  }
0x77: {  	_ =	shalt  }
0x78: {  	_ =	shalt  }
0x79: {  	_ =	shalt  }
0x7a: {  	_ =	shalt  }
0x7b: {  	_ =	shalt  }
0x7c: {  	_ =	shalt  }
0x7d: {  	_ =	shalt  }
0x7e: {  	_ =	shalt  }
0x7f: {  	_ =	shalt  }
0x80: {  	_ =	shalt  }
0x81: {  	_ =	shalt  }
0x82: {  	_ =	shalt  }
0x83: {  	_ =	shalt  }
0x84: {  	_ =	shalt  }
0x85: {  	_ =	shalt  }
0x86: {  	_ =	shalt  }
0x87: {  	_ =	shalt  }
.Lfunc_end0:
.L_simem_size_0:
called_computation_lowered:
.L_overlay_start_0:
0x88: {  	s2 =	sld [smem:$0x3FD9]  }
0x89: {  	s3 =	sld [smem:$0x3FFE];
	_ =	sdelay $0x1  }
0x8a: {  	s1 =	srdreg.scid  }
0x8b: {  	s0 =	sand.u32 $0x1, s1  }
0x8c: {  	s16 =	sshll.u32 s0, $0xA;
	s2 =	sadd.s32 s3, s2  }
0x8d: {  	s2 =	sadd.s32 s2, s16  }
0x8e: {  	[smem:$0x3FBD] =	sst s2  }
0x8f: {  	_ = 	snop  }
0x90: {  	(tm) =	ssettm $0x1  }
0x91: {  	s17 =	sld [smem:$0x3FFB];
	_ =	sdelay $0x3  }
0x92: {  	_ =	strace s17  }
0x93: {  	s2 =	sld [smem:$0x3FFC];
	_ =	sdelay $0x3  }
0x94: {  	_ =	strace s2  }
0x95: {  	s2 =	sld [smem:$0x3FFD];
	_ =	sdelay $0x3  }
0x96: {  	_ =	strace s2  }
0x97: {  	_ =	strace $0x8FFFFFFF  }
0x98: {  	s18 =	sld [smem:$0x3FDB];
	_ =	sdelay $0x1  }
0x99: {  	s19 =	simm.s32 $_scs_section_size  }
0x9a: {  	s4 =	simm.s32 $_size__tile_overlayer_lowered;
	s5 =	simm.s32 $_tile_overlayer_lowered  }
0x9b: {  	s22 =	simm.s32 $0x1BFF;
	s21 =	sshll.u32 s5, $0x1;
	s2 =	sadd.s32 s19, s18  }
0x9c: {  	s6 =	simm.s32 $0x0;
	s20 =	sshll.u32 s4, $0x1;
	s4 =	sadd.s32 s21, s2  }
0x9d: {  	[timem:s6], [sflag:s22] =	dma.local [hbm:s4], s20  }
0x9e: {  	_ =	swait.ge [sflag:s22], s20  }
0x9f: {  	s3 =	ssub.s32 $0x0, s20;
	[sflag:s22] =	ssyncset.done $0x0  }
0xa0: {  	[sflag:s22] =	ssyncadd.s32 s3;
	_ =	sdelay $0x1  }
0xa1: {  	s23 =	simm.s32 $0x1B8B  }
0xa2: {  	_ =	swait.ge [sflag:s23], $0x1  }
0xa3: {  	[sflag:s23] =	ssyncset.done $0x0  }
0xa4: {  	s25 =	simm.s32 $0x1B8E;
	s24 =	sld [smem:$0x3FFE];
	[sflag:s23] =	ssyncadd.s32 $0xFFFFFFFF  }
0xa5: {  	s26 =	simm.s32 $execute0_lowered;
	[smem:$0x3FD2] =	sst s25  }
0xa6: {  	s4 =	sshll.u32 s26, $0x1;
	_ =	strace $0x80000046;
	[dreg:$0x1] =	wrdreg $0xFFFFFFFF  }
0xa7: {  	s28 =	simm.s32 $_size_execute0_lowered;
	s2 =	sadd.s32 s2, s4;
	[dreg:$0x0] =	wrdreg $0x0  }
0xa8: {  	s4 =	sshll.u32 s28, $0x1;
	[dreg:$0x2] =	wrdreg s2  }
0xa9: {  	[dreg:$0x3] =	wrdreg s4  }
0xaa: {  	[dreg:$0x4] =	wrdreg $0xC0  }
0xab: {  	_ =	task [dreg:s6], $0x5FFFF  }
0xac: {  	[dreg:$0x1] =	wrdreg $0xFFFFFFFF  }
0xad: {  	[dreg:$0x0] =	wrdreg $0x60  }
0xae: {  	[dreg:$0x2] =	wrdreg s24  }
0xaf: {  	[dreg:$0x3] =	wrdreg $0x92000  }
0xb0: {  	[dreg:$0x4] =	wrdreg $0x9  }
0xb1: {  	_ =	task.clear_ibuf [dreg:s6], $0x5FFFF;
	_ =	strace $0x90000046  }
0xb2: {  	s29 =	simm.s32 $0x9;
	_ =	strace $0x80000048  }
0xb3: {  	_ =	swait.ge [sflag:s29], $0x1  }
0xb4: {  	[sflag:s29] =	ssyncadd.s32 $0xFFFFFFFF  }
0xb5: {  	_ =	strace $0x90000048  }
0xb6: {  	_ =	sfence  }
0xb7: {  	s30 =	sld [smem:$0x0];
	_ =	sdelay $0x2  }
0xb8: {  	s31 =	sshll.u32 s1, $0xD;
	s1 =	sshrl.u32 s1, $0x2  }
0xb9: {  	s3 =	sand.u32 $0x4000, s31;
	s1 =	sadd.s32 s1, s30  }
0xba: {  	s0 =	sor.u32 s3, s0;
	s1 =	sshll.u32 s1, $0x11  }
0xbb: {  	s0 =	sor.u32 s1, s0  }
0xbc: {  	s0 =	sadd.s32 $0x8F2B, s0  }
0xbd: {  	[sflag:s0] =	ssyncadd.remote.s32 $0x1  }
0xbe: {  	_ =	sfence.sel $0xFFFF  }
0xbf: {  	[dreg:$0x0] =	wrdreg $0xFFFFFFFF;
	(pc) =	sbr.abs _section_cstart, $3  }
0xc0: {  	[dreg:$0x1] =	wrdreg $0xFFFFFFFF  }
0xc1: {  	_ =	task.clear_ibuf [dreg:s6], $0x2FFFF;
	_ =	strace $0x9FFFFFFF  }
0xc2: {  	(tm) =	ssettm $0x7FFFFFFF  }
0xc3: {  	_ =	shalt  }
tec
execute0_lowered:
.L_overlay_start_1:
0x0: {  	(tag) =	ssettag $0x1  }
0x1: {  	s0 =	rddreg [dreg:$0x0]  }
0x2: {  	s1 =	rddreg [dreg:$0x1]  }
0x3: {  	s2 =	srdreg.scid;
	s3 =	simm.s32 $0x0;
	s25 =	stileid.u32  }
0x4: {  	s16 =	simm.s32 $0x4000;
	s17 =	simm.s32 $0x5;
	s18 =	simm.s32 $0x1  }
0x5: {  	s19 =	simm.s32 $0x50;
	s20 =	simm.s32 $0x9000;
	s21 =	simm.s32 $0x9080  }
0x6: {  	s22 =	simm.s32 $0x6800;
	s23 =	simm.s32 $0x9100;
	s24 =	simm.s32 $0x3  }
0x7: {  	s28 =	simm.s32 $0x4;
	s29 =	simm.s32 $0x0;
	s5 =	sand.u32 $0x1, s2  }
0x8: {  	[smem:$0x7FF] =	sst s3;
	s7 =	smul.u32 $0x14000, s25;
	s8 =	sshll.u32 s25, $0xB  }
0x9: {  	s4 =	sadd.s32 $0x2200, s0;
	s9 =	smul.u32 $0x50000, s25;
	s25 =	simm.s32 $0x2  }
0xa: {  	s6 =	smul.u32 $0x140000, s5;
	_ =	strace $0x80000047;
	s26 =	ssub.s32 $0x2, s5  }
0xb: {  	s8 =	sadd.s32 s8, s0;
	s5 =	sshll.u32 s5, $0xF;
	s30 =	sshrl.u32 s26, $0x1  }
0xc: {  	s5 =	sadd.s32 s5, s8;
	s31 =	sshrl.u32 s9, $0x2;
	s6 =	sadd.s32 s7, s6  }
0xd: {  	s10 =	ssub.s32 s26, s30;
	s5 =	sadd.s32 $0x7A200, s5;
	s7 =	sadd.s32 s31, s1  }
0xe: {  	s26 =	simm.s32 $0x9180;
	s6 =	sshrl.u32 s6, $0x3;
	s8 =	smax.u32 s10, $0x1  }
0xf: {  	s9 =	sadd.s32 $0x2800, s7;
	s10 =	sadd.s32 $0x5000, s7;
	s11 =	sadd.s32 $0x7800, s7  }
0x10: {  	s12 =	sadd.s32 $0xA000, s7;
	s13 =	sadd.s32 $0xC800, s7;
	s0 =	sadd.s32 s6, s0  }
0x11: {  	v0 =	vimm.f32 $0.0e+00;
	s14 =	sadd.s32 $0xF000, s7;
	s15 =	sadd.s32 $0x11800, s7;
	s6 =	sadd.s32 $0x8A200, s0  }
.LBB2_1:
0x12: {  	[tilespmem:s3], [sflag:$0x1] =	stream.linear.gather [hbm4b:s5+s3], $0x3E80, $0x38;
	[tilespmem:$0x1D200] =	vst v63  }
0x13: {  	s0 =	sand.u32 $0xFE00, s3  }
0x14: {  	s31 =	sand.u32 $0x70, s3;
	s0 =	sshrl.u32 s0, $0x2  }
0x15: {  	s30 =	simm.s32 $0x40;
	s0 =	sor.u32 s31, s0;
	s31 =	simm.s32 $0x0  }
.LBB2_2:
0x16: {  	p0 =	sne.s32 s30, $0x9FC0  }
0x17: {  	[tilespmem:s0+$0x4000] =	vst v0;
	s31 =	sadd.s32 $0x10, s31;
	s0 =	smov.u32 s30;
	s30 =	sadd.s32 $0x40, s30  }
.Ltmp0:
0x18: {  	(pc) =	sbr.rel @p0 .LBB2_2-.Ltmp0, $4  }
0x19: {  	_ = 	snop  }
0x1a: {  	s0 =	sand.u32 $0xFE00, s0  }
0x1b: {  	s2 =	sand.u32 $0x70, s31;
	s0 =	sshrl.u32 s0, $0x2  }
0x1c: {  	s0 =	sor.u32 s2, s0  }
0x1d: {  	[tilespmem:s0+$0x4000] =	vst v0  }
0x1e: {  	[spmem:s7] =	stream.linear.scatter [tilespmem:s16], [sflag:$0x5], $0x2800, $0x38;
	[tilespmem:$0x1D200] =	vst v63  }
0x1f: {  	_ =	swait.ge [sflag:s17], $0x2800  }
0x20: {  	[sflag:s17] =	ssyncset.done $0x0  }
0x21: {  	[sflag:s17] =	ssyncadd.s32 $0xFFFFD800  }
0x22: {  	[spmem:s9] =	stream.linear.scatter [tilespmem:s16], [sflag:$0x5], $0x2800, $0x38;
	[tilespmem:$0x1D200] =	vst v63  }
0x23: {  	_ =	swait.ge [sflag:s17], $0x2800  }
0x24: {  	[sflag:s17] =	ssyncset.done $0x0  }
0x25: {  	[sflag:s17] =	ssyncadd.s32 $0xFFFFD800  }
0x26: {  	[spmem:s10] =	stream.linear.scatter [tilespmem:s16], [sflag:$0x5], $0x2800, $0x38;
	[tilespmem:$0x1D200] =	vst v63  }
0x27: {  	_ =	swait.ge [sflag:s17], $0x2800  }
0x28: {  	[sflag:s17] =	ssyncset.done $0x0  }
0x29: {  	[sflag:s17] =	ssyncadd.s32 $0xFFFFD800  }
0x2a: {  	[spmem:s11] =	stream.linear.scatter [tilespmem:s16], [sflag:$0x5], $0x2800, $0x38;
	[tilespmem:$0x1D200] =	vst v63  }
0x2b: {  	_ =	swait.ge [sflag:s17], $0x2800  }
0x2c: {  	[sflag:s17] =	ssyncset.done $0x0  }
0x2d: {  	[sflag:s17] =	ssyncadd.s32 $0xFFFFD800  }
0x2e: {  	[spmem:s12] =	stream.linear.scatter [tilespmem:s16], [sflag:$0x5], $0x2800, $0x38;
	[tilespmem:$0x1D200] =	vst v63  }
0x2f: {  	_ =	swait.ge [sflag:s17], $0x2800  }
0x30: {  	[sflag:s17] =	ssyncset.done $0x0  }
0x31: {  	[sflag:s17] =	ssyncadd.s32 $0xFFFFD800  }
0x32: {  	[spmem:s13] =	stream.linear.scatter [tilespmem:s16], [sflag:$0x5], $0x2800, $0x38;
	[tilespmem:$0x1D200] =	vst v63  }
0x33: {  	_ =	swait.ge [sflag:s17], $0x2800  }
0x34: {  	[sflag:s17] =	ssyncset.done $0x0  }
0x35: {  	[sflag:s17] =	ssyncadd.s32 $0xFFFFD800  }
0x36: {  	[spmem:s14] =	stream.linear.scatter [tilespmem:s16], [sflag:$0x5], $0x2800, $0x38;
	[tilespmem:$0x1D200] =	vst v63  }
0x37: {  	_ =	swait.ge [sflag:s17], $0x2800  }
0x38: {  	[sflag:s17] =	ssyncset.done $0x0  }
0x39: {  	[sflag:s17] =	ssyncadd.s32 $0xFFFFD800  }
0x3a: {  	[spmem:s15] =	stream.linear.scatter [tilespmem:s16], [sflag:$0x5], $0x2800, $0x38;
	[tilespmem:$0x1D200] =	vst v63  }
0x3b: {  	_ =	swait.ge [sflag:s17], $0x2800  }
0x3c: {  	[sflag:s17] =	ssyncset.done $0x0  }
0x3d: {  	[sflag:s17] =	ssyncadd.s32 $0xFFFFD800  }
0x3e: {  	_ =	swait.ge [sflag:s18], $0x3E80  }
0x3f: {  	[sflag:s18] =	ssyncset.done $0x0  }
0x40: {  	[sflag:s18] =	ssyncadd.s32 $0xFFFFC180  }
0x41: {  	v1 =	vld [tilespmem:$0x0];
	_ =	sdelay $0x1  }
0x42: {  	v2 =	vld [tilespmem:$0x10];
	_ =	sdelay $0x1  }
0x43: {  	v3 =	vld [tilespmem:$0x20]  }
0x44: {  	v4 =	vand.u32 $0xFFFF, v1  }
0x45: {  	v59 =	vld [tilespmem:$0x30];
	v1 =	vshrl.u32 v1, $0x10;
	[tilespmem:$0x9000] =	vst v4  }
0x46: {  	[tilespmem:$0x9100] =	vst v1;
	v1 =	vand.u32 $0xFFFF, v2  }
0x47: {  	[tilespmem:$0x9010] =	vst v1;
	v1 =	vshrl.u32 v2, $0x10;
	v2 =	vld [tilespmem:$0x40]  }
0x48: {  	[tilespmem:$0x9110] =	vst v1;
	v1 =	vand.u32 $0xFFFF, v3  }
0x49: {  	[tilespmem:$0x9020] =	vst v1;
	v1 =	vshrl.u32 v3, $0x10  }
0x4a: {  	[tilespmem:$0x9120] =	vst v1;
	v1 =	vand.u32 $0xFFFF, v59  }
0x4b: {  	[tilespmem:$0x9030] =	vst v1;
	v1 =	vshrl.u32 v59, $0x10  }
0x4c: {  	[tilespmem:$0x9130] =	vst v1;
	v1 =	vand.u32 $0xFFFF, v2  }
0x4d: {  	[tilespmem:$0x9040] =	vst v1;
	v1 =	vshrl.u32 v2, $0x10  }
0x4e: {  	[tilespmem:$0x9140] =	vst v1  }
0x4f: {  	[tilespmem:s16], [sflag:$0x1] =	stream.indirect.gather [hbm4b:s4+s19], $0x80, s20, s19, $0xb8;
	[tilespmem:$0x1D200] =	vst v63  }
0x50: {  	[bflag:$0x0] =	sbarrier.arrive $0xFFFF  }
0x51: {  	v1 =	vld [tilespmem:$0x80];
	_ =	sdelay $0x1  }
0x52: {  	v2 =	vld [tilespmem:$0x90];
	_ =	sdelay $0x1  }
0x53: {  	v3 =	vld [tilespmem:$0xA0]  }
0x54: {  	v60 =	vand.u32 $0xFFFF, v1  }
0x55: {  	v61 =	vld [tilespmem:$0xB0];
	v1 =	vshrl.u32 v1, $0x10;
	[tilespmem:$0x9080] =	vst v60  }
0x56: {  	[tilespmem:$0x9180] =	vst v1;
	v1 =	vand.u32 $0xFFFF, v2  }
0x57: {  	[tilespmem:$0x9090] =	vst v1;
	v1 =	vshrl.u32 v2, $0x10;
	v2 =	vld [tilespmem:$0xC0]  }
0x58: {  	[tilespmem:$0x9190] =	vst v1;
	v1 =	vand.u32 $0xFFFF, v3  }
0x59: {  	[tilespmem:$0x90A0] =	vst v1;
	v1 =	vshrl.u32 v3, $0x10  }
0x5a: {  	[tilespmem:$0x91A0] =	vst v1;
	v1 =	vand.u32 $0xFFFF, v61  }
0x5b: {  	[tilespmem:$0x90B0] =	vst v1;
	v1 =	vshrl.u32 v61, $0x10  }
0x5c: {  	[tilespmem:$0x91B0] =	vst v1;
	v1 =	vand.u32 $0xFFFF, v2  }
0x5d: {  	[tilespmem:$0x90C0] =	vst v1;
	v1 =	vshrl.u32 v2, $0x10  }
0x5e: {  	[tilespmem:$0x91C0] =	vst v1  }
0x5f: {  	[tilespmem:s22], [sflag:$0x2] =	stream.indirect.gather [hbm4b:s4+s19], $0x80, s21, s19, $0xb8;
	[tilespmem:$0x1D200] =	vst v63  }
0x60: {  	_ =	swait.ge [sflag:s18], $0x2800  }
0x61: {  	[sflag:s18] =	ssyncset.done $0x0  }
0x62: {  	[sflag:s18] =	ssyncadd.s32 $0xFFFFD800  }
0x63: {  	[spmem:s1] =	stream.indirect.scatter.add.f32 [tilespmem:s16], [sflag:$0x3], $0x80, s23, s19, $0xb8;
	[tilespmem:$0x1D200] =	vst v63  }
0x64: {  	_ =	swait.ge [sflag:s24], $0x2800  }
0x65: {  	[sflag:s24] =	ssyncset.done $0x0  }
0x66: {  	[sflag:s24] =	ssyncadd.s32 $0xFFFFD800  }
0x67: {  	v1 =	vld [tilespmem:$0x100];
	_ =	sdelay $0x1  }
0x68: {  	v2 =	vld [tilespmem:$0x110];
	_ =	sdelay $0x1  }
0x69: {  	v3 =	vld [tilespmem:$0x120]  }
0x6a: {  	v62 =	vand.u32 $0xFFFF, v1  }
0x6b: {  	v63 =	vld [tilespmem:$0x130];
	v1 =	vshrl.u32 v1, $0x10;
	[tilespmem:$0x9000] =	vst v62  }
0x6c: {  	[tilespmem:$0x9100] =	vst v1;
	v1 =	vand.u32 $0xFFFF, v2  }
0x6d: {  	[tilespmem:$0x9010] =	vst v1;
	v1 =	vshrl.u32 v2, $0x10;
	v2 =	vld [tilespmem:$0x140]  }
0x6e: {  	[tilespmem:$0x9110] =	vst v1;
	v1 =	vand.u32 $0xFFFF, v3  }
0x6f: {  	[tilespmem:$0x9020] =	vst v1;
	v1 =	vshrl.u32 v3, $0x10  }
0x70: {  	[tilespmem:$0x9120] =	vst v1;
	v1 =	vand.u32 $0xFFFF, v63  }
0x71: {  	[tilespmem:$0x9030] =	vst v1;
	v1 =	vshrl.u32 v63, $0x10  }
0x72: {  	[tilespmem:$0x9130] =	vst v1;
	v1 =	vand.u32 $0xFFFF, v2  }
0x73: {  	[tilespmem:$0x9040] =	vst v1;
	v1 =	vshrl.u32 v2, $0x10  }
0x74: {  	[tilespmem:$0x9140] =	vst v1  }
0x75: {  	[tilespmem:s16], [sflag:$0x1] =	stream.indirect.gather [hbm4b:s4+s19], $0x80, s20, s19, $0xb8;
	[tilespmem:$0x1D200] =	vst v63  }
0x76: {  	_ =	swait.ge [sflag:s25], $0x2800  }
0x77: {  	[sflag:s25] =	ssyncset.done $0x0  }
0x78: {  	[sflag:s25] =	ssyncadd.s32 $0xFFFFD800  }
0x79: {  	[spmem:s1] =	stream.indirect.scatter.add.f32 [tilespmem:s22], [sflag:$0x4], $0x80, s26, s19, $0xb8;
	[tilespmem:$0x1D200] =	vst v63  }
0x7a: {  	_ =	swait.ge [sflag:s28], $0x2800  }
0x7b: {  	[sflag:s28] =	ssyncset.done $0x0  }
0x7c: {  	s31 =	simm.s32 $0x240;
	[sflag:s28] =	ssyncadd.s32 $0xFFFFD800  }
0x7d: {  	v1 =	vld [tilespmem:s31+$0xFFFFFF40];
	_ =	sdelay $0x4  }
0x7e: {  	v2 =	vand.u32 $0xFFFF, v1  }
0x7f: {  	v1 =	vshrl.u32 v1, $0x10;
	[tilespmem:$0x9080] =	vst v2  }
0x80: {  	[tilespmem:$0x9180] =	vst v1  }
0x81: {  	v1 =	vld [tilespmem:s31+$0xFFFFFF50];
	_ =	sdelay $0x4  }
0x82: {  	v2 =	vand.u32 $0xFFFF, v1  }
0x83: {  	v1 =	vshrl.u32 v1, $0x10;
	[tilespmem:$0x9090] =	vst v2  }
0x84: {  	[tilespmem:$0x9190] =	vst v1  }
0x85: {  	v1 =	vld [tilespmem:s31+$0xFFFFFF60];
	_ =	sdelay $0x4  }
0x86: {  	v2 =	vand.u32 $0xFFFF, v1  }
0x87: {  	v1 =	vshrl.u32 v1, $0x10;
	[tilespmem:$0x90A0] =	vst v2  }
0x88: {  	[tilespmem:$0x91A0] =	vst v1  }
0x89: {  	v1 =	vld [tilespmem:s31+$0xFFFFFF70];
	_ =	sdelay $0x4  }
0x8a: {  	v2 =	vand.u32 $0xFFFF, v1  }
0x8b: {  	v1 =	vshrl.u32 v1, $0x10;
	[tilespmem:$0x90B0] =	vst v2  }
0x8c: {  	[tilespmem:$0x91B0] =	vst v1  }
0x8d: {  	v1 =	vld [tilespmem:s31+$0xFFFFFF80];
	_ =	sdelay $0x4  }
0x8e: {  	v2 =	vand.u32 $0xFFFF, v1  }
0x8f: {  	v1 =	vshrl.u32 v1, $0x10;
	[tilespmem:$0x90C0] =	vst v2  }
0x90: {  	[tilespmem:$0x91C0] =	vst v1  }
0x91: {  	[tilespmem:s22], [sflag:$0x2] =	stream.indirect.gather [hbm4b:s4+s19], $0x80, s21, s19, $0xb8;
	[tilespmem:$0x1D200] =	vst v63  }
0x92: {  	_ =	swait.ge [sflag:s18], $0x2800  }
0x93: {  	[sflag:s18] =	ssyncset.done $0x0  }
0x94: {  	[sflag:s18] =	ssyncadd.s32 $0xFFFFD800  }
0x95: {  	[spmem:s1] =	stream.indirect.scatter.add.f32 [tilespmem:s16], [sflag:$0x3], $0x80, s23, s19, $0xb8;
	[tilespmem:$0x1D200] =	vst v63  }
0x96: {  	_ =	swait.ge [sflag:s24], $0x2800  }
0x97: {  	[sflag:s24] =	ssyncset.done $0x0  }
0x98: {  	[sflag:s24] =	ssyncadd.s32 $0xFFFFD800  }
0x99: {  	v1 =	vld [tilespmem:s31+$0xFFFFFFC0];
	_ =	sdelay $0x4  }
0x9a: {  	v2 =	vand.u32 $0xFFFF, v1  }
0x9b: {  	v1 =	vshrl.u32 v1, $0x10;
	[tilespmem:$0x9000] =	vst v2  }
0x9c: {  	[tilespmem:$0x9100] =	vst v1  }
0x9d: {  	v1 =	vld [tilespmem:s31+$0xFFFFFFD0];
	_ =	sdelay $0x4  }
0x9e: {  	v2 =	vand.u32 $0xFFFF, v1  }
0x9f: {  	v1 =	vshrl.u32 v1, $0x10;
	[tilespmem:$0x9010] =	vst v2  }
0xa0: {  	[tilespmem:$0x9110] =	vst v1  }
0xa1: {  	v1 =	vld [tilespmem:s31+$0xFFFFFFE0];
	_ =	sdelay $0x4  }
0xa2: {  	v2 =	vand.u32 $0xFFFF, v1  }
0xa3: {  	v1 =	vshrl.u32 v1, $0x10;
	[tilespmem:$0x9020] =	vst v2  }
0xa4: {  	[tilespmem:$0x9120] =	vst v1  }
0xa5: {  	v1 =	vld [tilespmem:s31+$0xFFFFFFF0];
	_ =	sdelay $0x4  }
0xa6: {  	v2 =	vand.u32 $0xFFFF, v1  }
0xa7: {  	v1 =	vshrl.u32 v1, $0x10;
	[tilespmem:$0x9030] =	vst v2  }
0xa8: {  	[tilespmem:$0x9130] =	vst v1  }
0xa9: {  	s30 =	simm.s32 $0xD00;
	v1 =	vld [tilespmem:s31+$0x0]  }
.LBB2_4:
0xaa: {  	_ = 	snop  }
0xab: {  	p0 =	sne.s32 s30, $0xF900;
	s0 =	smov.u32 s30;
	s30 =	sadd.s32 $0x400, s30  }
0xac: {  	_ =	sdelay $0x1  }
0xad: {  	v2 =	vand.u32 $0xFFFF, v1;
	v1 =	vshrl.u32 v1, $0x10  }
0xae: {  	[tilespmem:$0x9040] =	vst v2  }
0xaf: {  	[tilespmem:$0x9140] =	vst v1  }
0xb0: {  	[tilespmem:s16], [sflag:$0x1] =	stream.indirect.gather [hbm4b:s4+s19], $0x80, s20, s19, $0xb8;
	[tilespmem:$0x1D200] =	vst v63  }
0xb1: {  	_ =	swait.ge [sflag:s25], $0x2800  }
0xb2: {  	[sflag:s25] =	ssyncset.done $0x0  }
0xb3: {  	[sflag:s25] =	ssyncadd.s32 $0xFFFFD800  }
0xb4: {  	[spmem:s1] =	stream.indirect.scatter.add.f32 [tilespmem:s22], [sflag:$0x4], $0x80, s26, s19, $0xb8;
	[tilespmem:$0x1D200] =	vst v63  }
0xb5: {  	_ =	swait.ge [sflag:s28], $0x2800  }
0xb6: {  	[sflag:s28] =	ssyncset.done $0x0  }
0xb7: {  	s31 =	sshra.s32 s0, $0x2;
	[sflag:s28] =	ssyncadd.s32 $0xFFFFD800  }
0xb8: {  	v1 =	vld [tilespmem:s31+$0xFFFFFF40];
	_ =	sdelay $0x4  }
0xb9: {  	v2 =	vand.u32 $0xFFFF, v1;
	v1 =	vshrl.u32 v1, $0x10  }
0xba: {  	[tilespmem:$0x9080] =	vst v2  }
0xbb: {  	[tilespmem:$0x9180] =	vst v1  }
0xbc: {  	v1 =	vld [tilespmem:s31+$0xFFFFFF50];
	_ =	sdelay $0x4  }
0xbd: {  	v2 =	vand.u32 $0xFFFF, v1;
	v1 =	vshrl.u32 v1, $0x10  }
0xbe: {  	[tilespmem:$0x9090] =	vst v2  }
0xbf: {  	[tilespmem:$0x9190] =	vst v1  }
0xc0: {  	v1 =	vld [tilespmem:s31+$0xFFFFFF60];
	_ =	sdelay $0x4  }
0xc1: {  	v2 =	vand.u32 $0xFFFF, v1;
	v1 =	vshrl.u32 v1, $0x10  }
0xc2: {  	[tilespmem:$0x90A0] =	vst v2  }
0xc3: {  	[tilespmem:$0x91A0] =	vst v1  }
0xc4: {  	v1 =	vld [tilespmem:s31+$0xFFFFFF70];
	_ =	sdelay $0x4  }
0xc5: {  	v2 =	vand.u32 $0xFFFF, v1;
	v1 =	vshrl.u32 v1, $0x10  }
0xc6: {  	[tilespmem:$0x90B0] =	vst v2  }
0xc7: {  	[tilespmem:$0x91B0] =	vst v1  }
0xc8: {  	v1 =	vld [tilespmem:s31+$0xFFFFFF80];
	_ =	sdelay $0x4  }
0xc9: {  	v2 =	vand.u32 $0xFFFF, v1;
	v1 =	vshrl.u32 v1, $0x10  }
0xca: {  	[tilespmem:$0x90C0] =	vst v2  }
0xcb: {  	[tilespmem:$0x91C0] =	vst v1  }
0xcc: {  	[tilespmem:s22], [sflag:$0x2] =	stream.indirect.gather [hbm4b:s4+s19], $0x80, s21, s19, $0xb8;
	[tilespmem:$0x1D200] =	vst v63  }
0xcd: {  	_ =	swait.ge [sflag:s18], $0x2800  }
0xce: {  	[sflag:s18] =	ssyncset.done $0x0  }
0xcf: {  	[sflag:s18] =	ssyncadd.s32 $0xFFFFD800  }
0xd0: {  	[spmem:s1] =	stream.indirect.scatter.add.f32 [tilespmem:s16], [sflag:$0x3], $0x80, s23, s19, $0xb8;
	[tilespmem:$0x1D200] =	vst v63  }
0xd1: {  	_ =	swait.ge [sflag:s24], $0x2800  }
0xd2: {  	[sflag:s24] =	ssyncset.done $0x0  }
0xd3: {  	[sflag:s24] =	ssyncadd.s32 $0xFFFFD800  }
0xd4: {  	v1 =	vld [tilespmem:s31+$0xFFFFFFC0];
	_ =	sdelay $0x4  }
0xd5: {  	v2 =	vand.u32 $0xFFFF, v1;
	v1 =	vshrl.u32 v1, $0x10  }
0xd6: {  	[tilespmem:$0x9000] =	vst v2  }
0xd7: {  	[tilespmem:$0x9100] =	vst v1  }
0xd8: {  	v1 =	vld [tilespmem:s31+$0xFFFFFFD0];
	_ =	sdelay $0x4  }
0xd9: {  	v2 =	vand.u32 $0xFFFF, v1;
	v1 =	vshrl.u32 v1, $0x10  }
0xda: {  	[tilespmem:$0x9010] =	vst v2  }
0xdb: {  	[tilespmem:$0x9110] =	vst v1  }
0xdc: {  	v1 =	vld [tilespmem:s31+$0xFFFFFFE0];
	_ =	sdelay $0x4  }
0xdd: {  	v2 =	vand.u32 $0xFFFF, v1;
	v1 =	vshrl.u32 v1, $0x10  }
0xde: {  	[tilespmem:$0x9020] =	vst v2  }
0xdf: {  	[tilespmem:$0x9120] =	vst v1  }
0xe0: {  	v1 =	vld [tilespmem:s31+$0xFFFFFFF0];
	_ =	sdelay $0x3  }
.Ltmp1:
0xe1: {  	(pc) =	sbr.rel @p0 .LBB2_4-.Ltmp1, $4  }
0xe2: {  	v2 =	vand.u32 $0xFFFF, v1;
	v1 =	vshrl.u32 v1, $0x10  }
0xe3: {  	[tilespmem:$0x9030] =	vst v2  }
0xe4: {  	[tilespmem:$0x9130] =	vst v1  }
0xe5: {  	v1 =	vld [tilespmem:s31+$0x0]  }
0xe6: {  	_ =	sdelay $0x3  }
0xe7: {  	v2 =	vand.u32 $0xFFFF, v1  }
0xe8: {  	v1 =	vshrl.u32 v1, $0x10;
	[tilespmem:$0x9040] =	vst v2  }
0xe9: {  	[tilespmem:$0x9140] =	vst v1  }
0xea: {  	[tilespmem:s16], [sflag:$0x1] =	stream.indirect.gather [hbm4b:s4+s19], $0x80, s20, s19, $0xb8;
	[tilespmem:$0x1D200] =	vst v63  }
0xeb: {  	_ =	swait.ge [sflag:s25], $0x2800  }
0xec: {  	[sflag:s25] =	ssyncset.done $0x0  }
0xed: {  	[sflag:s25] =	ssyncadd.s32 $0xFFFFD800  }
0xee: {  	[spmem:s1] =	stream.indirect.scatter.add.f32 [tilespmem:s22], [sflag:$0x4], $0x80, s26, s19, $0xb8;
	[tilespmem:$0x1D200] =	vst v63  }
0xef: {  	_ =	swait.ge [sflag:s18], $0x2800  }
0xf0: {  	[sflag:s18] =	ssyncset.done $0x0  }
0xf1: {  	[sflag:s18] =	ssyncadd.s32 $0xFFFFD800  }
0xf2: {  	[spmem:s1] =	stream.indirect.scatter.add.f32 [tilespmem:s16], [sflag:$0x3], $0x80, s23, s19, $0xb8;
	[tilespmem:$0x1D200] =	vst v63  }
0xf3: {  	_ =	swait.ge [sflag:s28], $0x2800  }
0xf4: {  	[sflag:s28] =	ssyncset.done $0x0  }
0xf5: {  	[sflag:s28] =	ssyncadd.s32 $0xFFFFD800  }
0xf6: {  	s0 =	stileid.u32;
	_ =	swait.ge [sflag:s24], $0x2800  }
0xf7: {  	s2 =	sshrl.u32 s7, $0x3;
	s29 =	sadd.s32 $0x1, s29;
	[sflag:s24] =	ssyncset.done $0x0  }
0xf8: {  	s0 =	sshll.u32 s0, $0x6;
	p0 =	sne.s32 s29, s8;
	[sflag:s24] =	ssyncadd.s32 $0xFFFFD800  }
.Ltmp2:
0xf9: {  	s0 =	sor.u32 $0x1C05, s0;
	[bflag:$0x0] =	sbarrier.arrive $0xFFFF;
	(pc) =	sbr.rel @p0 .LBB2_1-.Ltmp2, $4  }
0xfa: {  	[hbm:s6], [sflag:s0] =	dma.local [spmem:s2], $0x2800  }
0xfb: {  	_ =	swait.ge [sflag:s17], $0x2800  }
0xfc: {  	[sflag:s17] =	ssyncset.done $0x0  }
0xfd: {  	[sflag:s17] =	ssyncadd.s32 $0xFFFFD800  }
0xfe: {  	_ =	sfence.sel $0x180000  }
0xff: {  	[bflag:$0x0] =	sbarrier.arrive $0xFFFF  }
0x100: {  	_ =	strace $0x90000047  }
0x101: {  	s0 =	stileid.u32;
	[bflag:$0x2] =	sbarrier.arrive $0xFFFF  }
0x102: {  	p0 =	sne.s32 s0, $0x0;
	s0 =	rddreg [dreg:$0x2]  }
0x103: {  	s0 =	sadd.s32 @!p0 $0x100000, s0  }
0x104: {  	[sflag:s0] =	ssyncadd.tile.s32 @!p0 $0x1;
	_ =	shalt  }
.Lfunc_end2:
_tile_overlayer_lowered:
.L_overlay_start_2:
0x105: {  	(tag) =	ssettag $0x2  }
0x106: {  	s0 =	rddreg [dreg:$0x0];
	s2 =	stileid.u32  }
0x107: {  	s1 =	rddreg [dreg:$0x1];
	p0 =	sne.s32 s2, $0x0  }
0x108: {  	s3 =	rddreg [dreg:$0x2];
	[bflag:$0x3] =	sbarrier.arrive $0xFFFF;
	s2 =	simm.s32 @!p0 $0x1C05  }
0x109: {  	[timem:s3], [sflag:s2] =	dma.local @!p0 [hbm:s0], s1  }
0x10a: {  	s0 =	simm.s32 @!p0 $0x5  }
0x10b: {  	_ =	swait.ge @!p0 [sflag:s0], s1  }
0x10c: {  	s1 =	ssub.s32 @!p0 $0x0, s1;
	[sflag:s0] =	ssyncset.done @!p0 $0x0  }
0x10d: {  	[sflag:s0] =	ssyncadd.s32 @!p0 s1  }
0x10e: {  	[bflag:$0x3] =	sbarrier.arrive $0xFFFF  }
0x10f: {  	_ =	shalt  }

</sc_bundles>
